<compile_context>
chip_gen: v7x
topology: tpu7x:2x2x1
jax: 0.10.2.dev20260603
libtpu: 0.0.44.dev20260713+nightly
codegen_flags: <defaults>
</compile_context>

<pallas_src>
import functools

import jax
import jax.numpy as jnp
from jax import lax
from jax.experimental import pallas as pl
from jax.experimental.pallas import tpu as pltpu
from jax.experimental.pallas import tpu_sc as plsc

N = 10000
E = 320000
D = 128
H = 128
K = 4
C = 16

_NC = 2
_NS = 16
_NW = _NC * _NS
_EPT = E // _NW
_CH = 125
_NCH = _EPT // _CH
_RPT = N // _NS


@functools.lru_cache(maxsize=None)
def _sc_degree_kernel():
    mesh = plsc.VectorSubcoreMesh(core_axis_name="c", subcore_axis_name="s")
    return functools.partial(
        pl.kernel,
        out_type=jax.ShapeDtypeStruct((_NC, N, 16), jnp.float32),
        mesh=mesh,
        scratch_types=[
            pltpu.VMEM((_NCH, _CH), jnp.int32),
            pltpu.VMEM((_CH, 16), jnp.float32),
            pltpu.VMEM_SHARED((N, 16), jnp.float32),
            pltpu.SemaphoreType.DMA,
        ],
        compiler_params=pltpu.CompilerParams(use_tc_tiling_on_sc=False),
    )(_sc_degree_body)


def _sc_degree(eidx4, ones16, z16):
    return _sc_degree_kernel()(eidx4, ones16, z16)


def _sc_degree_body(eidx_hbm, ones_hbm, zrows_hbm, out_hbm, colv, onesv, acc, sem):
    cid = lax.axis_index("c")
    sid = lax.axis_index("s")
    wid = cid * _NS + sid
    pltpu.sync_copy(eidx_hbm.at[1, wid], colv)
    pltpu.sync_copy(ones_hbm, onesv)
    pltpu.sync_copy(zrows_hbm, acc.at[pl.ds(sid * _RPT, _RPT)])
    plsc.subcore_barrier()

    def body(j, carry):
        pltpu.sync_copy(onesv, acc.at[colv.at[j]], add=True)
        return carry

    lax.fori_loop(0, _NCH, body, 0)
    plsc.subcore_barrier()
    pltpu.sync_copy(acc.at[pl.ds(sid * _RPT, _RPT)],
                    out_hbm.at[cid, pl.ds(sid * _RPT, _RPT)])


@functools.lru_cache(maxsize=None)
def _sc_conv_kernel():
    mesh = plsc.VectorSubcoreMesh(core_axis_name="c", subcore_axis_name="s")
    return functools.partial(
        pl.kernel,
        out_type=jax.ShapeDtypeStruct((_NC, N, H), jnp.bfloat16),
        mesh=mesh,
        scratch_types=[
            pltpu.VMEM((_NCH // 2, _CH), jnp.int32),
            pltpu.VMEM((_NCH // 2, _CH), jnp.int32),
            pltpu.VMEM((2, _CH, H), jnp.bfloat16),
            pltpu.VMEM_SHARED((N, H), jnp.bfloat16),
            pltpu.SemaphoreType.DMA,
            pltpu.SemaphoreType.DMA,
        ],
        compiler_params=pltpu.CompilerParams(use_tc_tiling_on_sc=False),
    )(_sc_conv_body)


def _sc_conv(xs, eidx4, zH):
    return _sc_conv_kernel()(xs, eidx4, zH)


def _sc_conv_body(xs_hbm, eidx_hbm, zrows_hbm, out_hbm,
                  rowv, colv, gbuf, acc, sem0, sem1):
    cid = lax.axis_index("c")
    sid = lax.axis_index("s")
    wid = cid * _NS + sid
    nh = _NCH // 2
    sems = (sem0, sem1)
    pltpu.sync_copy(eidx_hbm.at[0, wid, pl.ds(0, nh)], rowv)
    pltpu.sync_copy(eidx_hbm.at[1, wid, pl.ds(0, nh)], colv)
    pltpu.async_copy(xs_hbm.at[rowv.at[0]], gbuf.at[0], sem0)
    pltpu.async_copy(xs_hbm.at[rowv.at[1]], gbuf.at[1], sem1)
    pltpu.sync_copy(zrows_hbm, acc.at[pl.ds(sid * _RPT, _RPT)])
    plsc.subcore_barrier()

    for half in range(2):
        if half:
            pltpu.sync_copy(eidx_hbm.at[0, wid, pl.ds(half * nh, nh)], rowv)
            pltpu.sync_copy(eidx_hbm.at[1, wid, pl.ds(half * nh, nh)], colv)
            pltpu.async_copy(xs_hbm.at[rowv.at[0]], gbuf.at[0], sem0)
            pltpu.async_copy(xs_hbm.at[rowv.at[1]], gbuf.at[1], sem1)

        def body(jj, carry):
            for b in range(2):
                j = jj * 2 + b
                pltpu.make_async_copy(xs_hbm.at[rowv.at[j]], gbuf.at[b],
                                      sems[b]).wait()
                pltpu.sync_copy(gbuf.at[b], acc.at[colv.at[j]], add=True)

                @pl.when(j + 2 < nh)
                def _():
                    pltpu.async_copy(xs_hbm.at[rowv.at[j + 2]], gbuf.at[b],
                                     sems[b])
            return carry

        lax.fori_loop(0, nh // 2, body, 0)
    plsc.subcore_barrier()
    pltpu.sync_copy(acc.at[pl.ds(sid * _RPT, _RPT)],
                    out_hbm.at[cid, pl.ds(sid * _RPT, _RPT)])



_BLK = 2000
_GRID = N // _BLK


def _dis_from_parts(dp):
    deg = dp[0, :, 0:1] + dp[1, :, 0:1]
    return jnp.where(deg > 0, lax.rsqrt(deg), 0.0)


def _chunk_sum(pr):
    return pr[:, 0:128] + pr[:, 128:256] + pr[:, 256:384] + pr[:, 384:512]


def _tc_h_body(x_ref, w_ref, b_ref, h_ref):
    h_ref[...] = jnp.maximum(x_ref[...] @ w_ref[...] + b_ref[...], 0.0)


def _softmax_pad(h, ewp, ebp):
    logits = h @ ewp + ebp
    m = jnp.max(logits, axis=-1, keepdims=True)
    p = jnp.exp(logits - m)
    return p / jnp.sum(p, axis=-1, keepdims=True)


def _tc_self_body(h_ref, dp_ref, ewp_ref, ebp_ref, wb_ref, s_ref,
                  xs_ref, sp_ref):
    h = h_ref[...]
    dis = _dis_from_parts(dp_ref[...])
    e = _softmax_pad(h, ewp_ref[...], ebp_ref[...])
    pb = (h @ wb_ref[...]) * (e @ s_ref[...])
    xs_ref[...] = (h * dis).astype(jnp.bfloat16)
    sp_ref[...] = _chunk_sum(pb) + h


def _agg_mix(agg_ref, dp_ref, h_ref, ewp_ref, ebp_ref, wa_ref, s_ref,
             sp_ref):
    agg = agg_ref[...].astype(jnp.float32)
    dis = _dis_from_parts(dp_ref[...])
    hi = (agg[0] + agg[1]) * dis
    e = _softmax_pad(h_ref[...], ewp_ref[...], ebp_ref[...])
    pa = (hi @ wa_ref[...]) * (e @ s_ref[...])
    return jnp.maximum(_chunk_sum(pa) + sp_ref[...], 0.0), dis


def _tc_post_body(agg_ref, dp_ref, h_ref, ewp_ref, ebp_ref, wa_ref, s_ref,
                  sp_ref, hn_ref, xs_ref):
    hn, dis = _agg_mix(agg_ref, dp_ref, h_ref, ewp_ref, ebp_ref, wa_ref,
                       s_ref, sp_ref)
    hn_ref[...] = hn
    xs_ref[...] = (hn * dis).astype(jnp.bfloat16)


def _tc_postf_body(agg_ref, dp_ref, h_ref, ewp_ref, ebp_ref, wa_ref, s_ref,
                   sp_ref, wo_ref, bo_ref, out_ref):
    hn, _ = _agg_mix(agg_ref, dp_ref, h_ref, ewp_ref, ebp_ref, wa_ref,
                     s_ref, sp_ref)
    out_ref[...] = hn @ wo_ref[...] + bo_ref[...]


_row_spec = pl.BlockSpec((_BLK, H), lambda i: (i, 0))
_dp_spec = pl.BlockSpec((2, _BLK, 16), lambda i: (0, i, 0))
_agg_spec = pl.BlockSpec((2, _BLK, H), lambda i: (0, i, 0))
_w_spec = pl.BlockSpec((H, H), lambda i: (0, 0))
_b_spec = pl.BlockSpec((1, H), lambda i: (0, 0))
_wcat_spec = pl.BlockSpec((H, K * H), lambda i: (0, 0))
_nh_shape = jax.ShapeDtypeStruct((N, H), jnp.float32)
_xs_bshape = jax.ShapeDtypeStruct((N, H), jnp.bfloat16)


def _tc_h(x, w, b2):
    return pl.pallas_call(
        _tc_h_body,
        grid=(_GRID,),
        in_specs=[_row_spec, _w_spec, _b_spec],
        out_specs=_row_spec,
        out_shape=_nh_shape,
    )(x, w, b2)


def _tc_self(h, dp, ewp, ebp, wb, s):
    return pl.pallas_call(
        _tc_self_body,
        grid=(_GRID,),
        in_specs=[_row_spec, _dp_spec, _w_spec, _b_spec, _wcat_spec,
                  _wcat_spec],
        out_specs=[_row_spec] * 2,
        out_shape=[_xs_bshape, _nh_shape],
    )(h, dp, ewp, ebp, wb, s)


def _tc_post(agg, dp, h, ewp, ebp, wa, s, sp):
    return pl.pallas_call(
        _tc_post_body,
        grid=(_GRID,),
        in_specs=[_agg_spec, _dp_spec, _row_spec, _w_spec, _b_spec,
                  _wcat_spec, _wcat_spec, _row_spec],
        out_specs=[_row_spec] * 2,
        out_shape=[_nh_shape, _xs_bshape],
    )(agg, dp, h, ewp, ebp, wa, s, sp)


def _tc_postf(agg, dp, h, ewp, ebp, wa, s, sp, wo, bo):
    return pl.pallas_call(
        _tc_postf_body,
        grid=(_GRID,),
        in_specs=[_agg_spec, _dp_spec, _row_spec, _w_spec, _b_spec,
                  _wcat_spec, _wcat_spec, _row_spec, _w_spec, _b_spec],
        out_specs=_row_spec,
        out_shape=_nh_shape,
    )(agg, dp, h, ewp, ebp, wa, s, sp, wo, bo)



def _pad_env(env_W, env_b):
    ewp = jnp.zeros((H, H), jnp.float32).at[:, :K].set(env_W)
    ebp = jnp.full((1, H), -1e30, jnp.float32).at[0, :K].set(env_b)
    return ewp, ebp


def kernel(x, edge_index, W_in, b_in, env_W1, env_b1, conv_W1,
           env_W2, env_b2, conv_W2, W_out, b_out):
    eidx4 = edge_index.reshape(2, _NW, _NCH, _CH)
    ones16 = jnp.ones((_CH, 16), jnp.float32)
    z16 = jnp.zeros((_RPT, 16), jnp.float32)
    zH = jnp.zeros((_RPT, H), jnp.bfloat16)

    dp = _sc_degree(eidx4, ones16, z16)

    ewp1, ebp1 = _pad_env(env_W1, env_b1)
    ewp2, ebp2 = _pad_env(env_W2, env_b2)
    wa1 = jnp.transpose(conv_W1[:, :H, :], (1, 0, 2)).reshape(H, K * H)
    wb1 = jnp.transpose(conv_W1[:, H:, :], (1, 0, 2)).reshape(H, K * H)
    wa2 = jnp.transpose(conv_W2[:, :H, :], (1, 0, 2)).reshape(H, K * H)
    wb2 = jnp.transpose(conv_W2[:, H:, :], (1, 0, 2)).reshape(H, K * H)
    sel = jnp.concatenate(
        [jnp.kron(jnp.eye(K, dtype=jnp.float32), jnp.ones((1, H), jnp.float32)),
         jnp.zeros((H - K, K * H), jnp.float32)], axis=0)
    wo = jnp.zeros((H, H), jnp.float32).at[:, :C].set(W_out)
    bo = jnp.zeros((1, H), jnp.float32).at[0, :C].set(b_out)

    h1 = _tc_h(x, W_in, b_in.reshape(1, H))
    xs1, sp1 = _tc_self(h1, dp, ewp1, ebp1, wb1, sel)
    agg1 = _sc_conv(xs1, eidx4, zH)
    h2, xs2 = _tc_post(agg1, dp, h1, ewp1, ebp1, wa1, sel, sp1)
    agg2 = _sc_conv(xs2, eidx4, zH)
    _, sp2 = _tc_self(h2, dp, ewp2, ebp2, wb2, sel)
    out_pad = _tc_postf(agg2, dp, h2, ewp2, ebp2, wa2, sel, sp2, wo, bo)
    return out_pad[:, :C]

# --- scband reference (transcript-rebuilt; emitter-appended) ---
"""Pipeline reference for scband-ca-net-12970801234197 (READ-ONLY COPY).

The authoritative reference and input builder live on the scoring server;
editing this copy changes nothing except your own understanding.
"""

import jax, jax.numpy as jnp
import numpy as np

N = 10000
E = 320000
D = 128
H = 128
K = 4
C = 16

def _gcn_conv(x, edge_index):
    n = x.shape[0]
    row = edge_index[0]
    col = edge_index[1]
    deg = jnp.zeros((n,), jnp.float32).at[col].add(1.0)
    d_inv_sqrt = jnp.where(deg > 0, 1.0 / jnp.sqrt(deg), 0.0)
    value = d_inv_sqrt[col] * d_inv_sqrt[row]
    msg = value[:, None] * x[row]
    return jnp.zeros_like(x).at[col].add(msg)

def _layer(h, edge_index, env_W, env_b, conv_W):
    # environment estimator (env_type='node', inference path -> plain softmax)
    logit = h @ env_W + env_b
    e = jax.nn.softmax(logit, axis=-1)
    # mixture-of-expert GCN conv
    hi = _gcn_conv(h, edge_index)
    hi = jnp.concatenate([hi, h], axis=1)            # [N, 2H]
    outs = jnp.einsum('nd,kdo->nko', hi, conv_W)     # [N, K, H]
    out = jnp.sum(e[:, :, None] * outs, axis=1) + h  # residual
    return jax.nn.relu(out)

def setup_inputs(seed: int = 0):
    key = jax.random.key(seed)
    ks = jax.random.split(key, 12)
    stdv = 1.0 / np.sqrt(H)
    stdc = 1.0 / np.sqrt(C)
    u = lambda k, shape, s: jax.random.uniform(k, shape, jnp.float32, -s, s)
    return {
        "x": jax.random.normal(ks[0], (N, D), jnp.float32),
        "edge_index": jax.random.randint(ks[1], (2, E), 0, N, dtype=jnp.int32),
        "W_in": u(ks[2], (D, H), stdv),
        "b_in": u(ks[3], (H,), stdv),
        "env_W1": u(ks[4], (H, K), stdv),
        "env_b1": u(ks[5], (K,), stdv),
        "conv_W1": u(ks[6], (K, 2 * H, H), stdv),
        "env_W2": u(ks[7], (H, K), stdv),
        "env_b2": u(ks[8], (K,), stdv),
        "conv_W2": u(ks[9], (K, 2 * H, H), stdv),
        "W_out": u(ks[10], (H, C), stdc),
        "b_out": u(ks[11], (C,), stdc),
    }

def reference(x, edge_index, W_in, b_in, env_W1, env_b1, conv_W1, env_W2, env_b2, conv_W2, W_out, b_out):
    # CaNet.forward with training=False, dropout=0 (no-op)
    h = jax.nn.relu(x @ W_in + b_in)
    h = _layer(h, edge_index, env_W1, env_b1, conv_W1)
    h = _layer(h, edge_index, env_W2, env_b2, conv_W2)
    return h @ W_out + b_out

if __name__ == "__main__":
    import jax
    _d = setup_inputs()
    print(jax.jit(kernel)(*tuple(_d.values())))

</pallas_src>

<mosaic_0001>
#map = affine_map<(d0, d1) -> (0, 0)>
#map1 = affine_map<(d0, d1) -> (0, 0, 0, 0)>
#map2 = affine_map<(d0, d1) -> (0, 0, 0)>
module attributes {stable_mosaic.version = 14 : i64} {
  func.func @_sc_conv_body(%arg0: i32, %arg1: i32, %arg2: memref<10000x128xbf16, #tpu.memory_space<hbm>>, %arg3: memref<2x32x80x125xi32, #tpu.memory_space<hbm>>, %arg4: memref<625x128xbf16, #tpu.memory_space<hbm>>, %arg5: memref<2x10000x128xbf16, #tpu.memory_space<hbm>>, %arg6: memref<40x125xi32, #tpu.memory_space<vmem>>, %arg7: memref<40x125xi32, #tpu.memory_space<vmem>>, %arg8: memref<2x125x128xbf16, #tpu.memory_space<vmem>>, %arg9: memref<10000x128xbf16, #tpu.memory_space<vmem_shared>>, %arg10: memref<!tpu.dma_semaphore, #tpu.memory_space<semaphore_mem>>, %arg11: memref<!tpu.dma_semaphore, #tpu.memory_space<semaphore_mem>>) attributes {dimension_semantics = [#tpu.dimension_semantics<core_parallel>, #tpu.dimension_semantics<subcore_parallel>], iteration_bounds = array<i64: 2, 16>, scalar_prefetch = 0 : i64, scratch_operands = 6 : i64, tpu.core_type = #tpu.core_type<sc_vector_subcore>, window_params = [{transform_indices = #map}, {transform_indices = #map1}, {transform_indices = #map}, {transform_indices = #map2}]} {
    %mul3A = arith.constant 16 : i32
    %mul3A_0 = arith.muli %arg0, %mul3A : i32
    %add3A = arith.addi %mul3A_0, %arg1 : i32
    %run_scoped3A = arith.constant 0 : i32
    "tpu.region"() ({
      %run_scoped3A_69 = tpu.sem_alloc : memref<!tpu.dma_semaphore, #tpu.memory_space<semaphore_mem>>
      %dma_start3A_70 = arith.constant 0 : i32
      %dma_start3A_71 = arith.constant 0 : i32
      %dma_start3A_72 = tpu.memref_slice %arg3[%run_scoped3A, %add3A, %dma_start3A_70, %dma_start3A_71] : memref<2x32x80x125xi32, #tpu.memory_space<hbm>> -> memref<1x1x40x125xi32, #tpu.memory_space<hbm>>
      %dma_start3A_73 = tpu.memref_squeeze %dma_start3A_72 : memref<1x1x40x125xi32, #tpu.memory_space<hbm>> -> memref<40x125xi32, #tpu.memory_space<hbm>>
      %dma_start3A_74 = arith.constant 0 : i32
      %dma_start3A_75 = arith.constant 0 : i32
      %dma_start3A_76 = tpu.memref_slice %arg3[%run_scoped3A, %add3A, %dma_start3A_74, %dma_start3A_75] : memref<2x32x80x125xi32, #tpu.memory_space<hbm>> -> memref<1x1x40x125xi32, #tpu.memory_space<hbm>>
      %dma_start3A_77 = tpu.memref_squeeze %dma_start3A_76 : memref<1x1x40x125xi32, #tpu.memory_space<hbm>> -> memref<40x125xi32, #tpu.memory_space<hbm>>
      tpu.enqueue_dma source(%dma_start3A_77 : memref<40x125xi32, #tpu.memory_space<hbm>>) target(%arg6 : memref<40x125xi32, #tpu.memory_space<vmem>>) target_semaphore(%run_scoped3A_69 : memref<!tpu.dma_semaphore, #tpu.memory_space<semaphore_mem>>)
      %dma_wait3A = arith.constant 0 : i32
      %dma_wait3A_78 = arith.constant 0 : i32
      %dma_wait3A_79 = tpu.memref_slice %arg3[%run_scoped3A, %add3A, %dma_wait3A, %dma_wait3A_78] : memref<2x32x80x125xi32, #tpu.memory_space<hbm>> -> memref<1x1x40x125xi32, #tpu.memory_space<hbm>>
      %dma_wait3A_80 = tpu.memref_squeeze %dma_wait3A_79 : memref<1x1x40x125xi32, #tpu.memory_space<hbm>> -> memref<40x125xi32, #tpu.memory_space<hbm>>
      %dma_wait3A_81 = arith.constant 0 : i32
      %dma_wait3A_82 = arith.constant 0 : i32
      %dma_wait3A_83 = tpu.memref_slice %arg3[%run_scoped3A, %add3A, %dma_wait3A_81, %dma_wait3A_82] : memref<2x32x80x125xi32, #tpu.memory_space<hbm>> -> memref<1x1x40x125xi32, #tpu.memory_space<hbm>>
      %dma_wait3A_84 = tpu.memref_squeeze %dma_wait3A_83 : memref<1x1x40x125xi32, #tpu.memory_space<hbm>> -> memref<40x125xi32, #tpu.memory_space<hbm>>
      tpu.wait_dma2 semaphore(%run_scoped3A_69 : memref<!tpu.dma_semaphore, #tpu.memory_space<semaphore_mem>>) src(%dma_wait3A_84 : memref<40x125xi32, #tpu.memory_space<hbm>>) dst(%arg6 : memref<40x125xi32, #tpu.memory_space<vmem>>)
      tpu.yield
    }) : () -> ()
    %run_scoped3A_1 = arith.constant 1 : i32
    "tpu.region"() ({
      %run_scoped3A_69 = tpu.sem_alloc : memref<!tpu.dma_semaphore, #tpu.memory_space<semaphore_mem>>
      %dma_start3A_70 = arith.constant 0 : i32
      %dma_start3A_71 = arith.constant 0 : i32
      %dma_start3A_72 = tpu.memref_slice %arg3[%run_scoped3A_1, %add3A, %dma_start3A_70, %dma_start3A_71] : memref<2x32x80x125xi32, #tpu.memory_space<hbm>> -> memref<1x1x40x125xi32, #tpu.memory_space<hbm>>
      %dma_start3A_73 = tpu.memref_squeeze %dma_start3A_72 : memref<1x1x40x125xi32, #tpu.memory_space<hbm>> -> memref<40x125xi32, #tpu.memory_space<hbm>>
      %dma_start3A_74 = arith.constant 0 : i32
      %dma_start3A_75 = arith.constant 0 : i32
      %dma_start3A_76 = tpu.memref_slice %arg3[%run_scoped3A_1, %add3A, %dma_start3A_74, %dma_start3A_75] : memref<2x32x80x125xi32, #tpu.memory_space<hbm>> -> memref<1x1x40x125xi32, #tpu.memory_space<hbm>>
      %dma_start3A_77 = tpu.memref_squeeze %dma_start3A_76 : memref<1x1x40x125xi32, #tpu.memory_space<hbm>> -> memref<40x125xi32, #tpu.memory_space<hbm>>
      tpu.enqueue_dma source(%dma_start3A_77 : memref<40x125xi32, #tpu.memory_space<hbm>>) target(%arg7 : memref<40x125xi32, #tpu.memory_space<vmem>>) target_semaphore(%run_scoped3A_69 : memref<!tpu.dma_semaphore, #tpu.memory_space<semaphore_mem>>)
      %dma_wait3A = arith.constant 0 : i32
      %dma_wait3A_78 = arith.constant 0 : i32
      %dma_wait3A_79 = tpu.memref_slice %arg3[%run_scoped3A_1, %add3A, %dma_wait3A, %dma_wait3A_78] : memref<2x32x80x125xi32, #tpu.memory_space<hbm>> -> memref<1x1x40x125xi32, #tpu.memory_space<hbm>>
      %dma_wait3A_80 = tpu.memref_squeeze %dma_wait3A_79 : memref<1x1x40x125xi32, #tpu.memory_space<hbm>> -> memref<40x125xi32, #tpu.memory_space<hbm>>
      %dma_wait3A_81 = arith.constant 0 : i32
      %dma_wait3A_82 = arith.constant 0 : i32
      %dma_wait3A_83 = tpu.memref_slice %arg3[%run_scoped3A_1, %add3A, %dma_wait3A_81, %dma_wait3A_82] : memref<2x32x80x125xi32, #tpu.memory_space<hbm>> -> memref<1x1x40x125xi32, #tpu.memory_space<hbm>>
      %dma_wait3A_84 = tpu.memref_squeeze %dma_wait3A_83 : memref<1x1x40x125xi32, #tpu.memory_space<hbm>> -> memref<40x125xi32, #tpu.memory_space<hbm>>
      tpu.wait_dma2 semaphore(%run_scoped3A_69 : memref<!tpu.dma_semaphore, #tpu.memory_space<semaphore_mem>>) src(%dma_wait3A_84 : memref<40x125xi32, #tpu.memory_space<hbm>>) dst(%arg7 : memref<40x125xi32, #tpu.memory_space<vmem>>)
      tpu.yield
    }) : () -> ()
    %dma_start3A = arith.constant 0 : i32
    %dma_start3A_2 = arith.constant 0 : i32
    %dma_start3A_3 = arith.constant 0 : i32
    %dma_start3A_4 = arith.constant 0 : i32
    %dma_start3A_5 = tpu.memref_slice %arg8[%dma_start3A_2, %dma_start3A_3, %dma_start3A_4] : memref<2x125x128xbf16, #tpu.memory_space<vmem>> -> memref<1x125x128xbf16, #tpu.memory_space<vmem>>
    %dma_start3A_6 = tpu.memref_squeeze %dma_start3A_5 : memref<1x125x128xbf16, #tpu.memory_space<vmem>> -> memref<125x128xbf16, #tpu.memory_space<vmem>>
    %dma_start3A_7 = arith.constant 0 : i32
    %dma_start3A_8 = tpu.memref_slice %arg6[%dma_start3A, %dma_start3A_7] : memref<40x125xi32, #tpu.memory_space<vmem>> -> memref<1x125xi32, #tpu.memory_space<vmem>>
    %dma_start3A_9 = tpu.memref_squeeze %dma_start3A_8 : memref<1x125xi32, #tpu.memory_space<vmem>> -> memref<125xi32, #tpu.memory_space<vmem>>
    %dma_start3A_10 = arith.constant 0 : i32
    %dma_start3A_11 = arith.constant 0 : i32
    %dma_start3A_12 = tpu.memref_slice %arg2[%dma_start3A_10, %dma_start3A_11] : memref<10000x128xbf16, #tpu.memory_space<hbm>> -> memref<10000x128xbf16, #tpu.memory_space<hbm>>
    tpu.enqueue_indirect_dma source(%dma_start3A_12 : memref<10000x128xbf16, #tpu.memory_space<hbm>>) target(%dma_start3A_6 : memref<125x128xbf16, #tpu.memory_space<vmem>>) offsets(%dma_start3A_9 : memref<125xi32, #tpu.memory_space<vmem>>) semaphore(%arg10 : memref<!tpu.dma_semaphore, #tpu.memory_space<semaphore_mem>>)
    %dma_start3A_13 = arith.constant 1 : i32
    %dma_start3A_14 = arith.constant 1 : i32
    %dma_start3A_15 = arith.constant 0 : i32
    %dma_start3A_16 = arith.constant 0 : i32
    %dma_start3A_17 = tpu.memref_slice %arg8[%dma_start3A_14, %dma_start3A_15, %dma_start3A_16] : memref<2x125x128xbf16, #tpu.memory_space<vmem>> -> memref<1x125x128xbf16, #tpu.memory_space<vmem>>
    %dma_start3A_18 = tpu.memref_squeeze %dma_start3A_17 : memref<1x125x128xbf16, #tpu.memory_space<vmem>> -> memref<125x128xbf16, #tpu.memory_space<vmem>>
    %dma_start3A_19 = arith.constant 0 : i32
    %dma_start3A_20 = tpu.memref_slice %arg6[%dma_start3A_13, %dma_start3A_19] : memref<40x125xi32, #tpu.memory_space<vmem>> -> memref<1x125xi32, #tpu.memory_space<vmem>>
    %dma_start3A_21 = tpu.memref_squeeze %dma_start3A_20 : memref<1x125xi32, #tpu.memory_space<vmem>> -> memref<125xi32, #tpu.memory_space<vmem>>
    %dma_start3A_22 = arith.constant 0 : i32
    %dma_start3A_23 = arith.constant 0 : i32
    %dma_start3A_24 = tpu.memref_slice %arg2[%dma_start3A_22, %dma_start3A_23] : memref<10000x128xbf16, #tpu.memory_space<hbm>> -> memref<10000x128xbf16, #tpu.memory_space<hbm>>
    tpu.enqueue_indirect_dma source(%dma_start3A_24 : memref<10000x128xbf16, #tpu.memory_space<hbm>>) target(%dma_start3A_18 : memref<125x128xbf16, #tpu.memory_space<vmem>>) offsets(%dma_start3A_21 : memref<125xi32, #tpu.memory_space<vmem>>) semaphore(%arg11 : memref<!tpu.dma_semaphore, #tpu.memory_space<semaphore_mem>>)
    %mul3A_25 = arith.constant 625 : i32
    %mul3A_26 = arith.muli %arg1, %mul3A_25 : i32
    "tpu.region"() ({
      %run_scoped3A_69 = tpu.sem_alloc : memref<!tpu.dma_semaphore, #tpu.memory_space<semaphore_mem>>
      %dma_start3A_70 = arith.constant 0 : i32
      %dma_start3A_71 = tpu.memref_slice %arg9[%mul3A_26, %dma_start3A_70] : memref<10000x128xbf16, #tpu.memory_space<vmem_shared>> -> memref<625x128xbf16, #tpu.memory_space<vmem_shared>>
      tpu.enqueue_dma source(%arg4 : memref<625x128xbf16, #tpu.memory_space<hbm>>) target(%dma_start3A_71 : memref<625x128xbf16, #tpu.memory_space<vmem_shared>>) target_semaphore(%run_scoped3A_69 : memref<!tpu.dma_semaphore, #tpu.memory_space<semaphore_mem>>)
      %dma_wait3A = arith.constant 0 : i32
      %dma_wait3A_72 = tpu.memref_slice %arg9[%mul3A_26, %dma_wait3A] : memref<10000x128xbf16, #tpu.memory_space<vmem_shared>> -> memref<625x128xbf16, #tpu.memory_space<vmem_shared>>
      tpu.wait_dma2 semaphore(%run_scoped3A_69 : memref<!tpu.dma_semaphore, #tpu.memory_space<semaphore_mem>>) src(%arg4 : memref<625x128xbf16, #tpu.memory_space<hbm>>) dst(%dma_wait3A_72 : memref<625x128xbf16, #tpu.memory_space<vmem_shared>>)
      tpu.yield
    }) : () -> ()
    %barrier3A = arith.constant 0 : index
    tpu.barrier barrier_id(%barrier3A)
    %scan3A = arith.constant 0 : i32
    %scan3A_27 = arith.constant 0 : i32
    %scan3A_28 = arith.constant 20 : i32
    %scan3A_29 = arith.addi %scan3A_27, %scan3A_28 : i32
    %scan3A_30 = arith.constant 1 : i32
    scf.for %scan3A_69 = %scan3A_27 to %scan3A_29 step %scan3A_30  : i32 {
      %mul3A_70 = arith.constant 2 : i32
      %mul3A_71 = arith.muli %scan3A_69, %mul3A_70 : i32
      %add3A_72 = arith.constant 0 : i32
      %add3A_73 = arith.addi %mul3A_71, %add3A_72 : i32
      %dma_wait3A = arith.constant 0 : i32
      %dma_wait3A_74 = arith.constant 0 : i32
      %dma_wait3A_75 = arith.constant 0 : i32
      %dma_wait3A_76 = tpu.memref_slice %arg8[%dma_wait3A, %dma_wait3A_74, %dma_wait3A_75] : memref<2x125x128xbf16, #tpu.memory_space<vmem>> -> memref<1x125x128xbf16, #tpu.memory_space<vmem>>
      %dma_wait3A_77 = tpu.memref_squeeze %dma_wait3A_76 : memref<1x125x128xbf16, #tpu.memory_space<vmem>> -> memref<125x128xbf16, #tpu.memory_space<vmem>>
      %dma_wait3A_78 = arith.constant 0 : i32
      %dma_wait3A_79 = tpu.memref_slice %arg6[%add3A_73, %dma_wait3A_78] : memref<40x125xi32, #tpu.memory_space<vmem>> -> memref<1x125xi32, #tpu.memory_space<vmem>>
      %dma_wait3A_80 = tpu.memref_squeeze %dma_wait3A_79 : memref<1x125xi32, #tpu.memory_space<vmem>> -> memref<125xi32, #tpu.memory_space<vmem>>
      %dma_wait3A_81 = arith.constant 0 : i32
      %dma_wait3A_82 = arith.constant 0 : i32
      %dma_wait3A_83 = tpu.memref_slice %arg2[%dma_wait3A_81, %dma_wait3A_82] : memref<10000x128xbf16, #tpu.memory_space<hbm>> -> memref<10000x128xbf16, #tpu.memory_space<hbm>>
      tpu.wait_indirect_dma semaphore(%arg10 : memref<!tpu.dma_semaphore, #tpu.memory_space<semaphore_mem>>) src(%dma_wait3A_83 : memref<10000x128xbf16, #tpu.memory_space<hbm>>) dst(%dma_wait3A_77 : memref<125x128xbf16, #tpu.memory_space<vmem>>)
      %run_scoped3A_84 = arith.constant 0 : i32
      "tpu.region"() ({
        %run_scoped3A_112 = tpu.sem_alloc : memref<!tpu.dma_semaphore, #tpu.memory_space<semaphore_mem>>
        %dma_start3A_113 = arith.constant 0 : i32
        %dma_start3A_114 = arith.constant 0 : i32
        %dma_start3A_115 = tpu.memref_slice %arg8[%run_scoped3A_84, %dma_start3A_113, %dma_start3A_114] : memref<2x125x128xbf16, #tpu.memory_space<vmem>> -> memref<1x125x128xbf16, #tpu.memory_space<vmem>>
        %dma_start3A_116 = tpu.memref_squeeze %dma_start3A_115 : memref<1x125x128xbf16, #tpu.memory_space<vmem>> -> memref<125x128xbf16, #tpu.memory_space<vmem>>
        %dma_start3A_117 = arith.constant 0 : i32
        %dma_start3A_118 = tpu.memref_slice %arg7[%add3A_73, %dma_start3A_117] : memref<40x125xi32, #tpu.memory_space<vmem>> -> memref<1x125xi32, #tpu.memory_space<vmem>>
        %dma_start3A_119 = tpu.memref_squeeze %dma_start3A_118 : memref<1x125xi32, #tpu.memory_space<vmem>> -> memref<125xi32, #tpu.memory_space<vmem>>
        %dma_start3A_120 = arith.constant 0 : i32
        %dma_start3A_121 = arith.constant 0 : i32
        %dma_start3A_122 = tpu.memref_slice %arg9[%dma_start3A_120, %dma_start3A_121] : memref<10000x128xbf16, #tpu.memory_space<vmem_shared>> -> memref<10000x128xbf16, #tpu.memory_space<vmem_shared>>
        tpu.enqueue_indirect_dma source(%dma_start3A_116 : memref<125x128xbf16, #tpu.memory_space<vmem>>) target(%dma_start3A_122 : memref<10000x128xbf16, #tpu.memory_space<vmem_shared>>) offsets(%dma_start3A_119 : memref<125xi32, #tpu.memory_space<vmem>>) semaphore(%run_scoped3A_112 : memref<!tpu.dma_semaphore, #tpu.memory_space<semaphore_mem>>) {add = true}
        %dma_wait3A_123 = arith.constant 0 : i32
        %dma_wait3A_124 = arith.constant 0 : i32
        %dma_wait3A_125 = tpu.memref_slice %arg8[%run_scoped3A_84, %dma_wait3A_123, %dma_wait3A_124] : memref<2x125x128xbf16, #tpu.memory_space<vmem>> -> memref<1x125x128xbf16, #tpu.memory_space<vmem>>
        %dma_wait3A_126 = tpu.memref_squeeze %dma_wait3A_125 : memref<1x125x128xbf16, #tpu.memory_space<vmem>> -> memref<125x128xbf16, #tpu.memory_space<vmem>>
        %dma_wait3A_127 = arith.constant 0 : i32
        %dma_wait3A_128 = tpu.memref_slice %arg7[%add3A_73, %dma_wait3A_127] : memref<40x125xi32, #tpu.memory_space<vmem>> -> memref<1x125xi32, #tpu.memory_space<vmem>>
        %dma_wait3A_129 = tpu.memref_squeeze %dma_wait3A_128 : memref<1x125xi32, #tpu.memory_space<vmem>> -> memref<125xi32, #tpu.memory_space<vmem>>
        %dma_wait3A_130 = arith.constant 0 : i32
        %dma_wait3A_131 = arith.constant 0 : i32
        %dma_wait3A_132 = tpu.memref_slice %arg9[%dma_wait3A_130, %dma_wait3A_131] : memref<10000x128xbf16, #tpu.memory_space<vmem_shared>> -> memref<10000x128xbf16, #tpu.memory_space<vmem_shared>>
        tpu.wait_indirect_dma semaphore(%run_scoped3A_112 : memref<!tpu.dma_semaphore, #tpu.memory_space<semaphore_mem>>) src(%dma_wait3A_126 : memref<125x128xbf16, #tpu.memory_space<vmem>>) dst(%dma_wait3A_132 : memref<10000x128xbf16, #tpu.memory_space<vmem_shared>>)
        tpu.yield
      }) : () -> ()
      %add3A_85 = arith.constant 2 : i32
      %add3A_86 = arith.addi %add3A_73, %add3A_85 : i32
      %lt3A = arith.constant 40 : i32
      %lt3A_87 = arith.cmpi slt, %add3A_86, %lt3A : i32
      %convert_element_type3A = arith.extui %lt3A_87 : i1 to i32
      %cond3A = arith.constant 0 : i32
      %cond3A_88 = arith.cmpi ne, %convert_element_type3A, %cond3A : i32
      scf.if %cond3A_88 {
        %add3A_112 = arith.constant 2 : i32
        %add3A_113 = arith.addi %add3A_73, %add3A_112 : i32
        %dma_start3A_114 = arith.constant 0 : i32
        %dma_start3A_115 = arith.constant 0 : i32
        %dma_start3A_116 = arith.constant 0 : i32
        %dma_start3A_117 = tpu.memref_slice %arg8[%dma_start3A_114, %dma_start3A_115, %dma_start3A_116] : memref<2x125x128xbf16, #tpu.memory_space<vmem>> -> memref<1x125x128xbf16, #tpu.memory_space<vmem>>
        %dma_start3A_118 = tpu.memref_squeeze %dma_start3A_117 : memref<1x125x128xbf16, #tpu.memory_space<vmem>> -> memref<125x128xbf16, #tpu.memory_space<vmem>>
        %dma_start3A_119 = arith.constant 0 : i32
        %dma_start3A_120 = tpu.memref_slice %arg6[%add3A_113, %dma_start3A_119] : memref<40x125xi32, #tpu.memory_space<vmem>> -> memref<1x125xi32, #tpu.memory_space<vmem>>
        %dma_start3A_121 = tpu.memref_squeeze %dma_start3A_120 : memref<1x125xi32, #tpu.memory_space<vmem>> -> memref<125xi32, #tpu.memory_space<vmem>>
        %dma_start3A_122 = arith.constant 0 : i32
        %dma_start3A_123 = arith.constant 0 : i32
        %dma_start3A_124 = tpu.memref_slice %arg2[%dma_start3A_122, %dma_start3A_123] : memref<10000x128xbf16, #tpu.memory_space<hbm>> -> memref<10000x128xbf16, #tpu.memory_space<hbm>>
        tpu.enqueue_indirect_dma source(%dma_start3A_124 : memref<10000x128xbf16, #tpu.memory_space<hbm>>) target(%dma_start3A_118 : memref<125x128xbf16, #tpu.memory_space<vmem>>) offsets(%dma_start3A_121 : memref<125xi32, #tpu.memory_space<vmem>>) semaphore(%arg10 : memref<!tpu.dma_semaphore, #tpu.memory_space<semaphore_mem>>)
      } else {
      }
      %mul3A_89 = arith.constant 2 : i32
      %mul3A_90 = arith.muli %scan3A_69, %mul3A_89 : i32
      %add3A_91 = arith.constant 1 : i32
      %add3A_92 = arith.addi %mul3A_90, %add3A_91 : i32
      %dma_wait3A_93 = arith.constant 1 : i32
      %dma_wait3A_94 = arith.constant 0 : i32
      %dma_wait3A_95 = arith.constant 0 : i32
      %dma_wait3A_96 = tpu.memref_slice %arg8[%dma_wait3A_93, %dma_wait3A_94, %dma_wait3A_95] : memref<2x125x128xbf16, #tpu.memory_space<vmem>> -> memref<1x125x128xbf16, #tpu.memory_space<vmem>>
      %dma_wait3A_97 = tpu.memref_squeeze %dma_wait3A_96 : memref<1x125x128xbf16, #tpu.memory_space<vmem>> -> memref<125x128xbf16, #tpu.memory_space<vmem>>
      %dma_wait3A_98 = arith.constant 0 : i32
      %dma_wait3A_99 = tpu.memref_slice %arg6[%add3A_92, %dma_wait3A_98] : memref<40x125xi32, #tpu.memory_space<vmem>> -> memref<1x125xi32, #tpu.memory_space<vmem>>
      %dma_wait3A_100 = tpu.memref_squeeze %dma_wait3A_99 : memref<1x125xi32, #tpu.memory_space<vmem>> -> memref<125xi32, #tpu.memory_space<vmem>>
      %dma_wait3A_101 = arith.constant 0 : i32
      %dma_wait3A_102 = arith.constant 0 : i32
      %dma_wait3A_103 = tpu.memref_slice %arg2[%dma_wait3A_101, %dma_wait3A_102] : memref<10000x128xbf16, #tpu.memory_space<hbm>> -> memref<10000x128xbf16, #tpu.memory_space<hbm>>
      tpu.wait_indirect_dma semaphore(%arg11 : memref<!tpu.dma_semaphore, #tpu.memory_space<semaphore_mem>>) src(%dma_wait3A_103 : memref<10000x128xbf16, #tpu.memory_space<hbm>>) dst(%dma_wait3A_97 : memref<125x128xbf16, #tpu.memory_space<vmem>>)
      %run_scoped3A_104 = arith.constant 1 : i32
      "tpu.region"() ({
        %run_scoped3A_112 = tpu.sem_alloc : memref<!tpu.dma_semaphore, #tpu.memory_space<semaphore_mem>>
        %dma_start3A_113 = arith.constant 0 : i32
        %dma_start3A_114 = arith.constant 0 : i32
        %dma_start3A_115 = tpu.memref_slice %arg8[%run_scoped3A_104, %dma_start3A_113, %dma_start3A_114] : memref<2x125x128xbf16, #tpu.memory_space<vmem>> -> memref<1x125x128xbf16, #tpu.memory_space<vmem>>
        %dma_start3A_116 = tpu.memref_squeeze %dma_start3A_115 : memref<1x125x128xbf16, #tpu.memory_space<vmem>> -> memref<125x128xbf16, #tpu.memory_space<vmem>>
        %dma_start3A_117 = arith.constant 0 : i32
        %dma_start3A_118 = tpu.memref_slice %arg7[%add3A_92, %dma_start3A_117] : memref<40x125xi32, #tpu.memory_space<vmem>> -> memref<1x125xi32, #tpu.memory_space<vmem>>
        %dma_start3A_119 = tpu.memref_squeeze %dma_start3A_118 : memref<1x125xi32, #tpu.memory_space<vmem>> -> memref<125xi32, #tpu.memory_space<vmem>>
        %dma_start3A_120 = arith.constant 0 : i32
        %dma_start3A_121 = arith.constant 0 : i32
        %dma_start3A_122 = tpu.memref_slice %arg9[%dma_start3A_120, %dma_start3A_121] : memref<10000x128xbf16, #tpu.memory_space<vmem_shared>> -> memref<10000x128xbf16, #tpu.memory_space<vmem_shared>>
        tpu.enqueue_indirect_dma source(%dma_start3A_116 : memref<125x128xbf16, #tpu.memory_space<vmem>>) target(%dma_start3A_122 : memref<10000x128xbf16, #tpu.memory_space<vmem_shared>>) offsets(%dma_start3A_119 : memref<125xi32, #tpu.memory_space<vmem>>) semaphore(%run_scoped3A_112 : memref<!tpu.dma_semaphore, #tpu.memory_space<semaphore_mem>>) {add = true}
        %dma_wait3A_123 = arith.constant 0 : i32
        %dma_wait3A_124 = arith.constant 0 : i32
        %dma_wait3A_125 = tpu.memref_slice %arg8[%run_scoped3A_104, %dma_wait3A_123, %dma_wait3A_124] : memref<2x125x128xbf16, #tpu.memory_space<vmem>> -> memref<1x125x128xbf16, #tpu.memory_space<vmem>>
        %dma_wait3A_126 = tpu.memref_squeeze %dma_wait3A_125 : memref<1x125x128xbf16, #tpu.memory_space<vmem>> -> memref<125x128xbf16, #tpu.memory_space<vmem>>
        %dma_wait3A_127 = arith.constant 0 : i32
        %dma_wait3A_128 = tpu.memref_slice %arg7[%add3A_92, %dma_wait3A_127] : memref<40x125xi32, #tpu.memory_space<vmem>> -> memref<1x125xi32, #tpu.memory_space<vmem>>
        %dma_wait3A_129 = tpu.memref_squeeze %dma_wait3A_128 : memref<1x125xi32, #tpu.memory_space<vmem>> -> memref<125xi32, #tpu.memory_space<vmem>>
        %dma_wait3A_130 = arith.constant 0 : i32
        %dma_wait3A_131 = arith.constant 0 : i32
        %dma_wait3A_132 = tpu.memref_slice %arg9[%dma_wait3A_130, %dma_wait3A_131] : memref<10000x128xbf16, #tpu.memory_space<vmem_shared>> -> memref<10000x128xbf16, #tpu.memory_space<vmem_shared>>
        tpu.wait_indirect_dma semaphore(%run_scoped3A_112 : memref<!tpu.dma_semaphore, #tpu.memory_space<semaphore_mem>>) src(%dma_wait3A_126 : memref<125x128xbf16, #tpu.memory_space<vmem>>) dst(%dma_wait3A_132 : memref<10000x128xbf16, #tpu.memory_space<vmem_shared>>)
        tpu.yield
      }) : () -> ()
      %add3A_105 = arith.constant 2 : i32
      %add3A_106 = arith.addi %add3A_92, %add3A_105 : i32
      %lt3A_107 = arith.constant 40 : i32
      %lt3A_108 = arith.cmpi slt, %add3A_106, %lt3A_107 : i32
      %convert_element_type3A_109 = arith.extui %lt3A_108 : i1 to i32
      %cond3A_110 = arith.constant 0 : i32
      %cond3A_111 = arith.cmpi ne, %convert_element_type3A_109, %cond3A_110 : i32
      scf.if %cond3A_111 {
        %add3A_112 = arith.constant 2 : i32
        %add3A_113 = arith.addi %add3A_92, %add3A_112 : i32
        %dma_start3A_114 = arith.constant 1 : i32
        %dma_start3A_115 = arith.constant 0 : i32
        %dma_start3A_116 = arith.constant 0 : i32
        %dma_start3A_117 = tpu.memref_slice %arg8[%dma_start3A_114, %dma_start3A_115, %dma_start3A_116] : memref<2x125x128xbf16, #tpu.memory_space<vmem>> -> memref<1x125x128xbf16, #tpu.memory_space<vmem>>
        %dma_start3A_118 = tpu.memref_squeeze %dma_start3A_117 : memref<1x125x128xbf16, #tpu.memory_space<vmem>> -> memref<125x128xbf16, #tpu.memory_space<vmem>>
        %dma_start3A_119 = arith.constant 0 : i32
        %dma_start3A_120 = tpu.memref_slice %arg6[%add3A_113, %dma_start3A_119] : memref<40x125xi32, #tpu.memory_space<vmem>> -> memref<1x125xi32, #tpu.memory_space<vmem>>
        %dma_start3A_121 = tpu.memref_squeeze %dma_start3A_120 : memref<1x125xi32, #tpu.memory_space<vmem>> -> memref<125xi32, #tpu.memory_space<vmem>>
        %dma_start3A_122 = arith.constant 0 : i32
        %dma_start3A_123 = arith.constant 0 : i32
        %dma_start3A_124 = tpu.memref_slice %arg2[%dma_start3A_122, %dma_start3A_123] : memref<10000x128xbf16, #tpu.memory_space<hbm>> -> memref<10000x128xbf16, #tpu.memory_space<hbm>>
        tpu.enqueue_indirect_dma source(%dma_start3A_124 : memref<10000x128xbf16, #tpu.memory_space<hbm>>) target(%dma_start3A_118 : memref<125x128xbf16, #tpu.memory_space<vmem>>) offsets(%dma_start3A_121 : memref<125xi32, #tpu.memory_space<vmem>>) semaphore(%arg11 : memref<!tpu.dma_semaphore, #tpu.memory_space<semaphore_mem>>)
      } else {
      }
    }
    %scan3A_31 = arith.constant 20 : i32
    %run_scoped3A_32 = arith.constant 0 : i32
    "tpu.region"() ({
      %run_scoped3A_69 = tpu.sem_alloc : memref<!tpu.dma_semaphore, #tpu.memory_space<semaphore_mem>>
      %dma_start3A_70 = arith.constant 40 : i32
      %dma_start3A_71 = arith.constant 0 : i32
      %dma_start3A_72 = tpu.memref_slice %arg3[%run_scoped3A_32, %add3A, %dma_start3A_70, %dma_start3A_71] : memref<2x32x80x125xi32, #tpu.memory_space<hbm>> -> memref<1x1x40x125xi32, #tpu.memory_space<hbm>>
      %dma_start3A_73 = tpu.memref_squeeze %dma_start3A_72 : memref<1x1x40x125xi32, #tpu.memory_space<hbm>> -> memref<40x125xi32, #tpu.memory_space<hbm>>
      %dma_start3A_74 = arith.constant 40 : i32
      %dma_start3A_75 = arith.constant 0 : i32
      %dma_start3A_76 = tpu.memref_slice %arg3[%run_scoped3A_32, %add3A, %dma_start3A_74, %dma_start3A_75] : memref<2x32x80x125xi32, #tpu.memory_space<hbm>> -> memref<1x1x40x125xi32, #tpu.memory_space<hbm>>
      %dma_start3A_77 = tpu.memref_squeeze %dma_start3A_76 : memref<1x1x40x125xi32, #tpu.memory_space<hbm>> -> memref<40x125xi32, #tpu.memory_space<hbm>>
      tpu.enqueue_dma source(%dma_start3A_77 : memref<40x125xi32, #tpu.memory_space<hbm>>) target(%arg6 : memref<40x125xi32, #tpu.memory_space<vmem>>) target_semaphore(%run_scoped3A_69 : memref<!tpu.dma_semaphore, #tpu.memory_space<semaphore_mem>>)
      %dma_wait3A = arith.constant 40 : i32
      %dma_wait3A_78 = arith.constant 0 : i32
      %dma_wait3A_79 = tpu.memref_slice %arg3[%run_scoped3A_32, %add3A, %dma_wait3A, %dma_wait3A_78] : memref<2x32x80x125xi32, #tpu.memory_space<hbm>> -> memref<1x1x40x125xi32, #tpu.memory_space<hbm>>
      %dma_wait3A_80 = tpu.memref_squeeze %dma_wait3A_79 : memref<1x1x40x125xi32, #tpu.memory_space<hbm>> -> memref<40x125xi32, #tpu.memory_space<hbm>>
      %dma_wait3A_81 = arith.constant 40 : i32
      %dma_wait3A_82 = arith.constant 0 : i32
      %dma_wait3A_83 = tpu.memref_slice %arg3[%run_scoped3A_32, %add3A, %dma_wait3A_81, %dma_wait3A_82] : memref<2x32x80x125xi32, #tpu.memory_space<hbm>> -> memref<1x1x40x125xi32, #tpu.memory_space<hbm>>
      %dma_wait3A_84 = tpu.memref_squeeze %dma_wait3A_83 : memref<1x1x40x125xi32, #tpu.memory_space<hbm>> -> memref<40x125xi32, #tpu.memory_space<hbm>>
      tpu.wait_dma2 semaphore(%run_scoped3A_69 : memref<!tpu.dma_semaphore, #tpu.memory_space<semaphore_mem>>) src(%dma_wait3A_84 : memref<40x125xi32, #tpu.memory_space<hbm>>) dst(%arg6 : memref<40x125xi32, #tpu.memory_space<vmem>>)
      tpu.yield
    }) : () -> ()
    %run_scoped3A_33 = arith.constant 1 : i32
    "tpu.region"() ({
      %run_scoped3A_69 = tpu.sem_alloc : memref<!tpu.dma_semaphore, #tpu.memory_space<semaphore_mem>>
      %dma_start3A_70 = arith.constant 40 : i32
      %dma_start3A_71 = arith.constant 0 : i32
      %dma_start3A_72 = tpu.memref_slice %arg3[%run_scoped3A_33, %add3A, %dma_start3A_70, %dma_start3A_71] : memref<2x32x80x125xi32, #tpu.memory_space<hbm>> -> memref<1x1x40x125xi32, #tpu.memory_space<hbm>>
      %dma_start3A_73 = tpu.memref_squeeze %dma_start3A_72 : memref<1x1x40x125xi32, #tpu.memory_space<hbm>> -> memref<40x125xi32, #tpu.memory_space<hbm>>
      %dma_start3A_74 = arith.constant 40 : i32
      %dma_start3A_75 = arith.constant 0 : i32
      %dma_start3A_76 = tpu.memref_slice %arg3[%run_scoped3A_33, %add3A, %dma_start3A_74, %dma_start3A_75] : memref<2x32x80x125xi32, #tpu.memory_space<hbm>> -> memref<1x1x40x125xi32, #tpu.memory_space<hbm>>
      %dma_start3A_77 = tpu.memref_squeeze %dma_start3A_76 : memref<1x1x40x125xi32, #tpu.memory_space<hbm>> -> memref<40x125xi32, #tpu.memory_space<hbm>>
      tpu.enqueue_dma source(%dma_start3A_77 : memref<40x125xi32, #tpu.memory_space<hbm>>) target(%arg7 : memref<40x125xi32, #tpu.memory_space<vmem>>) target_semaphore(%run_scoped3A_69 : memref<!tpu.dma_semaphore, #tpu.memory_space<semaphore_mem>>)
      %dma_wait3A = arith.constant 40 : i32
      %dma_wait3A_78 = arith.constant 0 : i32
      %dma_wait3A_79 = tpu.memref_slice %arg3[%run_scoped3A_33, %add3A, %dma_wait3A, %dma_wait3A_78] : memref<2x32x80x125xi32, #tpu.memory_space<hbm>> -> memref<1x1x40x125xi32, #tpu.memory_space<hbm>>
      %dma_wait3A_80 = tpu.memref_squeeze %dma_wait3A_79 : memref<1x1x40x125xi32, #tpu.memory_space<hbm>> -> memref<40x125xi32, #tpu.memory_space<hbm>>
      %dma_wait3A_81 = arith.constant 40 : i32
      %dma_wait3A_82 = arith.constant 0 : i32
      %dma_wait3A_83 = tpu.memref_slice %arg3[%run_scoped3A_33, %add3A, %dma_wait3A_81, %dma_wait3A_82] : memref<2x32x80x125xi32, #tpu.memory_space<hbm>> -> memref<1x1x40x125xi32, #tpu.memory_space<hbm>>
      %dma_wait3A_84 = tpu.memref_squeeze %dma_wait3A_83 : memref<1x1x40x125xi32, #tpu.memory_space<hbm>> -> memref<40x125xi32, #tpu.memory_space<hbm>>
      tpu.wait_dma2 semaphore(%run_scoped3A_69 : memref<!tpu.dma_semaphore, #tpu.memory_space<semaphore_mem>>) src(%dma_wait3A_84 : memref<40x125xi32, #tpu.memory_space<hbm>>) dst(%arg7 : memref<40x125xi32, #tpu.memory_space<vmem>>)
      tpu.yield
    }) : () -> ()
    %dma_start3A_34 = arith.constant 0 : i32
    %dma_start3A_35 = arith.constant 0 : i32
    %dma_start3A_36 = arith.constant 0 : i32
    %dma_start3A_37 = arith.constant 0 : i32
    %dma_start3A_38 = tpu.memref_slice %arg8[%dma_start3A_35, %dma_start3A_36, %dma_start3A_37] : memref<2x125x128xbf16, #tpu.memory_space<vmem>> -> memref<1x125x128xbf16, #tpu.memory_space<vmem>>
    %dma_start3A_39 = tpu.memref_squeeze %dma_start3A_38 : memref<1x125x128xbf16, #tpu.memory_space<vmem>> -> memref<125x128xbf16, #tpu.memory_space<vmem>>
    %dma_start3A_40 = arith.constant 0 : i32
    %dma_start3A_41 = tpu.memref_slice %arg6[%dma_start3A_34, %dma_start3A_40] : memref<40x125xi32, #tpu.memory_space<vmem>> -> memref<1x125xi32, #tpu.memory_space<vmem>>
    %dma_start3A_42 = tpu.memref_squeeze %dma_start3A_41 : memref<1x125xi32, #tpu.memory_space<vmem>> -> memref<125xi32, #tpu.memory_space<vmem>>
    %dma_start3A_43 = arith.constant 0 : i32
    %dma_start3A_44 = arith.constant 0 : i32
    %dma_start3A_45 = tpu.memref_slice %arg2[%dma_start3A_43, %dma_start3A_44] : memref<10000x128xbf16, #tpu.memory_space<hbm>> -> memref<10000x128xbf16, #tpu.memory_space<hbm>>
    tpu.enqueue_indirect_dma source(%dma_start3A_45 : memref<10000x128xbf16, #tpu.memory_space<hbm>>) target(%dma_start3A_39 : memref<125x128xbf16, #tpu.memory_space<vmem>>) offsets(%dma_start3A_42 : memref<125xi32, #tpu.memory_space<vmem>>) semaphore(%arg10 : memref<!tpu.dma_semaphore, #tpu.memory_space<semaphore_mem>>)
    %dma_start3A_46 = arith.constant 1 : i32
    %dma_start3A_47 = arith.constant 1 : i32
    %dma_start3A_48 = arith.constant 0 : i32
    %dma_start3A_49 = arith.constant 0 : i32
    %dma_start3A_50 = tpu.memref_slice %arg8[%dma_start3A_47, %dma_start3A_48, %dma_start3A_49] : memref<2x125x128xbf16, #tpu.memory_space<vmem>> -> memref<1x125x128xbf16, #tpu.memory_space<vmem>>
    %dma_start3A_51 = tpu.memref_squeeze %dma_start3A_50 : memref<1x125x128xbf16, #tpu.memory_space<vmem>> -> memref<125x128xbf16, #tpu.memory_space<vmem>>
    %dma_start3A_52 = arith.constant 0 : i32
    %dma_start3A_53 = tpu.memref_slice %arg6[%dma_start3A_46, %dma_start3A_52] : memref<40x125xi32, #tpu.memory_space<vmem>> -> memref<1x125xi32, #tpu.memory_space<vmem>>
    %dma_start3A_54 = tpu.memref_squeeze %dma_start3A_53 : memref<1x125xi32, #tpu.memory_space<vmem>> -> memref<125xi32, #tpu.memory_space<vmem>>
    %dma_start3A_55 = arith.constant 0 : i32
    %dma_start3A_56 = arith.constant 0 : i32
    %dma_start3A_57 = tpu.memref_slice %arg2[%dma_start3A_55, %dma_start3A_56] : memref<10000x128xbf16, #tpu.memory_space<hbm>> -> memref<10000x128xbf16, #tpu.memory_space<hbm>>
    tpu.enqueue_indirect_dma source(%dma_start3A_57 : memref<10000x128xbf16, #tpu.memory_space<hbm>>) target(%dma_start3A_51 : memref<125x128xbf16, #tpu.memory_space<vmem>>) offsets(%dma_start3A_54 : memref<125xi32, #tpu.memory_space<vmem>>) semaphore(%arg11 : memref<!tpu.dma_semaphore, #tpu.memory_space<semaphore_mem>>)
    %scan3A_58 = arith.constant 0 : i32
    %scan3A_59 = arith.constant 0 : i32
    %scan3A_60 = arith.constant 20 : i32
    %scan3A_61 = arith.addi %scan3A_59, %scan3A_60 : i32
    %scan3A_62 = arith.constant 1 : i32
    scf.for %scan3A_69 = %scan3A_59 to %scan3A_61 step %scan3A_62  : i32 {
      %mul3A_70 = arith.constant 2 : i32
      %mul3A_71 = arith.muli %scan3A_69, %mul3A_70 : i32
      %add3A_72 = arith.constant 0 : i32
      %add3A_73 = arith.addi %mul3A_71, %add3A_72 : i32
      %dma_wait3A = arith.constant 0 : i32
      %dma_wait3A_74 = arith.constant 0 : i32
      %dma_wait3A_75 = arith.constant 0 : i32
      %dma_wait3A_76 = tpu.memref_slice %arg8[%dma_wait3A, %dma_wait3A_74, %dma_wait3A_75] : memref<2x125x128xbf16, #tpu.memory_space<vmem>> -> memref<1x125x128xbf16, #tpu.memory_space<vmem>>
      %dma_wait3A_77 = tpu.memref_squeeze %dma_wait3A_76 : memref<1x125x128xbf16, #tpu.memory_space<vmem>> -> memref<125x128xbf16, #tpu.memory_space<vmem>>
      %dma_wait3A_78 = arith.constant 0 : i32
      %dma_wait3A_79 = tpu.memref_slice %arg6[%add3A_73, %dma_wait3A_78] : memref<40x125xi32, #tpu.memory_space<vmem>> -> memref<1x125xi32, #tpu.memory_space<vmem>>
      %dma_wait3A_80 = tpu.memref_squeeze %dma_wait3A_79 : memref<1x125xi32, #tpu.memory_space<vmem>> -> memref<125xi32, #tpu.memory_space<vmem>>
      %dma_wait3A_81 = arith.constant 0 : i32
      %dma_wait3A_82 = arith.constant 0 : i32
      %dma_wait3A_83 = tpu.memref_slice %arg2[%dma_wait3A_81, %dma_wait3A_82] : memref<10000x128xbf16, #tpu.memory_space<hbm>> -> memref<10000x128xbf16, #tpu.memory_space<hbm>>
      tpu.wait_indirect_dma semaphore(%arg10 : memref<!tpu.dma_semaphore, #tpu.memory_space<semaphore_mem>>) src(%dma_wait3A_83 : memref<10000x128xbf16, #tpu.memory_space<hbm>>) dst(%dma_wait3A_77 : memref<125x128xbf16, #tpu.memory_space<vmem>>)
      %run_scoped3A_84 = arith.constant 0 : i32
      "tpu.region"() ({
        %run_scoped3A_112 = tpu.sem_alloc : memref<!tpu.dma_semaphore, #tpu.memory_space<semaphore_mem>>
        %dma_start3A_113 = arith.constant 0 : i32
        %dma_start3A_114 = arith.constant 0 : i32
        %dma_start3A_115 = tpu.memref_slice %arg8[%run_scoped3A_84, %dma_start3A_113, %dma_start3A_114] : memref<2x125x128xbf16, #tpu.memory_space<vmem>> -> memref<1x125x128xbf16, #tpu.memory_space<vmem>>
        %dma_start3A_116 = tpu.memref_squeeze %dma_start3A_115 : memref<1x125x128xbf16, #tpu.memory_space<vmem>> -> memref<125x128xbf16, #tpu.memory_space<vmem>>
        %dma_start3A_117 = arith.constant 0 : i32
        %dma_start3A_118 = tpu.memref_slice %arg7[%add3A_73, %dma_start3A_117] : memref<40x125xi32, #tpu.memory_space<vmem>> -> memref<1x125xi32, #tpu.memory_space<vmem>>
        %dma_start3A_119 = tpu.memref_squeeze %dma_start3A_118 : memref<1x125xi32, #tpu.memory_space<vmem>> -> memref<125xi32, #tpu.memory_space<vmem>>
        %dma_start3A_120 = arith.constant 0 : i32
        %dma_start3A_121 = arith.constant 0 : i32
        %dma_start3A_122 = tpu.memref_slice %arg9[%dma_start3A_120, %dma_start3A_121] : memref<10000x128xbf16, #tpu.memory_space<vmem_shared>> -> memref<10000x128xbf16, #tpu.memory_space<vmem_shared>>
        tpu.enqueue_indirect_dma source(%dma_start3A_116 : memref<125x128xbf16, #tpu.memory_space<vmem>>) target(%dma_start3A_122 : memref<10000x128xbf16, #tpu.memory_space<vmem_shared>>) offsets(%dma_start3A_119 : memref<125xi32, #tpu.memory_space<vmem>>) semaphore(%run_scoped3A_112 : memref<!tpu.dma_semaphore, #tpu.memory_space<semaphore_mem>>) {add = true}
        %dma_wait3A_123 = arith.constant 0 : i32
        %dma_wait3A_124 = arith.constant 0 : i32
        %dma_wait3A_125 = tpu.memref_slice %arg8[%run_scoped3A_84, %dma_wait3A_123, %dma_wait3A_124] : memref<2x125x128xbf16, #tpu.memory_space<vmem>> -> memref<1x125x128xbf16, #tpu.memory_space<vmem>>
        %dma_wait3A_126 = tpu.memref_squeeze %dma_wait3A_125 : memref<1x125x128xbf16, #tpu.memory_space<vmem>> -> memref<125x128xbf16, #tpu.memory_space<vmem>>
        %dma_wait3A_127 = arith.constant 0 : i32
        %dma_wait3A_128 = tpu.memref_slice %arg7[%add3A_73, %dma_wait3A_127] : memref<40x125xi32, #tpu.memory_space<vmem>> -> memref<1x125xi32, #tpu.memory_space<vmem>>
        %dma_wait3A_129 = tpu.memref_squeeze %dma_wait3A_128 : memref<1x125xi32, #tpu.memory_space<vmem>> -> memref<125xi32, #tpu.memory_space<vmem>>
        %dma_wait3A_130 = arith.constant 0 : i32
        %dma_wait3A_131 = arith.constant 0 : i32
        %dma_wait3A_132 = tpu.memref_slice %arg9[%dma_wait3A_130, %dma_wait3A_131] : memref<10000x128xbf16, #tpu.memory_space<vmem_shared>> -> memref<10000x128xbf16, #tpu.memory_space<vmem_shared>>
        tpu.wait_indirect_dma semaphore(%run_scoped3A_112 : memref<!tpu.dma_semaphore, #tpu.memory_space<semaphore_mem>>) src(%dma_wait3A_126 : memref<125x128xbf16, #tpu.memory_space<vmem>>) dst(%dma_wait3A_132 : memref<10000x128xbf16, #tpu.memory_space<vmem_shared>>)
        tpu.yield
      }) : () -> ()
      %add3A_85 = arith.constant 2 : i32
      %add3A_86 = arith.addi %add3A_73, %add3A_85 : i32
      %lt3A = arith.constant 40 : i32
      %lt3A_87 = arith.cmpi slt, %add3A_86, %lt3A : i32
      %convert_element_type3A = arith.extui %lt3A_87 : i1 to i32
      %cond3A = arith.constant 0 : i32
      %cond3A_88 = arith.cmpi ne, %convert_element_type3A, %cond3A : i32
      scf.if %cond3A_88 {
        %add3A_112 = arith.constant 2 : i32
        %add3A_113 = arith.addi %add3A_73, %add3A_112 : i32
        %dma_start3A_114 = arith.constant 0 : i32
        %dma_start3A_115 = arith.constant 0 : i32
        %dma_start3A_116 = arith.constant 0 : i32
        %dma_start3A_117 = tpu.memref_slice %arg8[%dma_start3A_114, %dma_start3A_115, %dma_start3A_116] : memref<2x125x128xbf16, #tpu.memory_space<vmem>> -> memref<1x125x128xbf16, #tpu.memory_space<vmem>>
        %dma_start3A_118 = tpu.memref_squeeze %dma_start3A_117 : memref<1x125x128xbf16, #tpu.memory_space<vmem>> -> memref<125x128xbf16, #tpu.memory_space<vmem>>
        %dma_start3A_119 = arith.constant 0 : i32
        %dma_start3A_120 = tpu.memref_slice %arg6[%add3A_113, %dma_start3A_119] : memref<40x125xi32, #tpu.memory_space<vmem>> -> memref<1x125xi32, #tpu.memory_space<vmem>>
        %dma_start3A_121 = tpu.memref_squeeze %dma_start3A_120 : memref<1x125xi32, #tpu.memory_space<vmem>> -> memref<125xi32, #tpu.memory_space<vmem>>
        %dma_start3A_122 = arith.constant 0 : i32
        %dma_start3A_123 = arith.constant 0 : i32
        %dma_start3A_124 = tpu.memref_slice %arg2[%dma_start3A_122, %dma_start3A_123] : memref<10000x128xbf16, #tpu.memory_space<hbm>> -> memref<10000x128xbf16, #tpu.memory_space<hbm>>
        tpu.enqueue_indirect_dma source(%dma_start3A_124 : memref<10000x128xbf16, #tpu.memory_space<hbm>>) target(%dma_start3A_118 : memref<125x128xbf16, #tpu.memory_space<vmem>>) offsets(%dma_start3A_121 : memref<125xi32, #tpu.memory_space<vmem>>) semaphore(%arg10 : memref<!tpu.dma_semaphore, #tpu.memory_space<semaphore_mem>>)
      } else {
      }
      %mul3A_89 = arith.constant 2 : i32
      %mul3A_90 = arith.muli %scan3A_69, %mul3A_89 : i32
      %add3A_91 = arith.constant 1 : i32
      %add3A_92 = arith.addi %mul3A_90, %add3A_91 : i32
      %dma_wait3A_93 = arith.constant 1 : i32
      %dma_wait3A_94 = arith.constant 0 : i32
      %dma_wait3A_95 = arith.constant 0 : i32
      %dma_wait3A_96 = tpu.memref_slice %arg8[%dma_wait3A_93, %dma_wait3A_94, %dma_wait3A_95] : memref<2x125x128xbf16, #tpu.memory_space<vmem>> -> memref<1x125x128xbf16, #tpu.memory_space<vmem>>
      %dma_wait3A_97 = tpu.memref_squeeze %dma_wait3A_96 : memref<1x125x128xbf16, #tpu.memory_space<vmem>> -> memref<125x128xbf16, #tpu.memory_space<vmem>>
      %dma_wait3A_98 = arith.constant 0 : i32
      %dma_wait3A_99 = tpu.memref_slice %arg6[%add3A_92, %dma_wait3A_98] : memref<40x125xi32, #tpu.memory_space<vmem>> -> memref<1x125xi32, #tpu.memory_space<vmem>>
      %dma_wait3A_100 = tpu.memref_squeeze %dma_wait3A_99 : memref<1x125xi32, #tpu.memory_space<vmem>> -> memref<125xi32, #tpu.memory_space<vmem>>
      %dma_wait3A_101 = arith.constant 0 : i32
      %dma_wait3A_102 = arith.constant 0 : i32
      %dma_wait3A_103 = tpu.memref_slice %arg2[%dma_wait3A_101, %dma_wait3A_102] : memref<10000x128xbf16, #tpu.memory_space<hbm>> -> memref<10000x128xbf16, #tpu.memory_space<hbm>>
      tpu.wait_indirect_dma semaphore(%arg11 : memref<!tpu.dma_semaphore, #tpu.memory_space<semaphore_mem>>) src(%dma_wait3A_103 : memref<10000x128xbf16, #tpu.memory_space<hbm>>) dst(%dma_wait3A_97 : memref<125x128xbf16, #tpu.memory_space<vmem>>)
      %run_scoped3A_104 = arith.constant 1 : i32
      "tpu.region"() ({
        %run_scoped3A_112 = tpu.sem_alloc : memref<!tpu.dma_semaphore, #tpu.memory_space<semaphore_mem>>
        %dma_start3A_113 = arith.constant 0 : i32
        %dma_start3A_114 = arith.constant 0 : i32
        %dma_start3A_115 = tpu.memref_slice %arg8[%run_scoped3A_104, %dma_start3A_113, %dma_start3A_114] : memref<2x125x128xbf16, #tpu.memory_space<vmem>> -> memref<1x125x128xbf16, #tpu.memory_space<vmem>>
        %dma_start3A_116 = tpu.memref_squeeze %dma_start3A_115 : memref<1x125x128xbf16, #tpu.memory_space<vmem>> -> memref<125x128xbf16, #tpu.memory_space<vmem>>
        %dma_start3A_117 = arith.constant 0 : i32
        %dma_start3A_118 = tpu.memref_slice %arg7[%add3A_92, %dma_start3A_117] : memref<40x125xi32, #tpu.memory_space<vmem>> -> memref<1x125xi32, #tpu.memory_space<vmem>>
        %dma_start3A_119 = tpu.memref_squeeze %dma_start3A_118 : memref<1x125xi32, #tpu.memory_space<vmem>> -> memref<125xi32, #tpu.memory_space<vmem>>
        %dma_start3A_120 = arith.constant 0 : i32
        %dma_start3A_121 = arith.constant 0 : i32
        %dma_start3A_122 = tpu.memref_slice %arg9[%dma_start3A_120, %dma_start3A_121] : memref<10000x128xbf16, #tpu.memory_space<vmem_shared>> -> memref<10000x128xbf16, #tpu.memory_space<vmem_shared>>
        tpu.enqueue_indirect_dma source(%dma_start3A_116 : memref<125x128xbf16, #tpu.memory_space<vmem>>) target(%dma_start3A_122 : memref<10000x128xbf16, #tpu.memory_space<vmem_shared>>) offsets(%dma_start3A_119 : memref<125xi32, #tpu.memory_space<vmem>>) semaphore(%run_scoped3A_112 : memref<!tpu.dma_semaphore, #tpu.memory_space<semaphore_mem>>) {add = true}
        %dma_wait3A_123 = arith.constant 0 : i32
        %dma_wait3A_124 = arith.constant 0 : i32
        %dma_wait3A_125 = tpu.memref_slice %arg8[%run_scoped3A_104, %dma_wait3A_123, %dma_wait3A_124] : memref<2x125x128xbf16, #tpu.memory_space<vmem>> -> memref<1x125x128xbf16, #tpu.memory_space<vmem>>
        %dma_wait3A_126 = tpu.memref_squeeze %dma_wait3A_125 : memref<1x125x128xbf16, #tpu.memory_space<vmem>> -> memref<125x128xbf16, #tpu.memory_space<vmem>>
        %dma_wait3A_127 = arith.constant 0 : i32
        %dma_wait3A_128 = tpu.memref_slice %arg7[%add3A_92, %dma_wait3A_127] : memref<40x125xi32, #tpu.memory_space<vmem>> -> memref<1x125xi32, #tpu.memory_space<vmem>>
        %dma_wait3A_129 = tpu.memref_squeeze %dma_wait3A_128 : memref<1x125xi32, #tpu.memory_space<vmem>> -> memref<125xi32, #tpu.memory_space<vmem>>
        %dma_wait3A_130 = arith.constant 0 : i32
        %dma_wait3A_131 = arith.constant 0 : i32
        %dma_wait3A_132 = tpu.memref_slice %arg9[%dma_wait3A_130, %dma_wait3A_131] : memref<10000x128xbf16, #tpu.memory_space<vmem_shared>> -> memref<10000x128xbf16, #tpu.memory_space<vmem_shared>>
        tpu.wait_indirect_dma semaphore(%run_scoped3A_112 : memref<!tpu.dma_semaphore, #tpu.memory_space<semaphore_mem>>) src(%dma_wait3A_126 : memref<125x128xbf16, #tpu.memory_space<vmem>>) dst(%dma_wait3A_132 : memref<10000x128xbf16, #tpu.memory_space<vmem_shared>>)
        tpu.yield
      }) : () -> ()
      %add3A_105 = arith.constant 2 : i32
      %add3A_106 = arith.addi %add3A_92, %add3A_105 : i32
      %lt3A_107 = arith.constant 40 : i32
      %lt3A_108 = arith.cmpi slt, %add3A_106, %lt3A_107 : i32
      %convert_element_type3A_109 = arith.extui %lt3A_108 : i1 to i32
      %cond3A_110 = arith.constant 0 : i32
      %cond3A_111 = arith.cmpi ne, %convert_element_type3A_109, %cond3A_110 : i32
      scf.if %cond3A_111 {
        %add3A_112 = arith.constant 2 : i32
        %add3A_113 = arith.addi %add3A_92, %add3A_112 : i32
        %dma_start3A_114 = arith.constant 1 : i32
        %dma_start3A_115 = arith.constant 0 : i32
        %dma_start3A_116 = arith.constant 0 : i32
        %dma_start3A_117 = tpu.memref_slice %arg8[%dma_start3A_114, %dma_start3A_115, %dma_start3A_116] : memref<2x125x128xbf16, #tpu.memory_space<vmem>> -> memref<1x125x128xbf16, #tpu.memory_space<vmem>>
        %dma_start3A_118 = tpu.memref_squeeze %dma_start3A_117 : memref<1x125x128xbf16, #tpu.memory_space<vmem>> -> memref<125x128xbf16, #tpu.memory_space<vmem>>
        %dma_start3A_119 = arith.constant 0 : i32
        %dma_start3A_120 = tpu.memref_slice %arg6[%add3A_113, %dma_start3A_119] : memref<40x125xi32, #tpu.memory_space<vmem>> -> memref<1x125xi32, #tpu.memory_space<vmem>>
        %dma_start3A_121 = tpu.memref_squeeze %dma_start3A_120 : memref<1x125xi32, #tpu.memory_space<vmem>> -> memref<125xi32, #tpu.memory_space<vmem>>
        %dma_start3A_122 = arith.constant 0 : i32
        %dma_start3A_123 = arith.constant 0 : i32
        %dma_start3A_124 = tpu.memref_slice %arg2[%dma_start3A_122, %dma_start3A_123] : memref<10000x128xbf16, #tpu.memory_space<hbm>> -> memref<10000x128xbf16, #tpu.memory_space<hbm>>
        tpu.enqueue_indirect_dma source(%dma_start3A_124 : memref<10000x128xbf16, #tpu.memory_space<hbm>>) target(%dma_start3A_118 : memref<125x128xbf16, #tpu.memory_space<vmem>>) offsets(%dma_start3A_121 : memref<125xi32, #tpu.memory_space<vmem>>) semaphore(%arg11 : memref<!tpu.dma_semaphore, #tpu.memory_space<semaphore_mem>>)
      } else {
      }
    }
    %scan3A_63 = arith.constant 20 : i32
    %barrier3A_64 = arith.constant 0 : index
    tpu.barrier barrier_id(%barrier3A_64)
    %mul3A_65 = arith.constant 625 : i32
    %mul3A_66 = arith.muli %arg1, %mul3A_65 : i32
    %mul3A_67 = arith.constant 625 : i32
    %mul3A_68 = arith.muli %arg1, %mul3A_67 : i32
    "tpu.region"() ({
      %run_scoped3A_69 = tpu.sem_alloc : memref<!tpu.dma_semaphore, #tpu.memory_space<semaphore_mem>>
      %dma_start3A_70 = arith.constant 0 : i32
      %dma_start3A_71 = tpu.memref_slice %arg5[%arg0, %mul3A_68, %dma_start3A_70] : memref<2x10000x128xbf16, #tpu.memory_space<hbm>> -> memref<1x625x128xbf16, #tpu.memory_space<hbm>>
      %dma_start3A_72 = tpu.memref_squeeze %dma_start3A_71 : memref<1x625x128xbf16, #tpu.memory_space<hbm>> -> memref<625x128xbf16, #tpu.memory_space<hbm>>
      %dma_start3A_73 = arith.constant 0 : i32
      %dma_start3A_74 = tpu.memref_slice %arg9[%mul3A_66, %dma_start3A_73] : memref<10000x128xbf16, #tpu.memory_space<vmem_shared>> -> memref<625x128xbf16, #tpu.memory_space<vmem_shared>>
      tpu.enqueue_dma source(%dma_start3A_74 : memref<625x128xbf16, #tpu.memory_space<vmem_shared>>) target(%dma_start3A_72 : memref<625x128xbf16, #tpu.memory_space<hbm>>) target_semaphore(%run_scoped3A_69 : memref<!tpu.dma_semaphore, #tpu.memory_space<semaphore_mem>>)
      %dma_wait3A = arith.constant 0 : i32
      %dma_wait3A_75 = tpu.memref_slice %arg5[%arg0, %mul3A_68, %dma_wait3A] : memref<2x10000x128xbf16, #tpu.memory_space<hbm>> -> memref<1x625x128xbf16, #tpu.memory_space<hbm>>
      %dma_wait3A_76 = tpu.memref_squeeze %dma_wait3A_75 : memref<1x625x128xbf16, #tpu.memory_space<hbm>> -> memref<625x128xbf16, #tpu.memory_space<hbm>>
      %dma_wait3A_77 = arith.constant 0 : i32
      %dma_wait3A_78 = tpu.memref_slice %arg9[%mul3A_66, %dma_wait3A_77] : memref<10000x128xbf16, #tpu.memory_space<vmem_shared>> -> memref<625x128xbf16, #tpu.memory_space<vmem_shared>>
      tpu.wait_dma2 semaphore(%run_scoped3A_69 : memref<!tpu.dma_semaphore, #tpu.memory_space<semaphore_mem>>) src(%dma_wait3A_78 : memref<625x128xbf16, #tpu.memory_space<vmem_shared>>) dst(%dma_wait3A_76 : memref<625x128xbf16, #tpu.memory_space<hbm>>)
      tpu.yield
    }) : () -> ()
    return
  }
}

#map = affine_map<(d0, d1) -> (0, 0)>
#map1 = affine_map<(d0, d1) -> (0, 0, 0, 0)>
#map2 = affine_map<(d0, d1) -> (0, 0, 0)>
module attributes {stable_mosaic.version = 14 : i64} {
  func.func @_sc_conv_body(%arg0: i32, %arg1: i32, %arg2: memref<10000x128xbf16, #tpu.memory_space<hbm>>, %arg3: memref<2x32x80x125xi32, #tpu.memory_space<hbm>>, %arg4: memref<625x128xbf16, #tpu.memory_space<hbm>>, %arg5: memref<2x10000x128xbf16, #tpu.memory_space<hbm>>, %arg6: memref<40x125xi32, #tpu.memory_space<vmem>>, %arg7: memref<40x125xi32, #tpu.memory_space<vmem>>, %arg8: memref<2x125x128xbf16, #tpu.memory_space<vmem>>, %arg9: memref<10000x128xbf16, #tpu.memory_space<vmem_shared>>, %arg10: memref<!tpu.dma_semaphore, #tpu.memory_space<semaphore_mem>>, %arg11: memref<!tpu.dma_semaphore, #tpu.memory_space<semaphore_mem>>) attributes {dimension_semantics = [#tpu.dimension_semantics<core_parallel>, #tpu.dimension_semantics<subcore_parallel>], iteration_bounds = array<i64: 2, 16>, scalar_prefetch = 0 : i64, scratch_operands = 6 : i64, tpu.core_type = #tpu.core_type<sc_vector_subcore>, window_params = [{transform_indices = #map}, {transform_indices = #map1}, {transform_indices = #map}, {transform_indices = #map2}]} {
    %mul3A = arith.constant 16 : i32
    %mul3A_0 = arith.muli %arg0, %mul3A : i32
    %add3A = arith.addi %mul3A_0, %arg1 : i32
    %run_scoped3A = arith.constant 0 : i32
    "tpu.region"() ({
      %run_scoped3A_69 = tpu.sem_alloc : memref<!tpu.dma_semaphore, #tpu.memory_space<semaphore_mem>>
      %dma_start3A_70 = arith.constant 0 : i32
      %dma_start3A_71 = arith.constant 0 : i32
      %dma_start3A_72 = tpu.memref_slice %arg3[%run_scoped3A, %add3A, %dma_start3A_70, %dma_start3A_71] : memref<2x32x80x125xi32, #tpu.memory_space<hbm>> -> memref<1x1x40x125xi32, #tpu.memory_space<hbm>>
      %dma_start3A_73 = tpu.memref_squeeze %dma_start3A_72 : memref<1x1x40x125xi32, #tpu.memory_space<hbm>> -> memref<40x125xi32, #tpu.memory_space<hbm>>
      %dma_start3A_74 = arith.constant 0 : i32
      %dma_start3A_75 = arith.constant 0 : i32
      %dma_start3A_76 = tpu.memref_slice %arg3[%run_scoped3A, %add3A, %dma_start3A_74, %dma_start3A_75] : memref<2x32x80x125xi32, #tpu.memory_space<hbm>> -> memref<1x1x40x125xi32, #tpu.memory_space<hbm>>
      %dma_start3A_77 = tpu.memref_squeeze %dma_start3A_76 : memref<1x1x40x125xi32, #tpu.memory_space<hbm>> -> memref<40x125xi32, #tpu.memory_space<hbm>>
      tpu.enqueue_dma source(%dma_start3A_77 : memref<40x125xi32, #tpu.memory_space<hbm>>) target(%arg6 : memref<40x125xi32, #tpu.memory_space<vmem>>) target_semaphore(%run_scoped3A_69 : memref<!tpu.dma_semaphore, #tpu.memory_space<semaphore_mem>>)
      %dma_wait3A = arith.constant 0 : i32
      %dma_wait3A_78 = arith.constant 0 : i32
      %dma_wait3A_79 = tpu.memref_slice %arg3[%run_scoped3A, %add3A, %dma_wait3A, %dma_wait3A_78] : memref<2x32x80x125xi32, #tpu.memory_space<hbm>> -> memref<1x1x40x125xi32, #tpu.memory_space<hbm>>
      %dma_wait3A_80 = tpu.memref_squeeze %dma_wait3A_79 : memref<1x1x40x125xi32, #tpu.memory_space<hbm>> -> memref<40x125xi32, #tpu.memory_space<hbm>>
      %dma_wait3A_81 = arith.constant 0 : i32
      %dma_wait3A_82 = arith.constant 0 : i32
      %dma_wait3A_83 = tpu.memref_slice %arg3[%run_scoped3A, %add3A, %dma_wait3A_81, %dma_wait3A_82] : memref<2x32x80x125xi32, #tpu.memory_space<hbm>> -> memref<1x1x40x125xi32, #tpu.memory_space<hbm>>
      %dma_wait3A_84 = tpu.memref_squeeze %dma_wait3A_83 : memref<1x1x40x125xi32, #tpu.memory_space<hbm>> -> memref<40x125xi32, #tpu.memory_space<hbm>>
      tpu.wait_dma2 semaphore(%run_scoped3A_69 : memref<!tpu.dma_semaphore, #tpu.memory_space<semaphore_mem>>) src(%dma_wait3A_84 : memref<40x125xi32, #tpu.memory_space<hbm>>) dst(%arg6 : memref<40x125xi32, #tpu.memory_space<vmem>>)
      tpu.yield
    }) : () -> ()
    %run_scoped3A_1 = arith.constant 1 : i32
    "tpu.region"() ({
      %run_scoped3A_69 = tpu.sem_alloc : memref<!tpu.dma_semaphore, #tpu.memory_space<semaphore_mem>>
      %dma_start3A_70 = arith.constant 0 : i32
      %dma_start3A_71 = arith.constant 0 : i32
      %dma_start3A_72 = tpu.memref_slice %arg3[%run_scoped3A_1, %add3A, %dma_start3A_70, %dma_start3A_71] : memref<2x32x80x125xi32, #tpu.memory_space<hbm>> -> memref<1x1x40x125xi32, #tpu.memory_space<hbm>>
      %dma_start3A_73 = tpu.memref_squeeze %dma_start3A_72 : memref<1x1x40x125xi32, #tpu.memory_space<hbm>> -> memref<40x125xi32, #tpu.memory_space<hbm>>
      %dma_start3A_74 = arith.constant 0 : i32
      %dma_start3A_75 = arith.constant 0 : i32
      %dma_start3A_76 = tpu.memref_slice %arg3[%run_scoped3A_1, %add3A, %dma_start3A_74, %dma_start3A_75] : memref<2x32x80x125xi32, #tpu.memory_space<hbm>> -> memref<1x1x40x125xi32, #tpu.memory_space<hbm>>
      %dma_start3A_77 = tpu.memref_squeeze %dma_start3A_76 : memref<1x1x40x125xi32, #tpu.memory_space<hbm>> -> memref<40x125xi32, #tpu.memory_space<hbm>>
      tpu.enqueue_dma source(%dma_start3A_77 : memref<40x125xi32, #tpu.memory_space<hbm>>) target(%arg7 : memref<40x125xi32, #tpu.memory_space<vmem>>) target_semaphore(%run_scoped3A_69 : memref<!tpu.dma_semaphore, #tpu.memory_space<semaphore_mem>>)
      %dma_wait3A = arith.constant 0 : i32
      %dma_wait3A_78 = arith.constant 0 : i32
      %dma_wait3A_79 = tpu.memref_slice %arg3[%run_scoped3A_1, %add3A, %dma_wait3A, %dma_wait3A_78] : memref<2x32x80x125xi32, #tpu.memory_space<hbm>> -> memref<1x1x40x125xi32, #tpu.memory_space<hbm>>
      %dma_wait3A_80 = tpu.memref_squeeze %dma_wait3A_79 : memref<1x1x40x125xi32, #tpu.memory_space<hbm>> -> memref<40x125xi32, #tpu.memory_space<hbm>>
      %dma_wait3A_81 = arith.constant 0 : i32
      %dma_wait3A_82 = arith.constant 0 : i32
      %dma_wait3A_83 = tpu.memref_slice %arg3[%run_scoped3A_1, %add3A, %dma_wait3A_81, %dma_wait3A_82] : memref<2x32x80x125xi32, #tpu.memory_space<hbm>> -> memref<1x1x40x125xi32, #tpu.memory_space<hbm>>
      %dma_wait3A_84 = tpu.memref_squeeze %dma_wait3A_83 : memref<1x1x40x125xi32, #tpu.memory_space<hbm>> -> memref<40x125xi32, #tpu.memory_space<hbm>>
      tpu.wait_dma2 semaphore(%run_scoped3A_69 : memref<!tpu.dma_semaphore, #tpu.memory_space<semaphore_mem>>) src(%dma_wait3A_84 : memref<40x125xi32, #tpu.memory_space<hbm>>) dst(%arg7 : memref<40x125xi32, #tpu.memory_space<vmem>>)
      tpu.yield
    }) : () -> ()
    %dma_start3A = arith.constant 0 : i32
    %dma_start3A_2 = arith.constant 0 : i32
    %dma_start3A_3 = arith.constant 0 : i32
    %dma_start3A_4 = arith.constant 0 : i32
    %dma_start3A_5 = tpu.memref_slice %arg8[%dma_start3A_2, %dma_start3A_3, %dma_start3A_4] : memref<2x125x128xbf16, #tpu.memory_space<vmem>> -> memref<1x125x128xbf16, #tpu.memory_space<vmem>>
    %dma_start3A_6 = tpu.memref_squeeze %dma_start3A_5 : memref<1x125x128xbf16, #tpu.memory_space<vmem>> -> memref<125x128xbf16, #tpu.memory_space<vmem>>
    %dma_start3A_7 = arith.constant 0 : i32
    %dma_start3A_8 = tpu.memref_slice %arg6[%dma_start3A, %dma_start3A_7] : memref<40x125xi32, #tpu.memory_space<vmem>> -> memref<1x125xi32, #tpu.memory_space<vmem>>
    %dma_start3A_9 = tpu.memref_squeeze %dma_start3A_8 : memref<1x125xi32, #tpu.memory_space<vmem>> -> memref<125xi32, #tpu.memory_space<vmem>>
    %dma_start3A_10 = arith.constant 0 : i32
    %dma_start3A_11 = arith.constant 0 : i32
    %dma_start3A_12 = tpu.memref_slice %arg2[%dma_start3A_10, %dma_start3A_11] : memref<10000x128xbf16, #tpu.memory_space<hbm>> -> memref<10000x128xbf16, #tpu.memory_space<hbm>>
    tpu.enqueue_indirect_dma source(%dma_start3A_12 : memref<10000x128xbf16, #tpu.memory_space<hbm>>) target(%dma_start3A_6 : memref<125x128xbf16, #tpu.memory_space<vmem>>) offsets(%dma_start3A_9 : memref<125xi32, #tpu.memory_space<vmem>>) semaphore(%arg10 : memref<!tpu.dma_semaphore, #tpu.memory_space<semaphore_mem>>)
    %dma_start3A_13 = arith.constant 1 : i32
    %dma_start3A_14 = arith.constant 1 : i32
    %dma_start3A_15 = arith.constant 0 : i32
    %dma_start3A_16 = arith.constant 0 : i32
    %dma_start3A_17 = tpu.memref_slice %arg8[%dma_start3A_14, %dma_start3A_15, %dma_start3A_16] : memref<2x125x128xbf16, #tpu.memory_space<vmem>> -> memref<1x125x128xbf16, #tpu.memory_space<vmem>>
    %dma_start3A_18 = tpu.memref_squeeze %dma_start3A_17 : memref<1x125x128xbf16, #tpu.memory_space<vmem>> -> memref<125x128xbf16, #tpu.memory_space<vmem>>
    %dma_start3A_19 = arith.constant 0 : i32
    %dma_start3A_20 = tpu.memref_slice %arg6[%dma_start3A_13, %dma_start3A_19] : memref<40x125xi32, #tpu.memory_space<vmem>> -> memref<1x125xi32, #tpu.memory_space<vmem>>
    %dma_start3A_21 = tpu.memref_squeeze %dma_start3A_20 : memref<1x125xi32, #tpu.memory_space<vmem>> -> memref<125xi32, #tpu.memory_space<vmem>>
    %dma_start3A_22 = arith.constant 0 : i32
    %dma_start3A_23 = arith.constant 0 : i32
    %dma_start3A_24 = tpu.memref_slice %arg2[%dma_start3A_22, %dma_start3A_23] : memref<10000x128xbf16, #tpu.memory_space<hbm>> -> memref<10000x128xbf16, #tpu.memory_space<hbm>>
    tpu.enqueue_indirect_dma source(%dma_start3A_24 : memref<10000x128xbf16, #tpu.memory_space<hbm>>) target(%dma_start3A_18 : memref<125x128xbf16, #tpu.memory_space<vmem>>) offsets(%dma_start3A_21 : memref<125xi32, #tpu.memory_space<vmem>>) semaphore(%arg11 : memref<!tpu.dma_semaphore, #tpu.memory_space<semaphore_mem>>)
    %mul3A_25 = arith.constant 625 : i32
    %mul3A_26 = arith.muli %arg1, %mul3A_25 : i32
    "tpu.region"() ({
      %run_scoped3A_69 = tpu.sem_alloc : memref<!tpu.dma_semaphore, #tpu.memory_space<semaphore_mem>>
      %dma_start3A_70 = arith.constant 0 : i32
      %dma_start3A_71 = tpu.memref_slice %arg9[%mul3A_26, %dma_start3A_70] : memref<10000x128xbf16, #tpu.memory_space<vmem_shared>> -> memref<625x128xbf16, #tpu.memory_space<vmem_shared>>
      tpu.enqueue_dma source(%arg4 : memref<625x128xbf16, #tpu.memory_space<hbm>>) target(%dma_start3A_71 : memref<625x128xbf16, #tpu.memory_space<vmem_shared>>) target_semaphore(%run_scoped3A_69 : memref<!tpu.dma_semaphore, #tpu.memory_space<semaphore_mem>>)
      %dma_wait3A = arith.constant 0 : i32
      %dma_wait3A_72 = tpu.memref_slice %arg9[%mul3A_26, %dma_wait3A] : memref<10000x128xbf16, #tpu.memory_space<vmem_shared>> -> memref<625x128xbf16, #tpu.memory_space<vmem_shared>>
      tpu.wait_dma2 semaphore(%run_scoped3A_69 : memref<!tpu.dma_semaphore, #tpu.memory_space<semaphore_mem>>) src(%arg4 : memref<625x128xbf16, #tpu.memory_space<hbm>>) dst(%dma_wait3A_72 : memref<625x128xbf16, #tpu.memory_space<vmem_shared>>)
      tpu.yield
    }) : () -> ()
    %barrier3A = arith.constant 0 : index
    tpu.barrier barrier_id(%barrier3A)
    %scan3A = arith.constant 0 : i32
    %scan3A_27 = arith.constant 0 : i32
    %scan3A_28 = arith.constant 20 : i32
    %scan3A_29 = arith.addi %scan3A_27, %scan3A_28 : i32
    %scan3A_30 = arith.constant 1 : i32
    scf.for %scan3A_69 = %scan3A_27 to %scan3A_29 step %scan3A_30  : i32 {
      %mul3A_70 = arith.constant 2 : i32
      %mul3A_71 = arith.muli %scan3A_69, %mul3A_70 : i32
      %add3A_72 = arith.constant 0 : i32
      %add3A_73 = arith.addi %mul3A_71, %add3A_72 : i32
      %dma_wait3A = arith.constant 0 : i32
      %dma_wait3A_74 = arith.constant 0 : i32
      %dma_wait3A_75 = arith.constant 0 : i32
      %dma_wait3A_76 = tpu.memref_slice %arg8[%dma_wait3A, %dma_wait3A_74, %dma_wait3A_75] : memref<2x125x128xbf16, #tpu.memory_space<vmem>> -> memref<1x125x128xbf16, #tpu.memory_space<vmem>>
      %dma_wait3A_77 = tpu.memref_squeeze %dma_wait3A_76 : memref<1x125x128xbf16, #tpu.memory_space<vmem>> -> memref<125x128xbf16, #tpu.memory_space<vmem>>
      %dma_wait3A_78 = arith.constant 0 : i32
      %dma_wait3A_79 = tpu.memref_slice %arg6[%add3A_73, %dma_wait3A_78] : memref<40x125xi32, #tpu.memory_space<vmem>> -> memref<1x125xi32, #tpu.memory_space<vmem>>
      %dma_wait3A_80 = tpu.memref_squeeze %dma_wait3A_79 : memref<1x125xi32, #tpu.memory_space<vmem>> -> memref<125xi32, #tpu.memory_space<vmem>>
      %dma_wait3A_81 = arith.constant 0 : i32
      %dma_wait3A_82 = arith.constant 0 : i32
      %dma_wait3A_83 = tpu.memref_slice %arg2[%dma_wait3A_81, %dma_wait3A_82] : memref<10000x128xbf16, #tpu.memory_space<hbm>> -> memref<10000x128xbf16, #tpu.memory_space<hbm>>
      tpu.wait_indirect_dma semaphore(%arg10 : memref<!tpu.dma_semaphore, #tpu.memory_space<semaphore_mem>>) src(%dma_wait3A_83 : memref<10000x128xbf16, #tpu.memory_space<hbm>>) dst(%dma_wait3A_77 : memref<125x128xbf16, #tpu.memory_space<vmem>>)
      %run_scoped3A_84 = arith.constant 0 : i32
      "tpu.region"() ({
        %run_scoped3A_112 = tpu.sem_alloc : memref<!tpu.dma_semaphore, #tpu.memory_space<semaphore_mem>>
        %dma_start3A_113 = arith.constant 0 : i32
        %dma_start3A_114 = arith.constant 0 : i32
        %dma_start3A_115 = tpu.memref_slice %arg8[%run_scoped3A_84, %dma_start3A_113, %dma_start3A_114] : memref<2x125x128xbf16, #tpu.memory_space<vmem>> -> memref<1x125x128xbf16, #tpu.memory_space<vmem>>
        %dma_start3A_116 = tpu.memref_squeeze %dma_start3A_115 : memref<1x125x128xbf16, #tpu.memory_space<vmem>> -> memref<125x128xbf16, #tpu.memory_space<vmem>>
        %dma_start3A_117 = arith.constant 0 : i32
        %dma_start3A_118 = tpu.memref_slice %arg7[%add3A_73, %dma_start3A_117] : memref<40x125xi32, #tpu.memory_space<vmem>> -> memref<1x125xi32, #tpu.memory_space<vmem>>
        %dma_start3A_119 = tpu.memref_squeeze %dma_start3A_118 : memref<1x125xi32, #tpu.memory_space<vmem>> -> memref<125xi32, #tpu.memory_space<vmem>>
        %dma_start3A_120 = arith.constant 0 : i32
        %dma_start3A_121 = arith.constant 0 : i32
        %dma_start3A_122 = tpu.memref_slice %arg9[%dma_start3A_120, %dma_start3A_121] : memref<10000x128xbf16, #tpu.memory_space<vmem_shared>> -> memref<10000x128xbf16, #tpu.memory_space<vmem_shared>>
        tpu.enqueue_indirect_dma source(%dma_start3A_116 : memref<125x128xbf16, #tpu.memory_space<vmem>>) target(%dma_start3A_122 : memref<10000x128xbf16, #tpu.memory_space<vmem_shared>>) offsets(%dma_start3A_119 : memref<125xi32, #tpu.memory_space<vmem>>) semaphore(%run_scoped3A_112 : memref<!tpu.dma_semaphore, #tpu.memory_space<semaphore_mem>>) {add = true}
        %dma_wait3A_123 = arith.constant 0 : i32
        %dma_wait3A_124 = arith.constant 0 : i32
        %dma_wait3A_125 = tpu.memref_slice %arg8[%run_scoped3A_84, %dma_wait3A_123, %dma_wait3A_124] : memref<2x125x128xbf16, #tpu.memory_space<vmem>> -> memref<1x125x128xbf16, #tpu.memory_space<vmem>>
        %dma_wait3A_126 = tpu.memref_squeeze %dma_wait3A_125 : memref<1x125x128xbf16, #tpu.memory_space<vmem>> -> memref<125x128xbf16, #tpu.memory_space<vmem>>
        %dma_wait3A_127 = arith.constant 0 : i32
        %dma_wait3A_128 = tpu.memref_slice %arg7[%add3A_73, %dma_wait3A_127] : memref<40x125xi32, #tpu.memory_space<vmem>> -> memref<1x125xi32, #tpu.memory_space<vmem>>
        %dma_wait3A_129 = tpu.memref_squeeze %dma_wait3A_128 : memref<1x125xi32, #tpu.memory_space<vmem>> -> memref<125xi32, #tpu.memory_space<vmem>>
        %dma_wait3A_130 = arith.constant 0 : i32
        %dma_wait3A_131 = arith.constant 0 : i32
        %dma_wait3A_132 = tpu.memref_slice %arg9[%dma_wait3A_130, %dma_wait3A_131] : memref<10000x128xbf16, #tpu.memory_space<vmem_shared>> -> memref<10000x128xbf16, #tpu.memory_space<vmem_shared>>
        tpu.wait_indirect_dma semaphore(%run_scoped3A_112 : memref<!tpu.dma_semaphore, #tpu.memory_space<semaphore_mem>>) src(%dma_wait3A_126 : memref<125x128xbf16, #tpu.memory_space<vmem>>) dst(%dma_wait3A_132 : memref<10000x128xbf16, #tpu.memory_space<vmem_shared>>)
        tpu.yield
      }) : () -> ()
      %add3A_85 = arith.constant 2 : i32
      %add3A_86 = arith.addi %add3A_73, %add3A_85 : i32
      %lt3A = arith.constant 40 : i32
      %lt3A_87 = arith.cmpi slt, %add3A_86, %lt3A : i32
      %convert_element_type3A = arith.extui %lt3A_87 : i1 to i32
      %cond3A = arith.constant 0 : i32
      %cond3A_88 = arith.cmpi ne, %convert_element_type3A, %cond3A : i32
      scf.if %cond3A_88 {
        %add3A_112 = arith.constant 2 : i32
        %add3A_113 = arith.addi %add3A_73, %add3A_112 : i32
        %dma_start3A_114 = arith.constant 0 : i32
        %dma_start3A_115 = arith.constant 0 : i32
        %dma_start3A_116 = arith.constant 0 : i32
        %dma_start3A_117 = tpu.memref_slice %arg8[%dma_start3A_114, %dma_start3A_115, %dma_start3A_116] : memref<2x125x128xbf16, #tpu.memory_space<vmem>> -> memref<1x125x128xbf16, #tpu.memory_space<vmem>>
        %dma_start3A_118 = tpu.memref_squeeze %dma_start3A_117 : memref<1x125x128xbf16, #tpu.memory_space<vmem>> -> memref<125x128xbf16, #tpu.memory_space<vmem>>
        %dma_start3A_119 = arith.constant 0 : i32
        %dma_start3A_120 = tpu.memref_slice %arg6[%add3A_113, %dma_start3A_119] : memref<40x125xi32, #tpu.memory_space<vmem>> -> memref<1x125xi32, #tpu.memory_space<vmem>>
        %dma_start3A_121 = tpu.memref_squeeze %dma_start3A_120 : memref<1x125xi32, #tpu.memory_space<vmem>> -> memref<125xi32, #tpu.memory_space<vmem>>
        %dma_start3A_122 = arith.constant 0 : i32
        %dma_start3A_123 = arith.constant 0 : i32
        %dma_start3A_124 = tpu.memref_slice %arg2[%dma_start3A_122, %dma_start3A_123] : memref<10000x128xbf16, #tpu.memory_space<hbm>> -> memref<10000x128xbf16, #tpu.memory_space<hbm>>
        tpu.enqueue_indirect_dma source(%dma_start3A_124 : memref<10000x128xbf16, #tpu.memory_space<hbm>>) target(%dma_start3A_118 : memref<125x128xbf16, #tpu.memory_space<vmem>>) offsets(%dma_start3A_121 : memref<125xi32, #tpu.memory_space<vmem>>) semaphore(%arg10 : memref<!tpu.dma_semaphore, #tpu.memory_space<semaphore_mem>>)
      } else {
      }
      %mul3A_89 = arith.constant 2 : i32
      %mul3A_90 = arith.muli %scan3A_69, %mul3A_89 : i32
      %add3A_91 = arith.constant 1 : i32
      %add3A_92 = arith.addi %mul3A_90, %add3A_91 : i32
      %dma_wait3A_93 = arith.constant 1 : i32
      %dma_wait3A_94 = arith.constant 0 : i32
      %dma_wait3A_95 = arith.constant 0 : i32
      %dma_wait3A_96 = tpu.memref_slice %arg8[%dma_wait3A_93, %dma_wait3A_94, %dma_wait3A_95] : memref<2x125x128xbf16, #tpu.memory_space<vmem>> -> memref<1x125x128xbf16, #tpu.memory_space<vmem>>
      %dma_wait3A_97 = tpu.memref_squeeze %dma_wait3A_96 : memref<1x125x128xbf16, #tpu.memory_space<vmem>> -> memref<125x128xbf16, #tpu.memory_space<vmem>>
      %dma_wait3A_98 = arith.constant 0 : i32
      %dma_wait3A_99 = tpu.memref_slice %arg6[%add3A_92, %dma_wait3A_98] : memref<40x125xi32, #tpu.memory_space<vmem>> -> memref<1x125xi32, #tpu.memory_space<vmem>>
      %dma_wait3A_100 = tpu.memref_squeeze %dma_wait3A_99 : memref<1x125xi32, #tpu.memory_space<vmem>> -> memref<125xi32, #tpu.memory_space<vmem>>
      %dma_wait3A_101 = arith.constant 0 : i32
      %dma_wait3A_102 = arith.constant 0 : i32
      %dma_wait3A_103 = tpu.memref_slice %arg2[%dma_wait3A_101, %dma_wait3A_102] : memref<10000x128xbf16, #tpu.memory_space<hbm>> -> memref<10000x128xbf16, #tpu.memory_space<hbm>>
      tpu.wait_indirect_dma semaphore(%arg11 : memref<!tpu.dma_semaphore, #tpu.memory_space<semaphore_mem>>) src(%dma_wait3A_103 : memref<10000x128xbf16, #tpu.memory_space<hbm>>) dst(%dma_wait3A_97 : memref<125x128xbf16, #tpu.memory_space<vmem>>)
      %run_scoped3A_104 = arith.constant 1 : i32
      "tpu.region"() ({
        %run_scoped3A_112 = tpu.sem_alloc : memref<!tpu.dma_semaphore, #tpu.memory_space<semaphore_mem>>
        %dma_start3A_113 = arith.constant 0 : i32
        %dma_start3A_114 = arith.constant 0 : i32
        %dma_start3A_115 = tpu.memref_slice %arg8[%run_scoped3A_104, %dma_start3A_113, %dma_start3A_114] : memref<2x125x128xbf16, #tpu.memory_space<vmem>> -> memref<1x125x128xbf16, #tpu.memory_space<vmem>>
        %dma_start3A_116 = tpu.memref_squeeze %dma_start3A_115 : memref<1x125x128xbf16, #tpu.memory_space<vmem>> -> memref<125x128xbf16, #tpu.memory_space<vmem>>
        %dma_start3A_117 = arith.constant 0 : i32
        %dma_start3A_118 = tpu.memref_slice %arg7[%add3A_92, %dma_start3A_117] : memref<40x125xi32, #tpu.memory_space<vmem>> -> memref<1x125xi32, #tpu.memory_space<vmem>>
        %dma_start3A_119 = tpu.memref_squeeze %dma_start3A_118 : memref<1x125xi32, #tpu.memory_space<vmem>> -> memref<125xi32, #tpu.memory_space<vmem>>
        %dma_start3A_120 = arith.constant 0 : i32
        %dma_start3A_121 = arith.constant 0 : i32
        %dma_start3A_122 = tpu.memref_slice %arg9[%dma_start3A_120, %dma_start3A_121] : memref<10000x128xbf16, #tpu.memory_space<vmem_shared>> -> memref<10000x128xbf16, #tpu.memory_space<vmem_shared>>
        tpu.enqueue_indirect_dma source(%dma_start3A_116 : memref<125x128xbf16, #tpu.memory_space<vmem>>) target(%dma_start3A_122 : memref<10000x128xbf16, #tpu.memory_space<vmem_shared>>) offsets(%dma_start3A_119 : memref<125xi32, #tpu.memory_space<vmem>>) semaphore(%run_scoped3A_112 : memref<!tpu.dma_semaphore, #tpu.memory_space<semaphore_mem>>) {add = true}
        %dma_wait3A_123 = arith.constant 0 : i32
        %dma_wait3A_124 = arith.constant 0 : i32
        %dma_wait3A_125 = tpu.memref_slice %arg8[%run_scoped3A_104, %dma_wait3A_123, %dma_wait3A_124] : memref<2x125x128xbf16, #tpu.memory_space<vmem>> -> memref<1x125x128xbf16, #tpu.memory_space<vmem>>
        %dma_wait3A_126 = tpu.memref_squeeze %dma_wait3A_125 : memref<1x125x128xbf16, #tpu.memory_space<vmem>> -> memref<125x128xbf16, #tpu.memory_space<vmem>>
        %dma_wait3A_127 = arith.constant 0 : i32
        %dma_wait3A_128 = tpu.memref_slice %arg7[%add3A_92, %dma_wait3A_127] : memref<40x125xi32, #tpu.memory_space<vmem>> -> memref<1x125xi32, #tpu.memory_space<vmem>>
        %dma_wait3A_129 = tpu.memref_squeeze %dma_wait3A_128 : memref<1x125xi32, #tpu.memory_space<vmem>> -> memref<125xi32, #tpu.memory_space<vmem>>
        %dma_wait3A_130 = arith.constant 0 : i32
        %dma_wait3A_131 = arith.constant 0 : i32
        %dma_wait3A_132 = tpu.memref_slice %arg9[%dma_wait3A_130, %dma_wait3A_131] : memref<10000x128xbf16, #tpu.memory_space<vmem_shared>> -> memref<10000x128xbf16, #tpu.memory_space<vmem_shared>>
        tpu.wait_indirect_dma semaphore(%run_scoped3A_112 : memref<!tpu.dma_semaphore, #tpu.memory_space<semaphore_mem>>) src(%dma_wait3A_126 : memref<125x128xbf16, #tpu.memory_space<vmem>>) dst(%dma_wait3A_132 : memref<10000x128xbf16, #tpu.memory_space<vmem_shared>>)
        tpu.yield
      }) : () -> ()
      %add3A_105 = arith.constant 2 : i32
      %add3A_106 = arith.addi %add3A_92, %add3A_105 : i32
      %lt3A_107 = arith.constant 40 : i32
      %lt3A_108 = arith.cmpi slt, %add3A_106, %lt3A_107 : i32
      %convert_element_type3A_109 = arith.extui %lt3A_108 : i1 to i32
      %cond3A_110 = arith.constant 0 : i32
      %cond3A_111 = arith.cmpi ne, %convert_element_type3A_109, %cond3A_110 : i32
      scf.if %cond3A_111 {
        %add3A_112 = arith.constant 2 : i32
        %add3A_113 = arith.addi %add3A_92, %add3A_112 : i32
        %dma_start3A_114 = arith.constant 1 : i32
        %dma_start3A_115 = arith.constant 0 : i32
        %dma_start3A_116 = arith.constant 0 : i32
        %dma_start3A_117 = tpu.memref_slice %arg8[%dma_start3A_114, %dma_start3A_115, %dma_start3A_116] : memref<2x125x128xbf16, #tpu.memory_space<vmem>> -> memref<1x125x128xbf16, #tpu.memory_space<vmem>>
        %dma_start3A_118 = tpu.memref_squeeze %dma_start3A_117 : memref<1x125x128xbf16, #tpu.memory_space<vmem>> -> memref<125x128xbf16, #tpu.memory_space<vmem>>
        %dma_start3A_119 = arith.constant 0 : i32
        %dma_start3A_120 = tpu.memref_slice %arg6[%add3A_113, %dma_start3A_119] : memref<40x125xi32, #tpu.memory_space<vmem>> -> memref<1x125xi32, #tpu.memory_space<vmem>>
        %dma_start3A_121 = tpu.memref_squeeze %dma_start3A_120 : memref<1x125xi32, #tpu.memory_space<vmem>> -> memref<125xi32, #tpu.memory_space<vmem>>
        %dma_start3A_122 = arith.constant 0 : i32
        %dma_start3A_123 = arith.constant 0 : i32
        %dma_start3A_124 = tpu.memref_slice %arg2[%dma_start3A_122, %dma_start3A_123] : memref<10000x128xbf16, #tpu.memory_space<hbm>> -> memref<10000x128xbf16, #tpu.memory_space<hbm>>
        tpu.enqueue_indirect_dma source(%dma_start3A_124 : memref<10000x128xbf16, #tpu.memory_space<hbm>>) target(%dma_start3A_118 : memref<125x128xbf16, #tpu.memory_space<vmem>>) offsets(%dma_start3A_121 : memref<125xi32, #tpu.memory_space<vmem>>) semaphore(%arg11 : memref<!tpu.dma_semaphore, #tpu.memory_space<semaphore_mem>>)
      } else {
      }
    }
    %scan3A_31 = arith.constant 20 : i32
    %run_scoped3A_32 = arith.constant 0 : i32
    "tpu.region"() ({
      %run_scoped3A_69 = tpu.sem_alloc : memref<!tpu.dma_semaphore, #tpu.memory_space<semaphore_mem>>
      %dma_start3A_70 = arith.constant 40 : i32
      %dma_start3A_71 = arith.constant 0 : i32
      %dma_start3A_72 = tpu.memref_slice %arg3[%run_scoped3A_32, %add3A, %dma_start3A_70, %dma_start3A_71] : memref<2x32x80x125xi32, #tpu.memory_space<hbm>> -> memref<1x1x40x125xi32, #tpu.memory_space<hbm>>
      %dma_start3A_73 = tpu.memref_squeeze %dma_start3A_72 : memref<1x1x40x125xi32, #tpu.memory_space<hbm>> -> memref<40x125xi32, #tpu.memory_space<hbm>>
      %dma_start3A_74 = arith.constant 40 : i32
      %dma_start3A_75 = arith.constant 0 : i32
      %dma_start3A_76 = tpu.memref_slice %arg3[%run_scoped3A_32, %add3A, %dma_start3A_74, %dma_start3A_75] : memref<2x32x80x125xi32, #tpu.memory_space<hbm>> -> memref<1x1x40x125xi32, #tpu.memory_space<hbm>>
      %dma_start3A_77 = tpu.memref_squeeze %dma_start3A_76 : memref<1x1x40x125xi32, #tpu.memory_space<hbm>> -> memref<40x125xi32, #tpu.memory_space<hbm>>
      tpu.enqueue_dma source(%dma_start3A_77 : memref<40x125xi32, #tpu.memory_space<hbm>>) target(%arg6 : memref<40x125xi32, #tpu.memory_space<vmem>>) target_semaphore(%run_scoped3A_69 : memref<!tpu.dma_semaphore, #tpu.memory_space<semaphore_mem>>)
      %dma_wait3A = arith.constant 40 : i32
      %dma_wait3A_78 = arith.constant 0 : i32
      %dma_wait3A_79 = tpu.memref_slice %arg3[%run_scoped3A_32, %add3A, %dma_wait3A, %dma_wait3A_78] : memref<2x32x80x125xi32, #tpu.memory_space<hbm>> -> memref<1x1x40x125xi32, #tpu.memory_space<hbm>>
      %dma_wait3A_80 = tpu.memref_squeeze %dma_wait3A_79 : memref<1x1x40x125xi32, #tpu.memory_space<hbm>> -> memref<40x125xi32, #tpu.memory_space<hbm>>
      %dma_wait3A_81 = arith.constant 40 : i32
      %dma_wait3A_82 = arith.constant 0 : i32
      %dma_wait3A_83 = tpu.memref_slice %arg3[%run_scoped3A_32, %add3A, %dma_wait3A_81, %dma_wait3A_82] : memref<2x32x80x125xi32, #tpu.memory_space<hbm>> -> memref<1x1x40x125xi32, #tpu.memory_space<hbm>>
      %dma_wait3A_84 = tpu.memref_squeeze %dma_wait3A_83 : memref<1x1x40x125xi32, #tpu.memory_space<hbm>> -> memref<40x125xi32, #tpu.memory_space<hbm>>
      tpu.wait_dma2 semaphore(%run_scoped3A_69 : memref<!tpu.dma_semaphore, #tpu.memory_space<semaphore_mem>>) src(%dma_wait3A_84 : memref<40x125xi32, #tpu.memory_space<hbm>>) dst(%arg6 : memref<40x125xi32, #tpu.memory_space<vmem>>)
      tpu.yield
    }) : () -> ()
    %run_scoped3A_33 = arith.constant 1 : i32
    "tpu.region"() ({
      %run_scoped3A_69 = tpu.sem_alloc : memref<!tpu.dma_semaphore, #tpu.memory_space<semaphore_mem>>
      %dma_start3A_70 = arith.constant 40 : i32
      %dma_start3A_71 = arith.constant 0 : i32
      %dma_start3A_72 = tpu.memref_slice %arg3[%run_scoped3A_33, %add3A, %dma_start3A_70, %dma_start3A_71] : memref<2x32x80x125xi32, #tpu.memory_space<hbm>> -> memref<1x1x40x125xi32, #tpu.memory_space<hbm>>
      %dma_start3A_73 = tpu.memref_squeeze %dma_start3A_72 : memref<1x1x40x125xi32, #tpu.memory_space<hbm>> -> memref<40x125xi32, #tpu.memory_space<hbm>>
      %dma_start3A_74 = arith.constant 40 : i32
      %dma_start3A_75 = arith.constant 0 : i32
      %dma_start3A_76 = tpu.memref_slice %arg3[%run_scoped3A_33, %add3A, %dma_start3A_74, %dma_start3A_75] : memref<2x32x80x125xi32, #tpu.memory_space<hbm>> -> memref<1x1x40x125xi32, #tpu.memory_space<hbm>>
      %dma_start3A_77 = tpu.memref_squeeze %dma_start3A_76 : memref<1x1x40x125xi32, #tpu.memory_space<hbm>> -> memref<40x125xi32, #tpu.memory_space<hbm>>
      tpu.enqueue_dma source(%dma_start3A_77 : memref<40x125xi32, #tpu.memory_space<hbm>>) target(%arg7 : memref<40x125xi32, #tpu.memory_space<vmem>>) target_semaphore(%run_scoped3A_69 : memref<!tpu.dma_semaphore, #tpu.memory_space<semaphore_mem>>)
      %dma_wait3A = arith.constant 40 : i32
      %dma_wait3A_78 = arith.constant 0 : i32
      %dma_wait3A_79 = tpu.memref_slice %arg3[%run_scoped3A_33, %add3A, %dma_wait3A, %dma_wait3A_78] : memref<2x32x80x125xi32, #tpu.memory_space<hbm>> -> memref<1x1x40x125xi32, #tpu.memory_space<hbm>>
      %dma_wait3A_80 = tpu.memref_squeeze %dma_wait3A_79 : memref<1x1x40x125xi32, #tpu.memory_space<hbm>> -> memref<40x125xi32, #tpu.memory_space<hbm>>
      %dma_wait3A_81 = arith.constant 40 : i32
      %dma_wait3A_82 = arith.constant 0 : i32
      %dma_wait3A_83 = tpu.memref_slice %arg3[%run_scoped3A_33, %add3A, %dma_wait3A_81, %dma_wait3A_82] : memref<2x32x80x125xi32, #tpu.memory_space<hbm>> -> memref<1x1x40x125xi32, #tpu.memory_space<hbm>>
      %dma_wait3A_84 = tpu.memref_squeeze %dma_wait3A_83 : memref<1x1x40x125xi32, #tpu.memory_space<hbm>> -> memref<40x125xi32, #tpu.memory_space<hbm>>
      tpu.wait_dma2 semaphore(%run_scoped3A_69 : memref<!tpu.dma_semaphore, #tpu.memory_space<semaphore_mem>>) src(%dma_wait3A_84 : memref<40x125xi32, #tpu.memory_space<hbm>>) dst(%arg7 : memref<40x125xi32, #tpu.memory_space<vmem>>)
      tpu.yield
    }) : () -> ()
    %dma_start3A_34 = arith.constant 0 : i32
    %dma_start3A_35 = arith.constant 0 : i32
    %dma_start3A_36 = arith.constant 0 : i32
    %dma_start3A_37 = arith.constant 0 : i32
    %dma_start3A_38 = tpu.memref_slice %arg8[%dma_start3A_35, %dma_start3A_36, %dma_start3A_37] : memref<2x125x128xbf16, #tpu.memory_space<vmem>> -> memref<1x125x128xbf16, #tpu.memory_space<vmem>>
    %dma_start3A_39 = tpu.memref_squeeze %dma_start3A_38 : memref<1x125x128xbf16, #tpu.memory_space<vmem>> -> memref<125x128xbf16, #tpu.memory_space<vmem>>
    %dma_start3A_40 = arith.constant 0 : i32
    %dma_start3A_41 = tpu.memref_slice %arg6[%dma_start3A_34, %dma_start3A_40] : memref<40x125xi32, #tpu.memory_space<vmem>> -> memref<1x125xi32, #tpu.memory_space<vmem>>
    %dma_start3A_42 = tpu.memref_squeeze %dma_start3A_41 : memref<1x125xi32, #tpu.memory_space<vmem>> -> memref<125xi32, #tpu.memory_space<vmem>>
    %dma_start3A_43 = arith.constant 0 : i32
    %dma_start3A_44 = arith.constant 0 : i32
    %dma_start3A_45 = tpu.memref_slice %arg2[%dma_start3A_43, %dma_start3A_44] : memref<10000x128xbf16, #tpu.memory_space<hbm>> -> memref<10000x128xbf16, #tpu.memory_space<hbm>>
    tpu.enqueue_indirect_dma source(%dma_start3A_45 : memref<10000x128xbf16, #tpu.memory_space<hbm>>) target(%dma_start3A_39 : memref<125x128xbf16, #tpu.memory_space<vmem>>) offsets(%dma_start3A_42 : memref<125xi32, #tpu.memory_space<vmem>>) semaphore(%arg10 : memref<!tpu.dma_semaphore, #tpu.memory_space<semaphore_mem>>)
    %dma_start3A_46 = arith.constant 1 : i32
    %dma_start3A_47 = arith.constant 1 : i32
    %dma_start3A_48 = arith.constant 0 : i32
    %dma_start3A_49 = arith.constant 0 : i32
    %dma_start3A_50 = tpu.memref_slice %arg8[%dma_start3A_47, %dma_start3A_48, %dma_start3A_49] : memref<2x125x128xbf16, #tpu.memory_space<vmem>> -> memref<1x125x128xbf16, #tpu.memory_space<vmem>>
    %dma_start3A_51 = tpu.memref_squeeze %dma_start3A_50 : memref<1x125x128xbf16, #tpu.memory_space<vmem>> -> memref<125x128xbf16, #tpu.memory_space<vmem>>
    %dma_start3A_52 = arith.constant 0 : i32
    %dma_start3A_53 = tpu.memref_slice %arg6[%dma_start3A_46, %dma_start3A_52] : memref<40x125xi32, #tpu.memory_space<vmem>> -> memref<1x125xi32, #tpu.memory_space<vmem>>
    %dma_start3A_54 = tpu.memref_squeeze %dma_start3A_53 : memref<1x125xi32, #tpu.memory_space<vmem>> -> memref<125xi32, #tpu.memory_space<vmem>>
    %dma_start3A_55 = arith.constant 0 : i32
    %dma_start3A_56 = arith.constant 0 : i32
    %dma_start3A_57 = tpu.memref_slice %arg2[%dma_start3A_55, %dma_start3A_56] : memref<10000x128xbf16, #tpu.memory_space<hbm>> -> memref<10000x128xbf16, #tpu.memory_space<hbm>>
    tpu.enqueue_indirect_dma source(%dma_start3A_57 : memref<10000x128xbf16, #tpu.memory_space<hbm>>) target(%dma_start3A_51 : memref<125x128xbf16, #tpu.memory_space<vmem>>) offsets(%dma_start3A_54 : memref<125xi32, #tpu.memory_space<vmem>>) semaphore(%arg11 : memref<!tpu.dma_semaphore, #tpu.memory_space<semaphore_mem>>)
    %scan3A_58 = arith.constant 0 : i32
    %scan3A_59 = arith.constant 0 : i32
    %scan3A_60 = arith.constant 20 : i32
    %scan3A_61 = arith.addi %scan3A_59, %scan3A_60 : i32
    %scan3A_62 = arith.constant 1 : i32
    scf.for %scan3A_69 = %scan3A_59 to %scan3A_61 step %scan3A_62  : i32 {
      %mul3A_70 = arith.constant 2 : i32
      %mul3A_71 = arith.muli %scan3A_69, %mul3A_70 : i32
      %add3A_72 = arith.constant 0 : i32
      %add3A_73 = arith.addi %mul3A_71, %add3A_72 : i32
      %dma_wait3A = arith.constant 0 : i32
      %dma_wait3A_74 = arith.constant 0 : i32
      %dma_wait3A_75 = arith.constant 0 : i32
      %dma_wait3A_76 = tpu.memref_slice %arg8[%dma_wait3A, %dma_wait3A_74, %dma_wait3A_75] : memref<2x125x128xbf16, #tpu.memory_space<vmem>> -> memref<1x125x128xbf16, #tpu.memory_space<vmem>>
      %dma_wait3A_77 = tpu.memref_squeeze %dma_wait3A_76 : memref<1x125x128xbf16, #tpu.memory_space<vmem>> -> memref<125x128xbf16, #tpu.memory_space<vmem>>
      %dma_wait3A_78 = arith.constant 0 : i32
      %dma_wait3A_79 = tpu.memref_slice %arg6[%add3A_73, %dma_wait3A_78] : memref<40x125xi32, #tpu.memory_space<vmem>> -> memref<1x125xi32, #tpu.memory_space<vmem>>
      %dma_wait3A_80 = tpu.memref_squeeze %dma_wait3A_79 : memref<1x125xi32, #tpu.memory_space<vmem>> -> memref<125xi32, #tpu.memory_space<vmem>>
      %dma_wait3A_81 = arith.constant 0 : i32
      %dma_wait3A_82 = arith.constant 0 : i32
      %dma_wait3A_83 = tpu.memref_slice %arg2[%dma_wait3A_81, %dma_wait3A_82] : memref<10000x128xbf16, #tpu.memory_space<hbm>> -> memref<10000x128xbf16, #tpu.memory_space<hbm>>
      tpu.wait_indirect_dma semaphore(%arg10 : memref<!tpu.dma_semaphore, #tpu.memory_space<semaphore_mem>>) src(%dma_wait3A_83 : memref<10000x128xbf16, #tpu.memory_space<hbm>>) dst(%dma_wait3A_77 : memref<125x128xbf16, #tpu.memory_space<vmem>>)
      %run_scoped3A_84 = arith.constant 0 : i32
      "tpu.region"() ({
        %run_scoped3A_112 = tpu.sem_alloc : memref<!tpu.dma_semaphore, #tpu.memory_space<semaphore_mem>>
        %dma_start3A_113 = arith.constant 0 : i32
        %dma_start3A_114 = arith.constant 0 : i32
        %dma_start3A_115 = tpu.memref_slice %arg8[%run_scoped3A_84, %dma_start3A_113, %dma_start3A_114] : memref<2x125x128xbf16, #tpu.memory_space<vmem>> -> memref<1x125x128xbf16, #tpu.memory_space<vmem>>
        %dma_start3A_116 = tpu.memref_squeeze %dma_start3A_115 : memref<1x125x128xbf16, #tpu.memory_space<vmem>> -> memref<125x128xbf16, #tpu.memory_space<vmem>>
        %dma_start3A_117 = arith.constant 0 : i32
        %dma_start3A_118 = tpu.memref_slice %arg7[%add3A_73, %dma_start3A_117] : memref<40x125xi32, #tpu.memory_space<vmem>> -> memref<1x125xi32, #tpu.memory_space<vmem>>
        %dma_start3A_119 = tpu.memref_squeeze %dma_start3A_118 : memref<1x125xi32, #tpu.memory_space<vmem>> -> memref<125xi32, #tpu.memory_space<vmem>>
        %dma_start3A_120 = arith.constant 0 : i32
        %dma_start3A_121 = arith.constant 0 : i32
        %dma_start3A_122 = tpu.memref_slice %arg9[%dma_start3A_120, %dma_start3A_121] : memref<10000x128xbf16, #tpu.memory_space<vmem_shared>> -> memref<10000x128xbf16, #tpu.memory_space<vmem_shared>>
        tpu.enqueue_indirect_dma source(%dma_start3A_116 : memref<125x128xbf16, #tpu.memory_space<vmem>>) target(%dma_start3A_122 : memref<10000x128xbf16, #tpu.memory_space<vmem_shared>>) offsets(%dma_start3A_119 : memref<125xi32, #tpu.memory_space<vmem>>) semaphore(%run_scoped3A_112 : memref<!tpu.dma_semaphore, #tpu.memory_space<semaphore_mem>>) {add = true}
        %dma_wait3A_123 = arith.constant 0 : i32
        %dma_wait3A_124 = arith.constant 0 : i32
        %dma_wait3A_125 = tpu.memref_slice %arg8[%run_scoped3A_84, %dma_wait3A_123, %dma_wait3A_124] : memref<2x125x128xbf16, #tpu.memory_space<vmem>> -> memref<1x125x128xbf16, #tpu.memory_space<vmem>>
        %dma_wait3A_126 = tpu.memref_squeeze %dma_wait3A_125 : memref<1x125x128xbf16, #tpu.memory_space<vmem>> -> memref<125x128xbf16, #tpu.memory_space<vmem>>
        %dma_wait3A_127 = arith.constant 0 : i32
        %dma_wait3A_128 = tpu.memref_slice %arg7[%add3A_73, %dma_wait3A_127] : memref<40x125xi32, #tpu.memory_space<vmem>> -> memref<1x125xi32, #tpu.memory_space<vmem>>
        %dma_wait3A_129 = tpu.memref_squeeze %dma_wait3A_128 : memref<1x125xi32, #tpu.memory_space<vmem>> -> memref<125xi32, #tpu.memory_space<vmem>>
        %dma_wait3A_130 = arith.constant 0 : i32
        %dma_wait3A_131 = arith.constant 0 : i32
        %dma_wait3A_132 = tpu.memref_slice %arg9[%dma_wait3A_130, %dma_wait3A_131] : memref<10000x128xbf16, #tpu.memory_space<vmem_shared>> -> memref<10000x128xbf16, #tpu.memory_space<vmem_shared>>
        tpu.wait_indirect_dma semaphore(%run_scoped3A_112 : memref<!tpu.dma_semaphore, #tpu.memory_space<semaphore_mem>>) src(%dma_wait3A_126 : memref<125x128xbf16, #tpu.memory_space<vmem>>) dst(%dma_wait3A_132 : memref<10000x128xbf16, #tpu.memory_space<vmem_shared>>)
        tpu.yield
      }) : () -> ()
      %add3A_85 = arith.constant 2 : i32
      %add3A_86 = arith.addi %add3A_73, %add3A_85 : i32
      %lt3A = arith.constant 40 : i32
      %lt3A_87 = arith.cmpi slt, %add3A_86, %lt3A : i32
      %convert_element_type3A = arith.extui %lt3A_87 : i1 to i32
      %cond3A = arith.constant 0 : i32
      %cond3A_88 = arith.cmpi ne, %convert_element_type3A, %cond3A : i32
      scf.if %cond3A_88 {
        %add3A_112 = arith.constant 2 : i32
        %add3A_113 = arith.addi %add3A_73, %add3A_112 : i32
        %dma_start3A_114 = arith.constant 0 : i32
        %dma_start3A_115 = arith.constant 0 : i32
        %dma_start3A_116 = arith.constant 0 : i32
        %dma_start3A_117 = tpu.memref_slice %arg8[%dma_start3A_114, %dma_start3A_115, %dma_start3A_116] : memref<2x125x128xbf16, #tpu.memory_space<vmem>> -> memref<1x125x128xbf16, #tpu.memory_space<vmem>>
        %dma_start3A_118 = tpu.memref_squeeze %dma_start3A_117 : memref<1x125x128xbf16, #tpu.memory_space<vmem>> -> memref<125x128xbf16, #tpu.memory_space<vmem>>
        %dma_start3A_119 = arith.constant 0 : i32
        %dma_start3A_120 = tpu.memref_slice %arg6[%add3A_113, %dma_start3A_119] : memref<40x125xi32, #tpu.memory_space<vmem>> -> memref<1x125xi32, #tpu.memory_space<vmem>>
        %dma_start3A_121 = tpu.memref_squeeze %dma_start3A_120 : memref<1x125xi32, #tpu.memory_space<vmem>> -> memref<125xi32, #tpu.memory_space<vmem>>
        %dma_start3A_122 = arith.constant 0 : i32
        %dma_start3A_123 = arith.constant 0 : i32
        %dma_start3A_124 = tpu.memref_slice %arg2[%dma_start3A_122, %dma_start3A_123] : memref<10000x128xbf16, #tpu.memory_space<hbm>> -> memref<10000x128xbf16, #tpu.memory_space<hbm>>
        tpu.enqueue_indirect_dma source(%dma_start3A_124 : memref<10000x128xbf16, #tpu.memory_space<hbm>>) target(%dma_start3A_118 : memref<125x128xbf16, #tpu.memory_space<vmem>>) offsets(%dma_start3A_121 : memref<125xi32, #tpu.memory_space<vmem>>) semaphore(%arg10 : memref<!tpu.dma_semaphore, #tpu.memory_space<semaphore_mem>>)
      } else {
      }
      %mul3A_89 = arith.constant 2 : i32
      %mul3A_90 = arith.muli %scan3A_69, %mul3A_89 : i32
      %add3A_91 = arith.constant 1 : i32
      %add3A_92 = arith.addi %mul3A_90, %add3A_91 : i32
      %dma_wait3A_93 = arith.constant 1 : i32
      %dma_wait3A_94 = arith.constant 0 : i32
      %dma_wait3A_95 = arith.constant 0 : i32
      %dma_wait3A_96 = tpu.memref_slice %arg8[%dma_wait3A_93, %dma_wait3A_94, %dma_wait3A_95] : memref<2x125x128xbf16, #tpu.memory_space<vmem>> -> memref<1x125x128xbf16, #tpu.memory_space<vmem>>
      %dma_wait3A_97 = tpu.memref_squeeze %dma_wait3A_96 : memref<1x125x128xbf16, #tpu.memory_space<vmem>> -> memref<125x128xbf16, #tpu.memory_space<vmem>>
      %dma_wait3A_98 = arith.constant 0 : i32
      %dma_wait3A_99 = tpu.memref_slice %arg6[%add3A_92, %dma_wait3A_98] : memref<40x125xi32, #tpu.memory_space<vmem>> -> memref<1x125xi32, #tpu.memory_space<vmem>>
      %dma_wait3A_100 = tpu.memref_squeeze %dma_wait3A_99 : memref<1x125xi32, #tpu.memory_space<vmem>> -> memref<125xi32, #tpu.memory_space<vmem>>
      %dma_wait3A_101 = arith.constant 0 : i32
      %dma_wait3A_102 = arith.constant 0 : i32
      %dma_wait3A_103 = tpu.memref_slice %arg2[%dma_wait3A_101, %dma_wait3A_102] : memref<10000x128xbf16, #tpu.memory_space<hbm>> -> memref<10000x128xbf16, #tpu.memory_space<hbm>>
      tpu.wait_indirect_dma semaphore(%arg11 : memref<!tpu.dma_semaphore, #tpu.memory_space<semaphore_mem>>) src(%dma_wait3A_103 : memref<10000x128xbf16, #tpu.memory_space<hbm>>) dst(%dma_wait3A_97 : memref<125x128xbf16, #tpu.memory_space<vmem>>)
      %run_scoped3A_104 = arith.constant 1 : i32
      "tpu.region"() ({
        %run_scoped3A_112 = tpu.sem_alloc : memref<!tpu.dma_semaphore, #tpu.memory_space<semaphore_mem>>
        %dma_start3A_113 = arith.constant 0 : i32
        %dma_start3A_114 = arith.constant 0 : i32
        %dma_start3A_115 = tpu.memref_slice %arg8[%run_scoped3A_104, %dma_start3A_113, %dma_start3A_114] : memref<2x125x128xbf16, #tpu.memory_space<vmem>> -> memref<1x125x128xbf16, #tpu.memory_space<vmem>>
        %dma_start3A_116 = tpu.memref_squeeze %dma_start3A_115 : memref<1x125x128xbf16, #tpu.memory_space<vmem>> -> memref<125x128xbf16, #tpu.memory_space<vmem>>
        %dma_start3A_117 = arith.constant 0 : i32
        %dma_start3A_118 = tpu.memref_slice %arg7[%add3A_92, %dma_start3A_117] : memref<40x125xi32, #tpu.memory_space<vmem>> -> memref<1x125xi32, #tpu.memory_space<vmem>>
        %dma_start3A_119 = tpu.memref_squeeze %dma_start3A_118 : memref<1x125xi32, #tpu.memory_space<vmem>> -> memref<125xi32, #tpu.memory_space<vmem>>
        %dma_start3A_120 = arith.constant 0 : i32
        %dma_start3A_121 = arith.constant 0 : i32
        %dma_start3A_122 = tpu.memref_slice %arg9[%dma_start3A_120, %dma_start3A_121] : memref<10000x128xbf16, #tpu.memory_space<vmem_shared>> -> memref<10000x128xbf16, #tpu.memory_space<vmem_shared>>
        tpu.enqueue_indirect_dma source(%dma_start3A_116 : memref<125x128xbf16, #tpu.memory_space<vmem>>) target(%dma_start3A_122 : memref<10000x128xbf16, #tpu.memory_space<vmem_shared>>) offsets(%dma_start3A_119 : memref<125xi32, #tpu.memory_space<vmem>>) semaphore(%run_scoped3A_112 : memref<!tpu.dma_semaphore, #tpu.memory_space<semaphore_mem>>) {add = true}
        %dma_wait3A_123 = arith.constant 0 : i32
        %dma_wait3A_124 = arith.constant 0 : i32
        %dma_wait3A_125 = tpu.memref_slice %arg8[%run_scoped3A_104, %dma_wait3A_123, %dma_wait3A_124] : memref<2x125x128xbf16, #tpu.memory_space<vmem>> -> memref<1x125x128xbf16, #tpu.memory_space<vmem>>
        %dma_wait3A_126 = tpu.memref_squeeze %dma_wait3A_125 : memref<1x125x128xbf16, #tpu.memory_space<vmem>> -> memref<125x128xbf16, #tpu.memory_space<vmem>>
        %dma_wait3A_127 = arith.constant 0 : i32
        %dma_wait3A_128 = tpu.memref_slice %arg7[%add3A_92, %dma_wait3A_127] : memref<40x125xi32, #tpu.memory_space<vmem>> -> memref<1x125xi32, #tpu.memory_space<vmem>>
        %dma_wait3A_129 = tpu.memref_squeeze %dma_wait3A_128 : memref<1x125xi32, #tpu.memory_space<vmem>> -> memref<125xi32, #tpu.memory_space<vmem>>
        %dma_wait3A_130 = arith.constant 0 : i32
        %dma_wait3A_131 = arith.constant 0 : i32
        %dma_wait3A_132 = tpu.memref_slice %arg9[%dma_wait3A_130, %dma_wait3A_131] : memref<10000x128xbf16, #tpu.memory_space<vmem_shared>> -> memref<10000x128xbf16, #tpu.memory_space<vmem_shared>>
        tpu.wait_indirect_dma semaphore(%run_scoped3A_112 : memref<!tpu.dma_semaphore, #tpu.memory_space<semaphore_mem>>) src(%dma_wait3A_126 : memref<125x128xbf16, #tpu.memory_space<vmem>>) dst(%dma_wait3A_132 : memref<10000x128xbf16, #tpu.memory_space<vmem_shared>>)
        tpu.yield
      }) : () -> ()
      %add3A_105 = arith.constant 2 : i32
      %add3A_106 = arith.addi %add3A_92, %add3A_105 : i32
      %lt3A_107 = arith.constant 40 : i32
      %lt3A_108 = arith.cmpi slt, %add3A_106, %lt3A_107 : i32
      %convert_element_type3A_109 = arith.extui %lt3A_108 : i1 to i32
      %cond3A_110 = arith.constant 0 : i32
      %cond3A_111 = arith.cmpi ne, %convert_element_type3A_109, %cond3A_110 : i32
      scf.if %cond3A_111 {
        %add3A_112 = arith.constant 2 : i32
        %add3A_113 = arith.addi %add3A_92, %add3A_112 : i32
        %dma_start3A_114 = arith.constant 1 : i32
        %dma_start3A_115 = arith.constant 0 : i32
        %dma_start3A_116 = arith.constant 0 : i32
        %dma_start3A_117 = tpu.memref_slice %arg8[%dma_start3A_114, %dma_start3A_115, %dma_start3A_116] : memref<2x125x128xbf16, #tpu.memory_space<vmem>> -> memref<1x125x128xbf16, #tpu.memory_space<vmem>>
        %dma_start3A_118 = tpu.memref_squeeze %dma_start3A_117 : memref<1x125x128xbf16, #tpu.memory_space<vmem>> -> memref<125x128xbf16, #tpu.memory_space<vmem>>
        %dma_start3A_119 = arith.constant 0 : i32
        %dma_start3A_120 = tpu.memref_slice %arg6[%add3A_113, %dma_start3A_119] : memref<40x125xi32, #tpu.memory_space<vmem>> -> memref<1x125xi32, #tpu.memory_space<vmem>>
        %dma_start3A_121 = tpu.memref_squeeze %dma_start3A_120 : memref<1x125xi32, #tpu.memory_space<vmem>> -> memref<125xi32, #tpu.memory_space<vmem>>
        %dma_start3A_122 = arith.constant 0 : i32
        %dma_start3A_123 = arith.constant 0 : i32
        %dma_start3A_124 = tpu.memref_slice %arg2[%dma_start3A_122, %dma_start3A_123] : memref<10000x128xbf16, #tpu.memory_space<hbm>> -> memref<10000x128xbf16, #tpu.memory_space<hbm>>
        tpu.enqueue_indirect_dma source(%dma_start3A_124 : memref<10000x128xbf16, #tpu.memory_space<hbm>>) target(%dma_start3A_118 : memref<125x128xbf16, #tpu.memory_space<vmem>>) offsets(%dma_start3A_121 : memref<125xi32, #tpu.memory_space<vmem>>) semaphore(%arg11 : memref<!tpu.dma_semaphore, #tpu.memory_space<semaphore_mem>>)
      } else {
      }
    }
    %scan3A_63 = arith.constant 20 : i32
    %barrier3A_64 = arith.constant 0 : index
    tpu.barrier barrier_id(%barrier3A_64)
    %mul3A_65 = arith.constant 625 : i32
    %mul3A_66 = arith.muli %arg1, %mul3A_65 : i32
    %mul3A_67 = arith.constant 625 : i32
    %mul3A_68 = arith.muli %arg1, %mul3A_67 : i32
    "tpu.region"() ({
      %run_scoped3A_69 = tpu.sem_alloc : memref<!tpu.dma_semaphore, #tpu.memory_space<semaphore_mem>>
      %dma_start3A_70 = arith.constant 0 : i32
      %dma_start3A_71 = tpu.memref_slice %arg5[%arg0, %mul3A_68, %dma_start3A_70] : memref<2x10000x128xbf16, #tpu.memory_space<hbm>> -> memref<1x625x128xbf16, #tpu.memory_space<hbm>>
      %dma_start3A_72 = tpu.memref_squeeze %dma_start3A_71 : memref<1x625x128xbf16, #tpu.memory_space<hbm>> -> memref<625x128xbf16, #tpu.memory_space<hbm>>
      %dma_start3A_73 = arith.constant 0 : i32
      %dma_start3A_74 = tpu.memref_slice %arg9[%mul3A_66, %dma_start3A_73] : memref<10000x128xbf16, #tpu.memory_space<vmem_shared>> -> memref<625x128xbf16, #tpu.memory_space<vmem_shared>>
      tpu.enqueue_dma source(%dma_start3A_74 : memref<625x128xbf16, #tpu.memory_space<vmem_shared>>) target(%dma_start3A_72 : memref<625x128xbf16, #tpu.memory_space<hbm>>) target_semaphore(%run_scoped3A_69 : memref<!tpu.dma_semaphore, #tpu.memory_space<semaphore_mem>>)
      %dma_wait3A = arith.constant 0 : i32
      %dma_wait3A_75 = tpu.memref_slice %arg5[%arg0, %mul3A_68, %dma_wait3A] : memref<2x10000x128xbf16, #tpu.memory_space<hbm>> -> memref<1x625x128xbf16, #tpu.memory_space<hbm>>
      %dma_wait3A_76 = tpu.memref_squeeze %dma_wait3A_75 : memref<1x625x128xbf16, #tpu.memory_space<hbm>> -> memref<625x128xbf16, #tpu.memory_space<hbm>>
      %dma_wait3A_77 = arith.constant 0 : i32
      %dma_wait3A_78 = tpu.memref_slice %arg9[%mul3A_66, %dma_wait3A_77] : memref<10000x128xbf16, #tpu.memory_space<vmem_shared>> -> memref<625x128xbf16, #tpu.memory_space<vmem_shared>>
      tpu.wait_dma2 semaphore(%run_scoped3A_69 : memref<!tpu.dma_semaphore, #tpu.memory_space<semaphore_mem>>) src(%dma_wait3A_78 : memref<625x128xbf16, #tpu.memory_space<vmem_shared>>) dst(%dma_wait3A_76 : memref<625x128xbf16, #tpu.memory_space<hbm>>)
      tpu.yield
    }) : () -> ()
    return
  }
}

#map = affine_map<(d0, d1) -> (0, 0, 0, 0)>
#map1 = affine_map<(d0, d1) -> (0, 0)>
#map2 = affine_map<(d0, d1) -> (0, 0, 0)>
module attributes {stable_mosaic.version = 14 : i64} {
  func.func @_sc_degree_body(%arg0: i32, %arg1: i32, %arg2: memref<2x32x80x125xi32, #tpu.memory_space<hbm>>, %arg3: memref<125x16xf32, #tpu.memory_space<hbm>>, %arg4: memref<625x16xf32, #tpu.memory_space<hbm>>, %arg5: memref<2x10000x16xf32, #tpu.memory_space<hbm>>, %arg6: memref<80x125xi32, #tpu.memory_space<vmem>>, %arg7: memref<125x16xf32, #tpu.memory_space<vmem>>, %arg8: memref<10000x16xf32, #tpu.memory_space<vmem_shared>>, %arg9: memref<!tpu.dma_semaphore, #tpu.memory_space<semaphore_mem>>) attributes {dimension_semantics = [#tpu.dimension_semantics<core_parallel>, #tpu.dimension_semantics<subcore_parallel>], iteration_bounds = array<i64: 2, 16>, scalar_prefetch = 0 : i64, scratch_operands = 4 : i64, tpu.core_type = #tpu.core_type<sc_vector_subcore>, window_params = [{transform_indices = #map}, {transform_indices = #map1}, {transform_indices = #map1}, {transform_indices = #map2}]} {
    %mul3A = arith.constant 16 : i32
    %mul3A_0 = arith.muli %arg0, %mul3A : i32
    %add3A = arith.addi %mul3A_0, %arg1 : i32
    %run_scoped3A = arith.constant 1 : i32
    "tpu.region"() ({
      %run_scoped3A_13 = tpu.sem_alloc : memref<!tpu.dma_semaphore, #tpu.memory_space<semaphore_mem>>
      %dma_start3A = arith.constant 0 : i32
      %dma_start3A_14 = arith.constant 0 : i32
      %dma_start3A_15 = tpu.memref_slice %arg2[%run_scoped3A, %add3A, %dma_start3A, %dma_start3A_14] : memref<2x32x80x125xi32, #tpu.memory_space<hbm>> -> memref<1x1x80x125xi32, #tpu.memory_space<hbm>>
      %dma_start3A_16 = tpu.memref_squeeze %dma_start3A_15 : memref<1x1x80x125xi32, #tpu.memory_space<hbm>> -> memref<80x125xi32, #tpu.memory_space<hbm>>
      %dma_start3A_17 = arith.constant 0 : i32
      %dma_start3A_18 = arith.constant 0 : i32
      %dma_start3A_19 = tpu.memref_slice %arg2[%run_scoped3A, %add3A, %dma_start3A_17, %dma_start3A_18] : memref<2x32x80x125xi32, #tpu.memory_space<hbm>> -> memref<1x1x80x125xi32, #tpu.memory_space<hbm>>
      %dma_start3A_20 = tpu.memref_squeeze %dma_start3A_19 : memref<1x1x80x125xi32, #tpu.memory_space<hbm>> -> memref<80x125xi32, #tpu.memory_space<hbm>>
      tpu.enqueue_dma source(%dma_start3A_20 : memref<80x125xi32, #tpu.memory_space<hbm>>) target(%arg6 : memref<80x125xi32, #tpu.memory_space<vmem>>) target_semaphore(%run_scoped3A_13 : memref<!tpu.dma_semaphore, #tpu.memory_space<semaphore_mem>>)
      %dma_wait3A = arith.constant 0 : i32
      %dma_wait3A_21 = arith.constant 0 : i32
      %dma_wait3A_22 = tpu.memref_slice %arg2[%run_scoped3A, %add3A, %dma_wait3A, %dma_wait3A_21] : memref<2x32x80x125xi32, #tpu.memory_space<hbm>> -> memref<1x1x80x125xi32, #tpu.memory_space<hbm>>
      %dma_wait3A_23 = tpu.memref_squeeze %dma_wait3A_22 : memref<1x1x80x125xi32, #tpu.memory_space<hbm>> -> memref<80x125xi32, #tpu.memory_space<hbm>>
      %dma_wait3A_24 = arith.constant 0 : i32
      %dma_wait3A_25 = arith.constant 0 : i32
      %dma_wait3A_26 = tpu.memref_slice %arg2[%run_scoped3A, %add3A, %dma_wait3A_24, %dma_wait3A_25] : memref<2x32x80x125xi32, #tpu.memory_space<hbm>> -> memref<1x1x80x125xi32, #tpu.memory_space<hbm>>
      %dma_wait3A_27 = tpu.memref_squeeze %dma_wait3A_26 : memref<1x1x80x125xi32, #tpu.memory_space<hbm>> -> memref<80x125xi32, #tpu.memory_space<hbm>>
      tpu.wait_dma2 semaphore(%run_scoped3A_13 : memref<!tpu.dma_semaphore, #tpu.memory_space<semaphore_mem>>) src(%dma_wait3A_27 : memref<80x125xi32, #tpu.memory_space<hbm>>) dst(%arg6 : memref<80x125xi32, #tpu.memory_space<vmem>>)
      tpu.yield
    }) : () -> ()
    "tpu.region"() ({
      %run_scoped3A_13 = tpu.sem_alloc : memref<!tpu.dma_semaphore, #tpu.memory_space<semaphore_mem>>
      tpu.enqueue_dma source(%arg3 : memref<125x16xf32, #tpu.memory_space<hbm>>) target(%arg7 : memref<125x16xf32, #tpu.memory_space<vmem>>) target_semaphore(%run_scoped3A_13 : memref<!tpu.dma_semaphore, #tpu.memory_space<semaphore_mem>>)
      tpu.wait_dma2 semaphore(%run_scoped3A_13 : memref<!tpu.dma_semaphore, #tpu.memory_space<semaphore_mem>>) src(%arg3 : memref<125x16xf32, #tpu.memory_space<hbm>>) dst(%arg7 : memref<125x16xf32, #tpu.memory_space<vmem>>)
      tpu.yield
    }) : () -> ()
    %mul3A_1 = arith.constant 625 : i32
    %mul3A_2 = arith.muli %arg1, %mul3A_1 : i32
    "tpu.region"() ({
      %run_scoped3A_13 = tpu.sem_alloc : memref<!tpu.dma_semaphore, #tpu.memory_space<semaphore_mem>>
      %dma_start3A = arith.constant 0 : i32
      %dma_start3A_14 = tpu.memref_slice %arg8[%mul3A_2, %dma_start3A] : memref<10000x16xf32, #tpu.memory_space<vmem_shared>> -> memref<625x16xf32, #tpu.memory_space<vmem_shared>>
      tpu.enqueue_dma source(%arg4 : memref<625x16xf32, #tpu.memory_space<hbm>>) target(%dma_start3A_14 : memref<625x16xf32, #tpu.memory_space<vmem_shared>>) target_semaphore(%run_scoped3A_13 : memref<!tpu.dma_semaphore, #tpu.memory_space<semaphore_mem>>)
      %dma_wait3A = arith.constant 0 : i32
      %dma_wait3A_15 = tpu.memref_slice %arg8[%mul3A_2, %dma_wait3A] : memref<10000x16xf32, #tpu.memory_space<vmem_shared>> -> memref<625x16xf32, #tpu.memory_space<vmem_shared>>
      tpu.wait_dma2 semaphore(%run_scoped3A_13 : memref<!tpu.dma_semaphore, #tpu.memory_space<semaphore_mem>>) src(%arg4 : memref<625x16xf32, #tpu.memory_space<hbm>>) dst(%dma_wait3A_15 : memref<625x16xf32, #tpu.memory_space<vmem_shared>>)
      tpu.yield
    }) : () -> ()
    %barrier3A = arith.constant 0 : index
    tpu.barrier barrier_id(%barrier3A)
    %scan3A = arith.constant 0 : i32
    %scan3A_3 = arith.constant 0 : i32
    %scan3A_4 = arith.constant 80 : i32
    %scan3A_5 = arith.addi %scan3A_3, %scan3A_4 : i32
    %scan3A_6 = arith.constant 1 : i32
    scf.for %scan3A_13 = %scan3A_3 to %scan3A_5 step %scan3A_6  : i32 {
      "tpu.region"() ({
        %run_scoped3A_14 = tpu.sem_alloc : memref<!tpu.dma_semaphore, #tpu.memory_space<semaphore_mem>>
        %dma_start3A = arith.constant 0 : i32
        %dma_start3A_15 = tpu.memref_slice %arg6[%scan3A_13, %dma_start3A] : memref<80x125xi32, #tpu.memory_space<vmem>> -> memref<1x125xi32, #tpu.memory_space<vmem>>
        %dma_start3A_16 = tpu.memref_squeeze %dma_start3A_15 : memref<1x125xi32, #tpu.memory_space<vmem>> -> memref<125xi32, #tpu.memory_space<vmem>>
        %dma_start3A_17 = arith.constant 0 : i32
        %dma_start3A_18 = arith.constant 0 : i32
        %dma_start3A_19 = tpu.memref_slice %arg8[%dma_start3A_17, %dma_start3A_18] : memref<10000x16xf32, #tpu.memory_space<vmem_shared>> -> memref<10000x16xf32, #tpu.memory_space<vmem_shared>>
        tpu.enqueue_indirect_dma source(%arg7 : memref<125x16xf32, #tpu.memory_space<vmem>>) target(%dma_start3A_19 : memref<10000x16xf32, #tpu.memory_space<vmem_shared>>) offsets(%dma_start3A_16 : memref<125xi32, #tpu.memory_space<vmem>>) semaphore(%run_scoped3A_14 : memref<!tpu.dma_semaphore, #tpu.memory_space<semaphore_mem>>) {add = true}
        %dma_wait3A = arith.constant 0 : i32
        %dma_wait3A_20 = tpu.memref_slice %arg6[%scan3A_13, %dma_wait3A] : memref<80x125xi32, #tpu.memory_space<vmem>> -> memref<1x125xi32, #tpu.memory_space<vmem>>
        %dma_wait3A_21 = tpu.memref_squeeze %dma_wait3A_20 : memref<1x125xi32, #tpu.memory_space<vmem>> -> memref<125xi32, #tpu.memory_space<vmem>>
        %dma_wait3A_22 = arith.constant 0 : i32
        %dma_wait3A_23 = arith.constant 0 : i32
        %dma_wait3A_24 = tpu.memref_slice %arg8[%dma_wait3A_22, %dma_wait3A_23] : memref<10000x16xf32, #tpu.memory_space<vmem_shared>> -> memref<10000x16xf32, #tpu.memory_space<vmem_shared>>
        tpu.wait_indirect_dma semaphore(%run_scoped3A_14 : memref<!tpu.dma_semaphore, #tpu.memory_space<semaphore_mem>>) src(%arg7 : memref<125x16xf32, #tpu.memory_space<vmem>>) dst(%dma_wait3A_24 : memref<10000x16xf32, #tpu.memory_space<vmem_shared>>)
        tpu.yield
      }) : () -> ()
    }
    %scan3A_7 = arith.constant 80 : i32
    %barrier3A_8 = arith.constant 0 : index
    tpu.barrier barrier_id(%barrier3A_8)
    %mul3A_9 = arith.constant 625 : i32
    %mul3A_10 = arith.muli %arg1, %mul3A_9 : i32
    %mul3A_11 = arith.constant 625 : i32
    %mul3A_12 = arith.muli %arg1, %mul3A_11 : i32
    "tpu.region"() ({
      %run_scoped3A_13 = tpu.sem_alloc : memref<!tpu.dma_semaphore, #tpu.memory_space<semaphore_mem>>
      %dma_start3A = arith.constant 0 : i32
      %dma_start3A_14 = tpu.memref_slice %arg5[%arg0, %mul3A_12, %dma_start3A] : memref<2x10000x16xf32, #tpu.memory_space<hbm>> -> memref<1x625x16xf32, #tpu.memory_space<hbm>>
      %dma_start3A_15 = tpu.memref_squeeze %dma_start3A_14 : memref<1x625x16xf32, #tpu.memory_space<hbm>> -> memref<625x16xf32, #tpu.memory_space<hbm>>
      %dma_start3A_16 = arith.constant 0 : i32
      %dma_start3A_17 = tpu.memref_slice %arg8[%mul3A_10, %dma_start3A_16] : memref<10000x16xf32, #tpu.memory_space<vmem_shared>> -> memref<625x16xf32, #tpu.memory_space<vmem_shared>>
      tpu.enqueue_dma source(%dma_start3A_17 : memref<625x16xf32, #tpu.memory_space<vmem_shared>>) target(%dma_start3A_15 : memref<625x16xf32, #tpu.memory_space<hbm>>) target_semaphore(%run_scoped3A_13 : memref<!tpu.dma_semaphore, #tpu.memory_space<semaphore_mem>>)
      %dma_wait3A = arith.constant 0 : i32
      %dma_wait3A_18 = tpu.memref_slice %arg5[%arg0, %mul3A_12, %dma_wait3A] : memref<2x10000x16xf32, #tpu.memory_space<hbm>> -> memref<1x625x16xf32, #tpu.memory_space<hbm>>
      %dma_wait3A_19 = tpu.memref_squeeze %dma_wait3A_18 : memref<1x625x16xf32, #tpu.memory_space<hbm>> -> memref<625x16xf32, #tpu.memory_space<hbm>>
      %dma_wait3A_20 = arith.constant 0 : i32
      %dma_wait3A_21 = tpu.memref_slice %arg8[%mul3A_10, %dma_wait3A_20] : memref<10000x16xf32, #tpu.memory_space<vmem_shared>> -> memref<625x16xf32, #tpu.memory_space<vmem_shared>>
      tpu.wait_dma2 semaphore(%run_scoped3A_13 : memref<!tpu.dma_semaphore, #tpu.memory_space<semaphore_mem>>) src(%dma_wait3A_21 : memref<625x16xf32, #tpu.memory_space<vmem_shared>>) dst(%dma_wait3A_19 : memref<625x16xf32, #tpu.memory_space<hbm>>)
      tpu.yield
    }) : () -> ()
    return
  }
}

module attributes {stable_mosaic.version = 14 : i64} {
  func.func @_tc_h_body(%arg0: i32, %arg1: memref<2000x128xf32, #tpu.memory_space<vmem>>, %arg2: memref<128x128xf32, #tpu.memory_space<vmem>>, %arg3: memref<1x128xf32, #tpu.memory_space<vmem>>, %arg4: memref<2000x128xf32, #tpu.memory_space<vmem>>) attributes {dimension_semantics = [#tpu.dimension_semantics<arbitrary>], iteration_bounds = array<i64: 5>, scalar_prefetch = 0 : i64, scratch_operands = 0 : i64, tpu.core_type = #tpu.core_type<tc>, window_params = [{transform_indices = @transform_0, window_bounds = array<i64: 2000, 128>}, {pipeline_mode = #tpu.pipeline_mode<synchronous>, transform_indices = @transform_1, window_bounds = array<i64: 128, 128>}, {pipeline_mode = #tpu.pipeline_mode<synchronous>, transform_indices = @transform_2, window_bounds = array<i64: 1, 128>}, {transform_indices = @transform_3, window_bounds = array<i64: 2000, 128>}]} {
    %get3A = arith.constant 0 : index
    %get3A_0 = arith.constant 0 : index
    %get3A_1 = vector.load %arg1[%get3A, %get3A_0] : memref<2000x128xf32, #tpu.memory_space<vmem>>, vector<2000x128xf32>
    %get3A_2 = arith.constant 0 : index
    %get3A_3 = arith.constant 0 : index
    %get3A_4 = vector.load %arg2[%get3A_2, %get3A_3] : memref<128x128xf32, #tpu.memory_space<vmem>>, vector<128x128xf32>
    %dot_general3A = arith.constant dense<0.000000e+00> : vector<2000x128xf32>
    %dot_general3A_5 = tpu.matmul %get3A_1, %get3A_4, %dot_general3A {dimension_numbers = #tpu.dot_dimension_numbers<[1], [0], [0], [1], [0, 0, 1, 1], [], []>, transpose_lhs_hint = false} : vector<2000x128xf32>, vector<128x128xf32>, vector<2000x128xf32> -> vector<2000x128xf32>
    %get3A_6 = arith.constant 0 : index
    %get3A_7 = arith.constant 0 : index
    %get3A_8 = vector.load %arg3[%get3A_6, %get3A_7] : memref<1x128xf32, #tpu.memory_space<vmem>>, vector<1x128xf32>
    %add3A = vector.broadcast %get3A_8 : vector<1x128xf32> to vector<2000x128xf32>
    %add3A_9 = arith.addf %dot_general3A_5, %add3A : vector<2000x128xf32>
    %max3A = arith.constant 0.000000e+00 : f32
    %max3A_10 = vector.broadcast %max3A : f32 to vector<2000x128xf32>
    %max3A_11 = arith.maximumf %add3A_9, %max3A_10 : vector<2000x128xf32>
    %swap3A = arith.constant 0 : index
    %swap3A_12 = arith.constant 0 : index
    %swap3A_13 = vector.load %arg4[%swap3A, %swap3A_12] : memref<2000x128xf32, #tpu.memory_space<vmem>>, vector<2000x128xf32>
    tpu.vector_store %arg4[%swap3A, %swap3A_12], %max3A_11 {strides = array<i32>} : memref<2000x128xf32, #tpu.memory_space<vmem>>, vector<2000x128xf32>,
    return
  }
  func.func @transform_0(%arg0: i32) -> (i32, i32) {
    %c0_i32 = arith.constant 0 : i32
    %c0_i32_0 = arith.constant 0 : i32
    return %arg0, %c0_i32 : i32, i32
  }
  func.func @transform_1(%arg0: i32) -> (i32, i32) {
    %c0_i32 = arith.constant 0 : i32
    %c0_i32_0 = arith.constant 0 : i32
    %c0_i32_1 = arith.constant 0 : i32
    return %c0_i32, %c0_i32_0 : i32, i32
  }
  func.func @transform_2(%arg0: i32) -> (i32, i32) {
    %c0_i32 = arith.constant 0 : i32
    %c0_i32_0 = arith.constant 0 : i32
    %c0_i32_1 = arith.constant 0 : i32
    return %c0_i32, %c0_i32_0 : i32, i32
  }
  func.func @transform_3(%arg0: i32) -> (i32, i32) {
    %c0_i32 = arith.constant 0 : i32
    %c0_i32_0 = arith.constant 0 : i32
    return %arg0, %c0_i32 : i32, i32
  }
}

module attributes {stable_mosaic.version = 14 : i64} {
  func.func @_tc_self_body(%arg0: i32, %arg1: memref<2000x128xf32, #tpu.memory_space<vmem>>, %arg2: memref<2x2000x16xf32, #tpu.memory_space<vmem>>, %arg3: memref<128x128xf32, #tpu.memory_space<vmem>>, %arg4: memref<1x128xf32, #tpu.memory_space<vmem>>, %arg5: memref<128x512xf32, #tpu.memory_space<vmem>>, %arg6: memref<128x512xf32, #tpu.memory_space<vmem>>, %arg7: memref<2000x128xbf16, #tpu.memory_space<vmem>>, %arg8: memref<2000x128xf32, #tpu.memory_space<vmem>>) attributes {dimension_semantics = [#tpu.dimension_semantics<arbitrary>], iteration_bounds = array<i64: 5>, scalar_prefetch = 0 : i64, scratch_operands = 0 : i64, tpu.core_type = #tpu.core_type<tc>, window_params = [{transform_indices = @transform_0, window_bounds = array<i64: 2000, 128>}, {transform_indices = @transform_1, window_bounds = array<i64: 2, 2000, 16>}, {pipeline_mode = #tpu.pipeline_mode<synchronous>, transform_indices = @transform_2, window_bounds = array<i64: 128, 128>}, {pipeline_mode = #tpu.pipeline_mode<synchronous>, transform_indices = @transform_3, window_bounds = array<i64: 1, 128>}, {pipeline_mode = #tpu.pipeline_mode<synchronous>, transform_indices = @transform_4, window_bounds = array<i64: 128, 512>}, {pipeline_mode = #tpu.pipeline_mode<synchronous>, transform_indices = @transform_5, window_bounds = array<i64: 128, 512>}, {transform_indices = @transform_6, window_bounds = array<i64: 2000, 128>}, {transform_indices = @transform_7, window_bounds = array<i64: 2000, 128>}]} {
    %get3A = arith.constant 0 : index
    %get3A_0 = arith.constant 0 : index
    %get3A_1 = vector.load %arg1[%get3A, %get3A_0] : memref<2000x128xf32, #tpu.memory_space<vmem>>, vector<2000x128xf32>
    %get3A_2 = arith.constant 0 : index
    %get3A_3 = arith.constant 0 : index
    %get3A_4 = arith.constant 0 : index
    %get3A_5 = vector.load %arg2[%get3A_2, %get3A_3, %get3A_4] : memref<2x2000x16xf32, #tpu.memory_space<vmem>>, vector<2x2000x16xf32>
    %slice3A = vector.extract_strided_slice %get3A_5 {offsets = [0, 0, 0], sizes = [1, 2000, 1], strides = [1, 1, 1]} : vector<2x2000x16xf32> to vector<1x2000x1xf32>
    %squeeze3A = vector.shape_cast %slice3A : vector<1x2000x1xf32> to vector<2000x1xf32>
    %slice3A_6 = vector.extract_strided_slice %get3A_5 {offsets = [1, 0, 0], sizes = [1, 2000, 1], strides = [1, 1, 1]} : vector<2x2000x16xf32> to vector<1x2000x1xf32>
    %squeeze3A_7 = vector.shape_cast %slice3A_6 : vector<1x2000x1xf32> to vector<2000x1xf32>
    %add3A = arith.addf %squeeze3A, %squeeze3A_7 : vector<2000x1xf32>
    %gt3A = arith.constant 0.000000e+00 : f32
    %gt3A_8 = vector.broadcast %gt3A : f32 to vector<2000x1xf32>
    %gt3A_9 = arith.cmpf ogt, %add3A, %gt3A_8 : vector<2000x1xf32>
    %rsqrt3A = math.rsqrt %add3A : vector<2000x1xf32>
    %jit3A = arith.constant 0.000000e+00 : f32
    %broadcast_in_dim3A = vector.broadcast %jit3A : f32 to vector<2000x1xf32>
    %select_n3A = arith.select %gt3A_9, %rsqrt3A, %broadcast_in_dim3A : vector<2000x1xi1>, vector<2000x1xf32>
    %get3A_10 = arith.constant 0 : index
    %get3A_11 = arith.constant 0 : index
    %get3A_12 = vector.load %arg3[%get3A_10, %get3A_11] : memref<128x128xf32, #tpu.memory_space<vmem>>, vector<128x128xf32>
    %get3A_13 = arith.constant 0 : index
    %get3A_14 = arith.constant 0 : index
    %get3A_15 = vector.load %arg4[%get3A_13, %get3A_14] : memref<1x128xf32, #tpu.memory_space<vmem>>, vector<1x128xf32>
    %dot_general3A = arith.constant dense<0.000000e+00> : vector<2000x128xf32>
    %dot_general3A_16 = tpu.matmul %get3A_1, %get3A_12, %dot_general3A {dimension_numbers = #tpu.dot_dimension_numbers<[1], [0], [0], [1], [0, 0, 1, 1], [], []>, transpose_lhs_hint = false} : vector<2000x128xf32>, vector<128x128xf32>, vector<2000x128xf32> -> vector<2000x128xf32>
    %add3A_17 = vector.broadcast %get3A_15 : vector<1x128xf32> to vector<2000x128xf32>
    %add3A_18 = arith.addf %dot_general3A_16, %add3A_17 : vector<2000x128xf32>
    %reduce_max3A = arith.constant dense<0xFF800000> : vector<2000xf32>
    %reduce_max3A_19 = vector.multi_reduction <maximumf>, %add3A_18, %reduce_max3A [1] : vector<2000x128xf32> to vector<2000xf32>
    %broadcast_in_dim3A_20 = vector.shape_cast %reduce_max3A_19 : vector<2000xf32> to vector<2000x1xf32>
    %sub3A = vector.broadcast %broadcast_in_dim3A_20 : vector<2000x1xf32> to vector<2000x128xf32>
    %sub3A_21 = arith.subf %add3A_18, %sub3A : vector<2000x128xf32>
    %exp3A = math.exp %sub3A_21 : vector<2000x128xf32>
    %reduce_sum3A = arith.constant dense<0.000000e+00> : vector<2000xf32>
    %reduce_sum3A_22 = vector.multi_reduction <add>, %exp3A, %reduce_sum3A [1] : vector<2000x128xf32> to vector<2000xf32>
    %broadcast_in_dim3A_23 = vector.shape_cast %reduce_sum3A_22 : vector<2000xf32> to vector<2000x1xf32>
    %div3A = vector.broadcast %broadcast_in_dim3A_23 : vector<2000x1xf32> to vector<2000x128xf32>
    %div3A_24 = arith.divf %exp3A, %div3A : vector<2000x128xf32>
    %get3A_25 = arith.constant 0 : index
    %get3A_26 = arith.constant 0 : index
    %get3A_27 = vector.load %arg5[%get3A_25, %get3A_26] : memref<128x512xf32, #tpu.memory_space<vmem>>, vector<128x512xf32>
    %dot_general3A_28 = arith.constant dense<0.000000e+00> : vector<2000x512xf32>
    %dot_general3A_29 = tpu.matmul %get3A_1, %get3A_27, %dot_general3A_28 {dimension_numbers = #tpu.dot_dimension_numbers<[1], [0], [0], [1], [0, 0, 1, 1], [], []>, transpose_lhs_hint = false} : vector<2000x128xf32>, vector<128x512xf32>, vector<2000x512xf32> -> vector<2000x512xf32>
    %get3A_30 = arith.constant 0 : index
    %get3A_31 = arith.constant 0 : index
    %get3A_32 = vector.load %arg6[%get3A_30, %get3A_31] : memref<128x512xf32, #tpu.memory_space<vmem>>, vector<128x512xf32>
    %dot_general3A_33 = arith.constant dense<0.000000e+00> : vector<2000x512xf32>
    %dot_general3A_34 = tpu.matmul %div3A_24, %get3A_32, %dot_general3A_33 {dimension_numbers = #tpu.dot_dimension_numbers<[1], [0], [0], [1], [0, 0, 1, 1], [], []>, transpose_lhs_hint = false} : vector<2000x128xf32>, vector<128x512xf32>, vector<2000x512xf32> -> vector<2000x512xf32>
    %mul3A = arith.mulf %dot_general3A_29, %dot_general3A_34 : vector<2000x512xf32>
    %mul3A_35 = vector.broadcast %select_n3A : vector<2000x1xf32> to vector<2000x128xf32>
    %mul3A_36 = arith.mulf %get3A_1, %mul3A_35 : vector<2000x128xf32>
    %convert_element_type3A = arith.truncf %mul3A_36 : vector<2000x128xf32> to vector<2000x128xbf16>
    %swap3A = arith.constant 0 : index
    %swap3A_37 = arith.constant 0 : index
    %swap3A_38 = vector.load %arg7[%swap3A, %swap3A_37] : memref<2000x128xbf16, #tpu.memory_space<vmem>>, vector<2000x128xbf16>
    tpu.vector_store %arg7[%swap3A, %swap3A_37], %convert_element_type3A {strides = array<i32>} : memref<2000x128xbf16, #tpu.memory_space<vmem>>, vector<2000x128xbf16>,
    %slice3A_39 = vector.extract_strided_slice %mul3A {offsets = [0, 0], sizes = [2000, 128], strides = [1, 1]} : vector<2000x512xf32> to vector<2000x128xf32>
    %slice3A_40 = vector.extract_strided_slice %mul3A {offsets = [0, 128], sizes = [2000, 128], strides = [1, 1]} : vector<2000x512xf32> to vector<2000x128xf32>
    %add3A_41 = arith.addf %slice3A_39, %slice3A_40 : vector<2000x128xf32>
    %slice3A_42 = vector.extract_strided_slice %mul3A {offsets = [0, 256], sizes = [2000, 128], strides = [1, 1]} : vector<2000x512xf32> to vector<2000x128xf32>
    %add3A_43 = arith.addf %add3A_41, %slice3A_42 : vector<2000x128xf32>
    %slice3A_44 = vector.extract_strided_slice %mul3A {offsets = [0, 384], sizes = [2000, 128], strides = [1, 1]} : vector<2000x512xf32> to vector<2000x128xf32>
    %add3A_45 = arith.addf %add3A_43, %slice3A_44 : vector<2000x128xf32>
    %add3A_46 = arith.addf %add3A_45, %get3A_1 : vector<2000x128xf32>
    %swap3A_47 = arith.constant 0 : index
    %swap3A_48 = arith.constant 0 : index
    %swap3A_49 = vector.load %arg8[%swap3A_47, %swap3A_48] : memref<2000x128xf32, #tpu.memory_space<vmem>>, vector<2000x128xf32>
    tpu.vector_store %arg8[%swap3A_47, %swap3A_48], %add3A_46 {strides = array<i32>} : memref<2000x128xf32, #tpu.memory_space<vmem>>, vector<2000x128xf32>,
    return
  }
  func.func @transform_0(%arg0: i32) -> (i32, i32) {
    %c0_i32 = arith.constant 0 : i32
    %c0_i32_0 = arith.constant 0 : i32
    return %arg0, %c0_i32 : i32, i32
  }
  func.func @transform_1(%arg0: i32) -> (i32, i32, i32) {
    %c0_i32 = arith.constant 0 : i32
    %c0_i32_0 = arith.constant 0 : i32
    %c0_i32_1 = arith.constant 0 : i32
    return %c0_i32, %arg0, %c0_i32_0 : i32, i32, i32
  }
  func.func @transform_2(%arg0: i32) -> (i32, i32) {
    %c0_i32 = arith.constant 0 : i32
    %c0_i32_0 = arith.constant 0 : i32
    %c0_i32_1 = arith.constant 0 : i32
    return %c0_i32, %c0_i32_0 : i32, i32
  }
  func.func @transform_3(%arg0: i32) -> (i32, i32) {
    %c0_i32 = arith.constant 0 : i32
    %c0_i32_0 = arith.constant 0 : i32
    %c0_i32_1 = arith.constant 0 : i32
    return %c0_i32, %c0_i32_0 : i32, i32
  }
  func.func @transform_4(%arg0: i32) -> (i32, i32) {
    %c0_i32 = arith.constant 0 : i32
    %c0_i32_0 = arith.constant 0 : i32
    %c0_i32_1 = arith.constant 0 : i32
    return %c0_i32, %c0_i32_0 : i32, i32
  }
  func.func @transform_5(%arg0: i32) -> (i32, i32) {
    %c0_i32 = arith.constant 0 : i32
    %c0_i32_0 = arith.constant 0 : i32
    %c0_i32_1 = arith.constant 0 : i32
    return %c0_i32, %c0_i32_0 : i32, i32
  }
  func.func @transform_6(%arg0: i32) -> (i32, i32) {
    %c0_i32 = arith.constant 0 : i32
    %c0_i32_0 = arith.constant 0 : i32
    return %arg0, %c0_i32 : i32, i32
  }
  func.func @transform_7(%arg0: i32) -> (i32, i32) {
    %c0_i32 = arith.constant 0 : i32
    %c0_i32_0 = arith.constant 0 : i32
    return %arg0, %c0_i32 : i32, i32
  }
}

module attributes {stable_mosaic.version = 14 : i64} {
  func.func @_tc_post_body(%arg0: i32, %arg1: memref<2x2000x128xbf16, #tpu.memory_space<vmem>>, %arg2: memref<2x2000x16xf32, #tpu.memory_space<vmem>>, %arg3: memref<2000x128xf32, #tpu.memory_space<vmem>>, %arg4: memref<128x128xf32, #tpu.memory_space<vmem>>, %arg5: memref<1x128xf32, #tpu.memory_space<vmem>>, %arg6: memref<128x512xf32, #tpu.memory_space<vmem>>, %arg7: memref<128x512xf32, #tpu.memory_space<vmem>>, %arg8: memref<2000x128xf32, #tpu.memory_space<vmem>>, %arg9: memref<2000x128xf32, #tpu.memory_space<vmem>>, %arg10: memref<2000x128xbf16, #tpu.memory_space<vmem>>) attributes {dimension_semantics = [#tpu.dimension_semantics<arbitrary>], iteration_bounds = array<i64: 5>, scalar_prefetch = 0 : i64, scratch_operands = 0 : i64, tpu.core_type = #tpu.core_type<tc>, window_params = [{transform_indices = @transform_0, window_bounds = array<i64: 2, 2000, 128>}, {transform_indices = @transform_1, window_bounds = array<i64: 2, 2000, 16>}, {transform_indices = @transform_2, window_bounds = array<i64: 2000, 128>}, {pipeline_mode = #tpu.pipeline_mode<synchronous>, transform_indices = @transform_3, window_bounds = array<i64: 128, 128>}, {pipeline_mode = #tpu.pipeline_mode<synchronous>, transform_indices = @transform_4, window_bounds = array<i64: 1, 128>}, {pipeline_mode = #tpu.pipeline_mode<synchronous>, transform_indices = @transform_5, window_bounds = array<i64: 128, 512>}, {pipeline_mode = #tpu.pipeline_mode<synchronous>, transform_indices = @transform_6, window_bounds = array<i64: 128, 512>}, {transform_indices = @transform_7, window_bounds = array<i64: 2000, 128>}, {transform_indices = @transform_8, window_bounds = array<i64: 2000, 128>}, {transform_indices = @transform_9, window_bounds = array<i64: 2000, 128>}]} {
    %get3A = arith.constant 0 : index
    %get3A_0 = arith.constant 0 : index
    %get3A_1 = arith.constant 0 : index
    %get3A_2 = vector.load %arg1[%get3A, %get3A_0, %get3A_1] : memref<2x2000x128xbf16, #tpu.memory_space<vmem>>, vector<2x2000x128xbf16>
    %convert_element_type3A = arith.extf %get3A_2 : vector<2x2000x128xbf16> to vector<2x2000x128xf32>
    %get3A_3 = arith.constant 0 : index
    %get3A_4 = arith.constant 0 : index
    %get3A_5 = arith.constant 0 : index
    %get3A_6 = vector.load %arg2[%get3A_3, %get3A_4, %get3A_5] : memref<2x2000x16xf32, #tpu.memory_space<vmem>>, vector<2x2000x16xf32>
    %slice3A = vector.extract_strided_slice %get3A_6 {offsets = [0, 0, 0], sizes = [1, 2000, 1], strides = [1, 1, 1]} : vector<2x2000x16xf32> to vector<1x2000x1xf32>
    %squeeze3A = vector.shape_cast %slice3A : vector<1x2000x1xf32> to vector<2000x1xf32>
    %slice3A_7 = vector.extract_strided_slice %get3A_6 {offsets = [1, 0, 0], sizes = [1, 2000, 1], strides = [1, 1, 1]} : vector<2x2000x16xf32> to vector<1x2000x1xf32>
    %squeeze3A_8 = vector.shape_cast %slice3A_7 : vector<1x2000x1xf32> to vector<2000x1xf32>
    %add3A = arith.addf %squeeze3A, %squeeze3A_8 : vector<2000x1xf32>
    %gt3A = arith.constant 0.000000e+00 : f32
    %gt3A_9 = vector.broadcast %gt3A : f32 to vector<2000x1xf32>
    %gt3A_10 = arith.cmpf ogt, %add3A, %gt3A_9 : vector<2000x1xf32>
    %rsqrt3A = math.rsqrt %add3A : vector<2000x1xf32>
    %jit3A = arith.constant 0.000000e+00 : f32
    %broadcast_in_dim3A = vector.broadcast %jit3A : f32 to vector<2000x1xf32>
    %select_n3A = arith.select %gt3A_10, %rsqrt3A, %broadcast_in_dim3A : vector<2000x1xi1>, vector<2000x1xf32>
    %slice3A_11 = vector.extract_strided_slice %convert_element_type3A {offsets = [0, 0, 0], sizes = [1, 2000, 128], strides = [1, 1, 1]} : vector<2x2000x128xf32> to vector<1x2000x128xf32>
    %squeeze3A_12 = vector.shape_cast %slice3A_11 : vector<1x2000x128xf32> to vector<2000x128xf32>
    %slice3A_13 = vector.extract_strided_slice %convert_element_type3A {offsets = [1, 0, 0], sizes = [1, 2000, 128], strides = [1, 1, 1]} : vector<2x2000x128xf32> to vector<1x2000x128xf32>
    %squeeze3A_14 = vector.shape_cast %slice3A_13 : vector<1x2000x128xf32> to vector<2000x128xf32>
    %add3A_15 = arith.addf %squeeze3A_12, %squeeze3A_14 : vector<2000x128xf32>
    %mul3A = vector.broadcast %select_n3A : vector<2000x1xf32> to vector<2000x128xf32>
    %mul3A_16 = arith.mulf %add3A_15, %mul3A : vector<2000x128xf32>
    %get3A_17 = arith.constant 0 : index
    %get3A_18 = arith.constant 0 : index
    %get3A_19 = vector.load %arg3[%get3A_17, %get3A_18] : memref<2000x128xf32, #tpu.memory_space<vmem>>, vector<2000x128xf32>
    %get3A_20 = arith.constant 0 : index
    %get3A_21 = arith.constant 0 : index
    %get3A_22 = vector.load %arg4[%get3A_20, %get3A_21] : memref<128x128xf32, #tpu.memory_space<vmem>>, vector<128x128xf32>
    %get3A_23 = arith.constant 0 : index
    %get3A_24 = arith.constant 0 : index
    %get3A_25 = vector.load %arg5[%get3A_23, %get3A_24] : memref<1x128xf32, #tpu.memory_space<vmem>>, vector<1x128xf32>
    %dot_general3A = arith.constant dense<0.000000e+00> : vector<2000x128xf32>
    %dot_general3A_26 = tpu.matmul %get3A_19, %get3A_22, %dot_general3A {dimension_numbers = #tpu.dot_dimension_numbers<[1], [0], [0], [1], [0, 0, 1, 1], [], []>, transpose_lhs_hint = false} : vector<2000x128xf32>, vector<128x128xf32>, vector<2000x128xf32> -> vector<2000x128xf32>
    %add3A_27 = vector.broadcast %get3A_25 : vector<1x128xf32> to vector<2000x128xf32>
    %add3A_28 = arith.addf %dot_general3A_26, %add3A_27 : vector<2000x128xf32>
    %reduce_max3A = arith.constant dense<0xFF800000> : vector<2000xf32>
    %reduce_max3A_29 = vector.multi_reduction <maximumf>, %add3A_28, %reduce_max3A [1] : vector<2000x128xf32> to vector<2000xf32>
    %broadcast_in_dim3A_30 = vector.shape_cast %reduce_max3A_29 : vector<2000xf32> to vector<2000x1xf32>
    %sub3A = vector.broadcast %broadcast_in_dim3A_30 : vector<2000x1xf32> to vector<2000x128xf32>
    %sub3A_31 = arith.subf %add3A_28, %sub3A : vector<2000x128xf32>
    %exp3A = math.exp %sub3A_31 : vector<2000x128xf32>
    %reduce_sum3A = arith.constant dense<0.000000e+00> : vector<2000xf32>
    %reduce_sum3A_32 = vector.multi_reduction <add>, %exp3A, %reduce_sum3A [1] : vector<2000x128xf32> to vector<2000xf32>
    %broadcast_in_dim3A_33 = vector.shape_cast %reduce_sum3A_32 : vector<2000xf32> to vector<2000x1xf32>
    %div3A = vector.broadcast %broadcast_in_dim3A_33 : vector<2000x1xf32> to vector<2000x128xf32>
    %div3A_34 = arith.divf %exp3A, %div3A : vector<2000x128xf32>
    %get3A_35 = arith.constant 0 : index
    %get3A_36 = arith.constant 0 : index
    %get3A_37 = vector.load %arg6[%get3A_35, %get3A_36] : memref<128x512xf32, #tpu.memory_space<vmem>>, vector<128x512xf32>
    %dot_general3A_38 = arith.constant dense<0.000000e+00> : vector<2000x512xf32>
    %dot_general3A_39 = tpu.matmul %mul3A_16, %get3A_37, %dot_general3A_38 {dimension_numbers = #tpu.dot_dimension_numbers<[1], [0], [0], [1], [0, 0, 1, 1], [], []>, transpose_lhs_hint = false} : vector<2000x128xf32>, vector<128x512xf32>, vector<2000x512xf32> -> vector<2000x512xf32>
    %get3A_40 = arith.constant 0 : index
    %get3A_41 = arith.constant 0 : index
    %get3A_42 = vector.load %arg7[%get3A_40, %get3A_41] : memref<128x512xf32, #tpu.memory_space<vmem>>, vector<128x512xf32>
    %dot_general3A_43 = arith.constant dense<0.000000e+00> : vector<2000x512xf32>
    %dot_general3A_44 = tpu.matmul %div3A_34, %get3A_42, %dot_general3A_43 {dimension_numbers = #tpu.dot_dimension_numbers<[1], [0], [0], [1], [0, 0, 1, 1], [], []>, transpose_lhs_hint = false} : vector<2000x128xf32>, vector<128x512xf32>, vector<2000x512xf32> -> vector<2000x512xf32>
    %mul3A_45 = arith.mulf %dot_general3A_39, %dot_general3A_44 : vector<2000x512xf32>
    %slice3A_46 = vector.extract_strided_slice %mul3A_45 {offsets = [0, 0], sizes = [2000, 128], strides = [1, 1]} : vector<2000x512xf32> to vector<2000x128xf32>
    %slice3A_47 = vector.extract_strided_slice %mul3A_45 {offsets = [0, 128], sizes = [2000, 128], strides = [1, 1]} : vector<2000x512xf32> to vector<2000x128xf32>
    %add3A_48 = arith.addf %slice3A_46, %slice3A_47 : vector<2000x128xf32>
    %slice3A_49 = vector.extract_strided_slice %mul3A_45 {offsets = [0, 256], sizes = [2000, 128], strides = [1, 1]} : vector<2000x512xf32> to vector<2000x128xf32>
    %add3A_50 = arith.addf %add3A_48, %slice3A_49 : vector<2000x128xf32>
    %slice3A_51 = vector.extract_strided_slice %mul3A_45 {offsets = [0, 384], sizes = [2000, 128], strides = [1, 1]} : vector<2000x512xf32> to vector<2000x128xf32>
    %add3A_52 = arith.addf %add3A_50, %slice3A_51 : vector<2000x128xf32>
    %get3A_53 = arith.constant 0 : index
    %get3A_54 = arith.constant 0 : index
    %get3A_55 = vector.load %arg8[%get3A_53, %get3A_54] : memref<2000x128xf32, #tpu.memory_space<vmem>>, vector<2000x128xf32>
    %add3A_56 = arith.addf %add3A_52, %get3A_55 : vector<2000x128xf32>
    %max3A = arith.constant 0.000000e+00 : f32
    %max3A_57 = vector.broadcast %max3A : f32 to vector<2000x128xf32>
    %max3A_58 = arith.maximumf %add3A_56, %max3A_57 : vector<2000x128xf32>
    %swap3A = arith.constant 0 : index
    %swap3A_59 = arith.constant 0 : index
    %swap3A_60 = vector.load %arg9[%swap3A, %swap3A_59] : memref<2000x128xf32, #tpu.memory_space<vmem>>, vector<2000x128xf32>
    tpu.vector_store %arg9[%swap3A, %swap3A_59], %max3A_58 {strides = array<i32>} : memref<2000x128xf32, #tpu.memory_space<vmem>>, vector<2000x128xf32>,
    %mul3A_61 = vector.broadcast %select_n3A : vector<2000x1xf32> to vector<2000x128xf32>
    %mul3A_62 = arith.mulf %max3A_58, %mul3A_61 : vector<2000x128xf32>
    %convert_element_type3A_63 = arith.truncf %mul3A_62 : vector<2000x128xf32> to vector<2000x128xbf16>
    %swap3A_64 = arith.constant 0 : index
    %swap3A_65 = arith.constant 0 : index
    %swap3A_66 = vector.load %arg10[%swap3A_64, %swap3A_65] : memref<2000x128xbf16, #tpu.memory_space<vmem>>, vector<2000x128xbf16>
    tpu.vector_store %arg10[%swap3A_64, %swap3A_65], %convert_element_type3A_63 {strides = array<i32>} : memref<2000x128xbf16, #tpu.memory_space<vmem>>, vector<2000x128xbf16>,
    return
  }
  func.func @transform_0(%arg0: i32) -> (i32, i32, i32) {
    %c0_i32 = arith.constant 0 : i32
    %c0_i32_0 = arith.constant 0 : i32
    %c0_i32_1 = arith.constant 0 : i32
    return %c0_i32, %arg0, %c0_i32_0 : i32, i32, i32
  }
  func.func @transform_1(%arg0: i32) -> (i32, i32, i32) {
    %c0_i32 = arith.constant 0 : i32
    %c0_i32_0 = arith.constant 0 : i32
    %c0_i32_1 = arith.constant 0 : i32
    return %c0_i32, %arg0, %c0_i32_0 : i32, i32, i32
  }
  func.func @transform_2(%arg0: i32) -> (i32, i32) {
    %c0_i32 = arith.constant 0 : i32
    %c0_i32_0 = arith.constant 0 : i32
    return %arg0, %c0_i32 : i32, i32
  }
  func.func @transform_3(%arg0: i32) -> (i32, i32) {
    %c0_i32 = arith.constant 0 : i32
    %c0_i32_0 = arith.constant 0 : i32
    %c0_i32_1 = arith.constant 0 : i32
    return %c0_i32, %c0_i32_0 : i32, i32
  }
  func.func @transform_4(%arg0: i32) -> (i32, i32) {
    %c0_i32 = arith.constant 0 : i32
    %c0_i32_0 = arith.constant 0 : i32
    %c0_i32_1 = arith.constant 0 : i32
    return %c0_i32, %c0_i32_0 : i32, i32
  }
  func.func @transform_5(%arg0: i32) -> (i32, i32) {
    %c0_i32 = arith.constant 0 : i32
    %c0_i32_0 = arith.constant 0 : i32
    %c0_i32_1 = arith.constant 0 : i32
    return %c0_i32, %c0_i32_0 : i32, i32
  }
  func.func @transform_6(%arg0: i32) -> (i32, i32) {
    %c0_i32 = arith.constant 0 : i32
    %c0_i32_0 = arith.constant 0 : i32
    %c0_i32_1 = arith.constant 0 : i32
    return %c0_i32, %c0_i32_0 : i32, i32
  }
  func.func @transform_7(%arg0: i32) -> (i32, i32) {
    %c0_i32 = arith.constant 0 : i32
    %c0_i32_0 = arith.constant 0 : i32
    return %arg0, %c0_i32 : i32, i32
  }
  func.func @transform_8(%arg0: i32) -> (i32, i32) {
    %c0_i32 = arith.constant 0 : i32
    %c0_i32_0 = arith.constant 0 : i32
    return %arg0, %c0_i32 : i32, i32
  }
  func.func @transform_9(%arg0: i32) -> (i32, i32) {
    %c0_i32 = arith.constant 0 : i32
    %c0_i32_0 = arith.constant 0 : i32
    return %arg0, %c0_i32 : i32, i32
  }
}

module attributes {stable_mosaic.version = 14 : i64} {
  func.func @_tc_self_body(%arg0: i32, %arg1: memref<2000x128xf32, #tpu.memory_space<vmem>>, %arg2: memref<2x2000x16xf32, #tpu.memory_space<vmem>>, %arg3: memref<128x128xf32, #tpu.memory_space<vmem>>, %arg4: memref<1x128xf32, #tpu.memory_space<vmem>>, %arg5: memref<128x512xf32, #tpu.memory_space<vmem>>, %arg6: memref<128x512xf32, #tpu.memory_space<vmem>>, %arg7: memref<2000x128xbf16, #tpu.memory_space<vmem>>, %arg8: memref<2000x128xf32, #tpu.memory_space<vmem>>) attributes {dimension_semantics = [#tpu.dimension_semantics<arbitrary>], iteration_bounds = array<i64: 5>, scalar_prefetch = 0 : i64, scratch_operands = 0 : i64, tpu.core_type = #tpu.core_type<tc>, window_params = [{transform_indices = @transform_0, window_bounds = array<i64: 2000, 128>}, {transform_indices = @transform_1, window_bounds = array<i64: 2, 2000, 16>}, {pipeline_mode = #tpu.pipeline_mode<synchronous>, transform_indices = @transform_2, window_bounds = array<i64: 128, 128>}, {pipeline_mode = #tpu.pipeline_mode<synchronous>, transform_indices = @transform_3, window_bounds = array<i64: 1, 128>}, {pipeline_mode = #tpu.pipeline_mode<synchronous>, transform_indices = @transform_4, window_bounds = array<i64: 128, 512>}, {pipeline_mode = #tpu.pipeline_mode<synchronous>, transform_indices = @transform_5, window_bounds = array<i64: 128, 512>}, {transform_indices = @transform_6, window_bounds = array<i64: 2000, 128>}, {transform_indices = @transform_7, window_bounds = array<i64: 2000, 128>}]} {
    %get3A = arith.constant 0 : index
    %get3A_0 = arith.constant 0 : index
    %get3A_1 = vector.load %arg1[%get3A, %get3A_0] : memref<2000x128xf32, #tpu.memory_space<vmem>>, vector<2000x128xf32>
    %get3A_2 = arith.constant 0 : index
    %get3A_3 = arith.constant 0 : index
    %get3A_4 = arith.constant 0 : index
    %get3A_5 = vector.load %arg2[%get3A_2, %get3A_3, %get3A_4] : memref<2x2000x16xf32, #tpu.memory_space<vmem>>, vector<2x2000x16xf32>
    %slice3A = vector.extract_strided_slice %get3A_5 {offsets = [0, 0, 0], sizes = [1, 2000, 1], strides = [1, 1, 1]} : vector<2x2000x16xf32> to vector<1x2000x1xf32>
    %squeeze3A = vector.shape_cast %slice3A : vector<1x2000x1xf32> to vector<2000x1xf32>
    %slice3A_6 = vector.extract_strided_slice %get3A_5 {offsets = [1, 0, 0], sizes = [1, 2000, 1], strides = [1, 1, 1]} : vector<2x2000x16xf32> to vector<1x2000x1xf32>
    %squeeze3A_7 = vector.shape_cast %slice3A_6 : vector<1x2000x1xf32> to vector<2000x1xf32>
    %add3A = arith.addf %squeeze3A, %squeeze3A_7 : vector<2000x1xf32>
    %gt3A = arith.constant 0.000000e+00 : f32
    %gt3A_8 = vector.broadcast %gt3A : f32 to vector<2000x1xf32>
    %gt3A_9 = arith.cmpf ogt, %add3A, %gt3A_8 : vector<2000x1xf32>
    %rsqrt3A = math.rsqrt %add3A : vector<2000x1xf32>
    %jit3A = arith.constant 0.000000e+00 : f32
    %broadcast_in_dim3A = vector.broadcast %jit3A : f32 to vector<2000x1xf32>
    %select_n3A = arith.select %gt3A_9, %rsqrt3A, %broadcast_in_dim3A : vector<2000x1xi1>, vector<2000x1xf32>
    %get3A_10 = arith.constant 0 : index
    %get3A_11 = arith.constant 0 : index
    %get3A_12 = vector.load %arg3[%get3A_10, %get3A_11] : memref<128x128xf32, #tpu.memory_space<vmem>>, vector<128x128xf32>
    %get3A_13 = arith.constant 0 : index
    %get3A_14 = arith.constant 0 : index
    %get3A_15 = vector.load %arg4[%get3A_13, %get3A_14] : memref<1x128xf32, #tpu.memory_space<vmem>>, vector<1x128xf32>
    %dot_general3A = arith.constant dense<0.000000e+00> : vector<2000x128xf32>
    %dot_general3A_16 = tpu.matmul %get3A_1, %get3A_12, %dot_general3A {dimension_numbers = #tpu.dot_dimension_numbers<[1], [0], [0], [1], [0, 0, 1, 1], [], []>, transpose_lhs_hint = false} : vector<2000x128xf32>, vector<128x128xf32>, vector<2000x128xf32> -> vector<2000x128xf32>
    %add3A_17 = vector.broadcast %get3A_15 : vector<1x128xf32> to vector<2000x128xf32>
    %add3A_18 = arith.addf %dot_general3A_16, %add3A_17 : vector<2000x128xf32>
    %reduce_max3A = arith.constant dense<0xFF800000> : vector<2000xf32>
    %reduce_max3A_19 = vector.multi_reduction <maximumf>, %add3A_18, %reduce_max3A [1] : vector<2000x128xf32> to vector<2000xf32>
    %broadcast_in_dim3A_20 = vector.shape_cast %reduce_max3A_19 : vector<2000xf32> to vector<2000x1xf32>
    %sub3A = vector.broadcast %broadcast_in_dim3A_20 : vector<2000x1xf32> to vector<2000x128xf32>
    %sub3A_21 = arith.subf %add3A_18, %sub3A : vector<2000x128xf32>
    %exp3A = math.exp %sub3A_21 : vector<2000x128xf32>
    %reduce_sum3A = arith.constant dense<0.000000e+00> : vector<2000xf32>
    %reduce_sum3A_22 = vector.multi_reduction <add>, %exp3A, %reduce_sum3A [1] : vector<2000x128xf32> to vector<2000xf32>
    %broadcast_in_dim3A_23 = vector.shape_cast %reduce_sum3A_22 : vector<2000xf32> to vector<2000x1xf32>
    %div3A = vector.broadcast %broadcast_in_dim3A_23 : vector<2000x1xf32> to vector<2000x128xf32>
    %div3A_24 = arith.divf %exp3A, %div3A : vector<2000x128xf32>
    %get3A_25 = arith.constant 0 : index
    %get3A_26 = arith.constant 0 : index
    %get3A_27 = vector.load %arg5[%get3A_25, %get3A_26] : memref<128x512xf32, #tpu.memory_space<vmem>>, vector<128x512xf32>
    %dot_general3A_28 = arith.constant dense<0.000000e+00> : vector<2000x512xf32>
    %dot_general3A_29 = tpu.matmul %get3A_1, %get3A_27, %dot_general3A_28 {dimension_numbers = #tpu.dot_dimension_numbers<[1], [0], [0], [1], [0, 0, 1, 1], [], []>, transpose_lhs_hint = false} : vector<2000x128xf32>, vector<128x512xf32>, vector<2000x512xf32> -> vector<2000x512xf32>
    %get3A_30 = arith.constant 0 : index
    %get3A_31 = arith.constant 0 : index
    %get3A_32 = vector.load %arg6[%get3A_30, %get3A_31] : memref<128x512xf32, #tpu.memory_space<vmem>>, vector<128x512xf32>
    %dot_general3A_33 = arith.constant dense<0.000000e+00> : vector<2000x512xf32>
    %dot_general3A_34 = tpu.matmul %div3A_24, %get3A_32, %dot_general3A_33 {dimension_numbers = #tpu.dot_dimension_numbers<[1], [0], [0], [1], [0, 0, 1, 1], [], []>, transpose_lhs_hint = false} : vector<2000x128xf32>, vector<128x512xf32>, vector<2000x512xf32> -> vector<2000x512xf32>
    %mul3A = arith.mulf %dot_general3A_29, %dot_general3A_34 : vector<2000x512xf32>
    %mul3A_35 = vector.broadcast %select_n3A : vector<2000x1xf32> to vector<2000x128xf32>
    %mul3A_36 = arith.mulf %get3A_1, %mul3A_35 : vector<2000x128xf32>
    %convert_element_type3A = arith.truncf %mul3A_36 : vector<2000x128xf32> to vector<2000x128xbf16>
    %swap3A = arith.constant 0 : index
    %swap3A_37 = arith.constant 0 : index
    %swap3A_38 = vector.load %arg7[%swap3A, %swap3A_37] : memref<2000x128xbf16, #tpu.memory_space<vmem>>, vector<2000x128xbf16>
    tpu.vector_store %arg7[%swap3A, %swap3A_37], %convert_element_type3A {strides = array<i32>} : memref<2000x128xbf16, #tpu.memory_space<vmem>>, vector<2000x128xbf16>,
    %slice3A_39 = vector.extract_strided_slice %mul3A {offsets = [0, 0], sizes = [2000, 128], strides = [1, 1]} : vector<2000x512xf32> to vector<2000x128xf32>
    %slice3A_40 = vector.extract_strided_slice %mul3A {offsets = [0, 128], sizes = [2000, 128], strides = [1, 1]} : vector<2000x512xf32> to vector<2000x128xf32>
    %add3A_41 = arith.addf %slice3A_39, %slice3A_40 : vector<2000x128xf32>
    %slice3A_42 = vector.extract_strided_slice %mul3A {offsets = [0, 256], sizes = [2000, 128], strides = [1, 1]} : vector<2000x512xf32> to vector<2000x128xf32>
    %add3A_43 = arith.addf %add3A_41, %slice3A_42 : vector<2000x128xf32>
    %slice3A_44 = vector.extract_strided_slice %mul3A {offsets = [0, 384], sizes = [2000, 128], strides = [1, 1]} : vector<2000x512xf32> to vector<2000x128xf32>
    %add3A_45 = arith.addf %add3A_43, %slice3A_44 : vector<2000x128xf32>
    %add3A_46 = arith.addf %add3A_45, %get3A_1 : vector<2000x128xf32>
    %swap3A_47 = arith.constant 0 : index
    %swap3A_48 = arith.constant 0 : index
    %swap3A_49 = vector.load %arg8[%swap3A_47, %swap3A_48] : memref<2000x128xf32, #tpu.memory_space<vmem>>, vector<2000x128xf32>
    tpu.vector_store %arg8[%swap3A_47, %swap3A_48], %add3A_46 {strides = array<i32>} : memref<2000x128xf32, #tpu.memory_space<vmem>>, vector<2000x128xf32>,
    return
  }
  func.func @transform_0(%arg0: i32) -> (i32, i32) {
    %c0_i32 = arith.constant 0 : i32
    %c0_i32_0 = arith.constant 0 : i32
    return %arg0, %c0_i32 : i32, i32
  }
  func.func @transform_1(%arg0: i32) -> (i32, i32, i32) {
    %c0_i32 = arith.constant 0 : i32
    %c0_i32_0 = arith.constant 0 : i32
    %c0_i32_1 = arith.constant 0 : i32
    return %c0_i32, %arg0, %c0_i32_0 : i32, i32, i32
  }
  func.func @transform_2(%arg0: i32) -> (i32, i32) {
    %c0_i32 = arith.constant 0 : i32
    %c0_i32_0 = arith.constant 0 : i32
    %c0_i32_1 = arith.constant 0 : i32
    return %c0_i32, %c0_i32_0 : i32, i32
  }
  func.func @transform_3(%arg0: i32) -> (i32, i32) {
    %c0_i32 = arith.constant 0 : i32
    %c0_i32_0 = arith.constant 0 : i32
    %c0_i32_1 = arith.constant 0 : i32
    return %c0_i32, %c0_i32_0 : i32, i32
  }
  func.func @transform_4(%arg0: i32) -> (i32, i32) {
    %c0_i32 = arith.constant 0 : i32
    %c0_i32_0 = arith.constant 0 : i32
    %c0_i32_1 = arith.constant 0 : i32
    return %c0_i32, %c0_i32_0 : i32, i32
  }
  func.func @transform_5(%arg0: i32) -> (i32, i32) {
    %c0_i32 = arith.constant 0 : i32
    %c0_i32_0 = arith.constant 0 : i32
    %c0_i32_1 = arith.constant 0 : i32
    return %c0_i32, %c0_i32_0 : i32, i32
  }
  func.func @transform_6(%arg0: i32) -> (i32, i32) {
    %c0_i32 = arith.constant 0 : i32
    %c0_i32_0 = arith.constant 0 : i32
    return %arg0, %c0_i32 : i32, i32
  }
  func.func @transform_7(%arg0: i32) -> (i32, i32) {
    %c0_i32 = arith.constant 0 : i32
    %c0_i32_0 = arith.constant 0 : i32
    return %arg0, %c0_i32 : i32, i32
  }
}

module attributes {stable_mosaic.version = 14 : i64} {
  func.func @_tc_postf_body(%arg0: i32, %arg1: memref<2x2000x128xbf16, #tpu.memory_space<vmem>>, %arg2: memref<2x2000x16xf32, #tpu.memory_space<vmem>>, %arg3: memref<2000x128xf32, #tpu.memory_space<vmem>>, %arg4: memref<128x128xf32, #tpu.memory_space<vmem>>, %arg5: memref<1x128xf32, #tpu.memory_space<vmem>>, %arg6: memref<128x512xf32, #tpu.memory_space<vmem>>, %arg7: memref<128x512xf32, #tpu.memory_space<vmem>>, %arg8: memref<2000x128xf32, #tpu.memory_space<vmem>>, %arg9: memref<128x128xf32, #tpu.memory_space<vmem>>, %arg10: memref<1x128xf32, #tpu.memory_space<vmem>>, %arg11: memref<2000x128xf32, #tpu.memory_space<vmem>>) attributes {dimension_semantics = [#tpu.dimension_semantics<arbitrary>], iteration_bounds = array<i64: 5>, scalar_prefetch = 0 : i64, scratch_operands = 0 : i64, tpu.core_type = #tpu.core_type<tc>, window_params = [{transform_indices = @transform_0, window_bounds = array<i64: 2, 2000, 128>}, {transform_indices = @transform_1, window_bounds = array<i64: 2, 2000, 16>}, {transform_indices = @transform_2, window_bounds = array<i64: 2000, 128>}, {pipeline_mode = #tpu.pipeline_mode<synchronous>, transform_indices = @transform_3, window_bounds = array<i64: 128, 128>}, {pipeline_mode = #tpu.pipeline_mode<synchronous>, transform_indices = @transform_4, window_bounds = array<i64: 1, 128>}, {pipeline_mode = #tpu.pipeline_mode<synchronous>, transform_indices = @transform_5, window_bounds = array<i64: 128, 512>}, {pipeline_mode = #tpu.pipeline_mode<synchronous>, transform_indices = @transform_6, window_bounds = array<i64: 128, 512>}, {transform_indices = @transform_7, window_bounds = array<i64: 2000, 128>}, {pipeline_mode = #tpu.pipeline_mode<synchronous>, transform_indices = @transform_8, window_bounds = array<i64: 128, 128>}, {pipeline_mode = #tpu.pipeline_mode<synchronous>, transform_indices = @transform_9, window_bounds = array<i64: 1, 128>}, {transform_indices = @transform_10, window_bounds = array<i64: 2000, 128>}]} {
    %get3A = arith.constant 0 : index
    %get3A_0 = arith.constant 0 : index
    %get3A_1 = arith.constant 0 : index
    %get3A_2 = vector.load %arg1[%get3A, %get3A_0, %get3A_1] : memref<2x2000x128xbf16, #tpu.memory_space<vmem>>, vector<2x2000x128xbf16>
    %convert_element_type3A = arith.extf %get3A_2 : vector<2x2000x128xbf16> to vector<2x2000x128xf32>
    %get3A_3 = arith.constant 0 : index
    %get3A_4 = arith.constant 0 : index
    %get3A_5 = arith.constant 0 : index
    %get3A_6 = vector.load %arg2[%get3A_3, %get3A_4, %get3A_5] : memref<2x2000x16xf32, #tpu.memory_space<vmem>>, vector<2x2000x16xf32>
    %slice3A = vector.extract_strided_slice %get3A_6 {offsets = [0, 0, 0], sizes = [1, 2000, 1], strides = [1, 1, 1]} : vector<2x2000x16xf32> to vector<1x2000x1xf32>
    %squeeze3A = vector.shape_cast %slice3A : vector<1x2000x1xf32> to vector<2000x1xf32>
    %slice3A_7 = vector.extract_strided_slice %get3A_6 {offsets = [1, 0, 0], sizes = [1, 2000, 1], strides = [1, 1, 1]} : vector<2x2000x16xf32> to vector<1x2000x1xf32>
    %squeeze3A_8 = vector.shape_cast %slice3A_7 : vector<1x2000x1xf32> to vector<2000x1xf32>
    %add3A = arith.addf %squeeze3A, %squeeze3A_8 : vector<2000x1xf32>
    %gt3A = arith.constant 0.000000e+00 : f32
    %gt3A_9 = vector.broadcast %gt3A : f32 to vector<2000x1xf32>
    %gt3A_10 = arith.cmpf ogt, %add3A, %gt3A_9 : vector<2000x1xf32>
    %rsqrt3A = math.rsqrt %add3A : vector<2000x1xf32>
    %jit3A = arith.constant 0.000000e+00 : f32
    %broadcast_in_dim3A = vector.broadcast %jit3A : f32 to vector<2000x1xf32>
    %select_n3A = arith.select %gt3A_10, %rsqrt3A, %broadcast_in_dim3A : vector<2000x1xi1>, vector<2000x1xf32>
    %slice3A_11 = vector.extract_strided_slice %convert_element_type3A {offsets = [0, 0, 0], sizes = [1, 2000, 128], strides = [1, 1, 1]} : vector<2x2000x128xf32> to vector<1x2000x128xf32>
    %squeeze3A_12 = vector.shape_cast %slice3A_11 : vector<1x2000x128xf32> to vector<2000x128xf32>
    %slice3A_13 = vector.extract_strided_slice %convert_element_type3A {offsets = [1, 0, 0], sizes = [1, 2000, 128], strides = [1, 1, 1]} : vector<2x2000x128xf32> to vector<1x2000x128xf32>
    %squeeze3A_14 = vector.shape_cast %slice3A_13 : vector<1x2000x128xf32> to vector<2000x128xf32>
    %add3A_15 = arith.addf %squeeze3A_12, %squeeze3A_14 : vector<2000x128xf32>
    %mul3A = vector.broadcast %select_n3A : vector<2000x1xf32> to vector<2000x128xf32>
    %mul3A_16 = arith.mulf %add3A_15, %mul3A : vector<2000x128xf32>
    %get3A_17 = arith.constant 0 : index
    %get3A_18 = arith.constant 0 : index
    %get3A_19 = vector.load %arg3[%get3A_17, %get3A_18] : memref<2000x128xf32, #tpu.memory_space<vmem>>, vector<2000x128xf32>
    %get3A_20 = arith.constant 0 : index
    %get3A_21 = arith.constant 0 : index
    %get3A_22 = vector.load %arg4[%get3A_20, %get3A_21] : memref<128x128xf32, #tpu.memory_space<vmem>>, vector<128x128xf32>
    %get3A_23 = arith.constant 0 : index
    %get3A_24 = arith.constant 0 : index
    %get3A_25 = vector.load %arg5[%get3A_23, %get3A_24] : memref<1x128xf32, #tpu.memory_space<vmem>>, vector<1x128xf32>
    %dot_general3A = arith.constant dense<0.000000e+00> : vector<2000x128xf32>
    %dot_general3A_26 = tpu.matmul %get3A_19, %get3A_22, %dot_general3A {dimension_numbers = #tpu.dot_dimension_numbers<[1], [0], [0], [1], [0, 0, 1, 1], [], []>, transpose_lhs_hint = false} : vector<2000x128xf32>, vector<128x128xf32>, vector<2000x128xf32> -> vector<2000x128xf32>
    %add3A_27 = vector.broadcast %get3A_25 : vector<1x128xf32> to vector<2000x128xf32>
    %add3A_28 = arith.addf %dot_general3A_26, %add3A_27 : vector<2000x128xf32>
    %reduce_max3A = arith.constant dense<0xFF800000> : vector<2000xf32>
    %reduce_max3A_29 = vector.multi_reduction <maximumf>, %add3A_28, %reduce_max3A [1] : vector<2000x128xf32> to vector<2000xf32>
    %broadcast_in_dim3A_30 = vector.shape_cast %reduce_max3A_29 : vector<2000xf32> to vector<2000x1xf32>
    %sub3A = vector.broadcast %broadcast_in_dim3A_30 : vector<2000x1xf32> to vector<2000x128xf32>
    %sub3A_31 = arith.subf %add3A_28, %sub3A : vector<2000x128xf32>
    %exp3A = math.exp %sub3A_31 : vector<2000x128xf32>
    %reduce_sum3A = arith.constant dense<0.000000e+00> : vector<2000xf32>
    %reduce_sum3A_32 = vector.multi_reduction <add>, %exp3A, %reduce_sum3A [1] : vector<2000x128xf32> to vector<2000xf32>
    %broadcast_in_dim3A_33 = vector.shape_cast %reduce_sum3A_32 : vector<2000xf32> to vector<2000x1xf32>
    %div3A = vector.broadcast %broadcast_in_dim3A_33 : vector<2000x1xf32> to vector<2000x128xf32>
    %div3A_34 = arith.divf %exp3A, %div3A : vector<2000x128xf32>
    %get3A_35 = arith.constant 0 : index
    %get3A_36 = arith.constant 0 : index
    %get3A_37 = vector.load %arg6[%get3A_35, %get3A_36] : memref<128x512xf32, #tpu.memory_space<vmem>>, vector<128x512xf32>
    %dot_general3A_38 = arith.constant dense<0.000000e+00> : vector<2000x512xf32>
    %dot_general3A_39 = tpu.matmul %mul3A_16, %get3A_37, %dot_general3A_38 {dimension_numbers = #tpu.dot_dimension_numbers<[1], [0], [0], [1], [0, 0, 1, 1], [], []>, transpose_lhs_hint = false} : vector<2000x128xf32>, vector<128x512xf32>, vector<2000x512xf32> -> vector<2000x512xf32>
    %get3A_40 = arith.constant 0 : index
    %get3A_41 = arith.constant 0 : index
    %get3A_42 = vector.load %arg7[%get3A_40, %get3A_41] : memref<128x512xf32, #tpu.memory_space<vmem>>, vector<128x512xf32>
    %dot_general3A_43 = arith.constant dense<0.000000e+00> : vector<2000x512xf32>
    %dot_general3A_44 = tpu.matmul %div3A_34, %get3A_42, %dot_general3A_43 {dimension_numbers = #tpu.dot_dimension_numbers<[1], [0], [0], [1], [0, 0, 1, 1], [], []>, transpose_lhs_hint = false} : vector<2000x128xf32>, vector<128x512xf32>, vector<2000x512xf32> -> vector<2000x512xf32>
    %mul3A_45 = arith.mulf %dot_general3A_39, %dot_general3A_44 : vector<2000x512xf32>
    %slice3A_46 = vector.extract_strided_slice %mul3A_45 {offsets = [0, 0], sizes = [2000, 128], strides = [1, 1]} : vector<2000x512xf32> to vector<2000x128xf32>
    %slice3A_47 = vector.extract_strided_slice %mul3A_45 {offsets = [0, 128], sizes = [2000, 128], strides = [1, 1]} : vector<2000x512xf32> to vector<2000x128xf32>
    %add3A_48 = arith.addf %slice3A_46, %slice3A_47 : vector<2000x128xf32>
    %slice3A_49 = vector.extract_strided_slice %mul3A_45 {offsets = [0, 256], sizes = [2000, 128], strides = [1, 1]} : vector<2000x512xf32> to vector<2000x128xf32>
    %add3A_50 = arith.addf %add3A_48, %slice3A_49 : vector<2000x128xf32>
    %slice3A_51 = vector.extract_strided_slice %mul3A_45 {offsets = [0, 384], sizes = [2000, 128], strides = [1, 1]} : vector<2000x512xf32> to vector<2000x128xf32>
    %add3A_52 = arith.addf %add3A_50, %slice3A_51 : vector<2000x128xf32>
    %get3A_53 = arith.constant 0 : index
    %get3A_54 = arith.constant 0 : index
    %get3A_55 = vector.load %arg8[%get3A_53, %get3A_54] : memref<2000x128xf32, #tpu.memory_space<vmem>>, vector<2000x128xf32>
    %add3A_56 = arith.addf %add3A_52, %get3A_55 : vector<2000x128xf32>
    %max3A = arith.constant 0.000000e+00 : f32
    %max3A_57 = vector.broadcast %max3A : f32 to vector<2000x128xf32>
    %max3A_58 = arith.maximumf %add3A_56, %max3A_57 : vector<2000x128xf32>
    %get3A_59 = arith.constant 0 : index
    %get3A_60 = arith.constant 0 : index
    %get3A_61 = vector.load %arg9[%get3A_59, %get3A_60] : memref<128x128xf32, #tpu.memory_space<vmem>>, vector<128x128xf32>
    %dot_general3A_62 = arith.constant dense<0.000000e+00> : vector<2000x128xf32>
    %dot_general3A_63 = tpu.matmul %max3A_58, %get3A_61, %dot_general3A_62 {dimension_numbers = #tpu.dot_dimension_numbers<[1], [0], [0], [1], [0, 0, 1, 1], [], []>, transpose_lhs_hint = false} : vector<2000x128xf32>, vector<128x128xf32>, vector<2000x128xf32> -> vector<2000x128xf32>
    %get3A_64 = arith.constant 0 : index
    %get3A_65 = arith.constant 0 : index
    %get3A_66 = vector.load %arg10[%get3A_64, %get3A_65] : memref<1x128xf32, #tpu.memory_space<vmem>>, vector<1x128xf32>
    %add3A_67 = vector.broadcast %get3A_66 : vector<1x128xf32> to vector<2000x128xf32>
    %add3A_68 = arith.addf %dot_general3A_63, %add3A_67 : vector<2000x128xf32>
    %swap3A = arith.constant 0 : index
    %swap3A_69 = arith.constant 0 : index
    %swap3A_70 = vector.load %arg11[%swap3A, %swap3A_69] : memref<2000x128xf32, #tpu.memory_space<vmem>>, vector<2000x128xf32>
    tpu.vector_store %arg11[%swap3A, %swap3A_69], %add3A_68 {strides = array<i32>} : memref<2000x128xf32, #tpu.memory_space<vmem>>, vector<2000x128xf32>,
    return
  }
  func.func @transform_0(%arg0: i32) -> (i32, i32, i32) {
    %c0_i32 = arith.constant 0 : i32
    %c0_i32_0 = arith.constant 0 : i32
    %c0_i32_1 = arith.constant 0 : i32
    return %c0_i32, %arg0, %c0_i32_0 : i32, i32, i32
  }
  func.func @transform_1(%arg0: i32) -> (i32, i32, i32) {
    %c0_i32 = arith.constant 0 : i32
    %c0_i32_0 = arith.constant 0 : i32
    %c0_i32_1 = arith.constant 0 : i32
    return %c0_i32, %arg0, %c0_i32_0 : i32, i32, i32
  }
  func.func @transform_2(%arg0: i32) -> (i32, i32) {
    %c0_i32 = arith.constant 0 : i32
    %c0_i32_0 = arith.constant 0 : i32
    return %arg0, %c0_i32 : i32, i32
  }
  func.func @transform_3(%arg0: i32) -> (i32, i32) {
    %c0_i32 = arith.constant 0 : i32
    %c0_i32_0 = arith.constant 0 : i32
    %c0_i32_1 = arith.constant 0 : i32
    return %c0_i32, %c0_i32_0 : i32, i32
  }
  func.func @transform_4(%arg0: i32) -> (i32, i32) {
    %c0_i32 = arith.constant 0 : i32
    %c0_i32_0 = arith.constant 0 : i32
    %c0_i32_1 = arith.constant 0 : i32
    return %c0_i32, %c0_i32_0 : i32, i32
  }
  func.func @transform_5(%arg0: i32) -> (i32, i32) {
    %c0_i32 = arith.constant 0 : i32
    %c0_i32_0 = arith.constant 0 : i32
    %c0_i32_1 = arith.constant 0 : i32
    return %c0_i32, %c0_i32_0 : i32, i32
  }
  func.func @transform_6(%arg0: i32) -> (i32, i32) {
    %c0_i32 = arith.constant 0 : i32
    %c0_i32_0 = arith.constant 0 : i32
    %c0_i32_1 = arith.constant 0 : i32
    return %c0_i32, %c0_i32_0 : i32, i32
  }
  func.func @transform_7(%arg0: i32) -> (i32, i32) {
    %c0_i32 = arith.constant 0 : i32
    %c0_i32_0 = arith.constant 0 : i32
    return %arg0, %c0_i32 : i32, i32
  }
  func.func @transform_8(%arg0: i32) -> (i32, i32) {
    %c0_i32 = arith.constant 0 : i32
    %c0_i32_0 = arith.constant 0 : i32
    %c0_i32_1 = arith.constant 0 : i32
    return %c0_i32, %c0_i32_0 : i32, i32
  }
  func.func @transform_9(%arg0: i32) -> (i32, i32) {
    %c0_i32 = arith.constant 0 : i32
    %c0_i32_0 = arith.constant 0 : i32
    %c0_i32_1 = arith.constant 0 : i32
    return %c0_i32, %c0_i32_0 : i32, i32
  }
  func.func @transform_10(%arg0: i32) -> (i32, i32) {
    %c0_i32 = arith.constant 0 : i32
    %c0_i32_0 = arith.constant 0 : i32
    return %arg0, %c0_i32 : i32, i32
  }
}

</mosaic_0001>

<sc_bundles>
// kernel: kernel.10.cloned.1.call-start
scs
__scs_entry_jumppad:
0x0: {  	(pc) =	sbr.rel $0x88, $3  }
0x1: {  	(tag) =	ssettag $0x0;
	lr =	simm.s32 $0x1  }
0x2: {  	[smem:$0x3F95] =	sst lr;
	_ =	strace $0xD0000000  }
0x3: {  	_ = 	snop  }
0x4: {  	_ = 	snop  }
0x5: {  	_ = 	snop  }
0x6: {  	_ = 	snop  }
0x7: {  	_ = 	snop  }
__scs_overlays_trampoline_lowered:
0x8: {  	[smem:$0x3FA4] =	sst s0  }
0x9: {  	[smem:$0x3FA5] =	sst s1  }
0xa: {  	[smem:$0x3FA6] =	sst s2  }
0xb: {  	[smem:$0x3FA7] =	sst s3  }
0xc: {  	[smem:$0x3FA8] =	sst s4  }
0xd: {  	[smem:$0x3FA9] =	sst s5  }
0xe: {  	[smem:$0x3FAA] =	sst s6  }
0xf: {  	[smem:$0x3FAB] =	sst s7  }
0x10: {  	[smem:$0x3FAC] =	sst s8  }
0x11: {  	[smem:$0x3FAD] =	sst s9;
	s0 =	simm.s32 @!p0 $0x0  }
0x12: {  	s1 =	sld [smem:$0x3F93];
	s0 =	simm.s32 @p0 $0x1  }
0x13: {  	[smem:$0x3FAE] =	sst s0;
	s0 =	simm.s32 @!p1 $0x0  }
0x14: {  	s2 =	sld [smem:$0x3F92];
	s0 =	simm.s32 @p1 $0x1  }
0x15: {  	[smem:$0x3FAF] =	sst s0;
	s0 =	simm.s32 @!p2 $0x0  }
0x16: {  	s3 =	sld [smem:$0x3FDB];
	s0 =	simm.s32 @p2 $0x1  }
0x17: {  	s4 =	simm.s32 $0x1BF5;
	[smem:$0x3FB1] =	sst s0  }
0x18: {  	s0 =	sld [smem:$0x3F94];
	_ =	swait.ge [sflag:s4], $0x0  }
0x19: {  	s7 =	sld [smem:$0x3F95]  }
0x1a: {  	s8 =	sadd.s32 $0xFFFFE003, lr  }
0x1b: {  	s9 =	sadd.s32 $0xFFFFFEF7, lr;
	s5 =	simm.s32 $0xFFFFFFFF;
	p2 =	slt.u32 s8, $0xFFFFF086  }
0x1c: {  	p1 =	slt.u32 s9, $0xF7A;
	s5 =	simm.s32 @!p2 $0x0  }
0x1d: {  	s5 =	simm.s32 @p1 $0x1;
	p0 =	seq.s32 s7, s2  }
0x1e: {  	s7 =	smul.u32 @!p0 $0xF7A, s2;
	p2 =	seq.s32 @!p0 s5, $0x0  }
0x1f: {  	s9 =	smul.u32 $0xF7A, s1;
	s8 =	simm.s32 @!p0 $0x1BF5;
	p2 =	por !p2, p0  }
0x20: {  	[sflag:s8] =	ssyncset.s32 @!p0 $0xFFFFF086;
	s6 =	sadd.s32 @!p0 s3, s7;
	s7 =	simm.s32 @!p0 $0x108  }
0x21: {  	s3 =	sadd.s32 s3, s9;
	s6 =	sadd.s32 @!p0 $0x88, s6;
	s7 =	simm.s32 @p2 $0x1082  }
0x22: {  	[simem:s7], [sflag:s8] =	dma.local @!p0 [hbm:s6], $0xF7A  }
0x23: {  	s9 =	sor.u32 $0xD0000000, s2;
	s6 =	simm.s32 $0x108;
	_ =	swait.ge @!p0 [sflag:s8], $0x0  }
0x24: {  	s3 =	sadd.s32 $0x88, s3;
	s6 =	simm.s32 @!p1 $0x1082;
	[sflag:s4] =	ssyncset.s32 $0xFFFFF086  }
0x25: {  	[simem:s6], [sflag:s4] =	dma.local [hbm:s3], $0xF7A  }
0x26: {  	[smem:$0x3F95] =	sst s1;
	(tag) =	ssettag s2;
	_ =	strace s9  }
0x27: {  	s1 =	sld [smem:$0x3FA5]  }
0x28: {  	s2 =	sld [smem:$0x3FA6]  }
0x29: {  	s4 =	sld [smem:$0x3FA8]  }
0x2a: {  	p0 =	seq.s32 s5, $0x0;
	s5 =	sld [smem:$0x3FA9]  }
0x2b: {  	s6 =	sld [smem:$0x3FAA]  }
0x2c: {  	s7 =	sld [smem:$0x3FAB]  }
0x2d: {  	s3 =	simm.s32 $0x108;
	s8 =	sld [smem:$0x3FAC]  }
0x2e: {  	s3 =	simm.s32 @!p0 $0x1082;
	s9 =	sld [smem:$0x3FAD]  }
0x2f: {  	lr =	sadd.s32 s0, s3;
	s0 =	sld [smem:$0x3FA4]  }
0x30: {  	s3 =	sld [smem:$0x3FA7]  }
0x31: {  	[smem:$0x3FB0] =	sst s10  }
0x32: {  	s10 =	sld [smem:$0x3FAE];
	_ =	sdelay $0x3  }
0x33: {  	p0 =	seq.s32 s10, $0x1;
	s10 =	sld [smem:$0x3FB0];
	_ =	sdelay $0x3  }
0x34: {  	[smem:$0x3FB0] =	sst s10  }
0x35: {  	s10 =	sld [smem:$0x3FAF];
	_ =	sdelay $0x3  }
0x36: {  	p1 =	seq.s32 s10, $0x1;
	s10 =	sld [smem:$0x3FB0];
	_ =	sdelay $0x3  }
0x37: {  	[smem:$0x3FB0] =	sst s10  }
0x38: {  	s10 =	sld [smem:$0x3FB1]  }
0x39: {  	_ = 	snop;
	(pc) =	sbr.ind lr, $3  }
0x3a: {  	_ = 	snop  }
0x3b: {  	_ = 	snop  }
0x3c: {  	p2 =	seq.s32 s10, $0x1;
	s10 =	sld [smem:$0x3FB0]  }
0x3d: {  	_ =	shalt  }
0x3e: {  	_ =	shalt  }
0x3f: {  	_ =	shalt  }
0x40: {  	_ =	shalt  }
0x41: {  	_ =	shalt  }
0x42: {  	_ =	shalt  }
0x43: {  	_ =	shalt  }
0x44: {  	_ =	shalt  }
0x45: {  	_ =	shalt  }
0x46: {  	_ =	shalt  }
0x47: {  	_ =	shalt  }
0x48: {  	_ =	shalt  }
0x49: {  	_ =	shalt  }
0x4a: {  	_ =	shalt  }
0x4b: {  	_ =	shalt  }
0x4c: {  	_ =	shalt  }
0x4d: {  	_ =	shalt  }
0x4e: {  	_ =	shalt  }
0x4f: {  	_ =	shalt  }
0x50: {  	_ =	shalt  }
0x51: {  	_ =	shalt  }
0x52: {  	_ =	shalt  }
0x53: {  	_ =	shalt  }
0x54: {  	_ =	shalt  }
0x55: {  	_ =	shalt  }
0x56: {  	_ =	shalt  }
0x57: {  	_ =	shalt  }
0x58: {  	_ =	shalt  }
0x59: {  	_ =	shalt  }
0x5a: {  	_ =	shalt  }
0x5b: {  	_ =	shalt  }
0x5c: {  	_ =	shalt  }
0x5d: {  	_ =	shalt  }
0x5e: {  	_ =	shalt  }
0x5f: {  	_ =	shalt  }
0x60: {  	_ =	shalt  }
0x61: {  	_ =	shalt  }
0x62: {  	_ =	shalt  }
0x63: {  	_ =	shalt  }
0x64: {  	_ =	shalt  }
0x65: {  	_ =	shalt  }
0x66: {  	_ =	shalt  }
0x67: {  	_ =	shalt  }
0x68: {  	_ =	shalt  }
0x69: {  	_ =	shalt  }
0x6a: {  	_ =	shalt  }
0x6b: {  	_ =	shalt  }
0x6c: {  	_ =	shalt  }
0x6d: {  	_ =	shalt  }
0x6e: {  	_ =	shalt  }
0x6f: {  	_ =	shalt  }
0x70: {  	_ =	shalt  }
0x71: {  	_ =	shalt  }
0x72: {  	_ =	shalt  }
0x73: {  	_ =	shalt  }
0x74: {  	_ =	shalt  }
0x75: {  	_ =	shalt  }
0x76: {  	_ =	shalt  }
0x77: {  	_ =	shalt  }
0x78: {  	_ =	shalt  }
0x79: {  	_ =	shalt  }
0x7a: {  	_ =	shalt  }
0x7b: {  	_ =	shalt  }
0x7c: {  	_ =	shalt  }
0x7d: {  	_ =	shalt  }
0x7e: {  	_ =	shalt  }
0x7f: {  	_ =	shalt  }
0x80: {  	_ =	shalt  }
0x81: {  	_ =	shalt  }
0x82: {  	_ =	shalt  }
0x83: {  	_ =	shalt  }
0x84: {  	_ =	shalt  }
0x85: {  	_ =	shalt  }
0x86: {  	_ =	shalt  }
0x87: {  	_ =	shalt  }
.Lfunc_end0:
.L_simem_size_0:
called_computation_lowered:
.L_overlay_start_0:
0x88: {  	s2 =	sld [smem:$0x3FD9]  }
0x89: {  	s3 =	sld [smem:$0x3FFE];
	_ =	sdelay $0x1  }
0x8a: {  	s1 =	srdreg.scid  }
0x8b: {  	s0 =	sand.u32 $0x1, s1  }
0x8c: {  	s16 =	sshll.u32 s0, $0xA;
	s2 =	sadd.s32 s3, s2  }
0x8d: {  	s2 =	sadd.s32 s2, s16  }
0x8e: {  	[smem:$0x3FBC] =	sst s2  }
0x8f: {  	_ = 	snop  }
0x90: {  	(tm) =	ssettm $0x1  }
0x91: {  	s17 =	sld [smem:$0x3FFB];
	_ =	sdelay $0x3  }
0x92: {  	_ =	strace s17  }
0x93: {  	s2 =	sld [smem:$0x3FFC];
	_ =	sdelay $0x3  }
0x94: {  	_ =	strace s2  }
0x95: {  	s2 =	sld [smem:$0x3FFD];
	_ =	sdelay $0x3  }
0x96: {  	_ =	strace s2  }
0x97: {  	_ =	strace $0x8FFFFFFF  }
0x98: {  	s18 =	sld [smem:$0x3FDB];
	_ =	sdelay $0x1  }
0x99: {  	s19 =	simm.s32 $_scs_section_size  }
0x9a: {  	s4 =	simm.s32 $_size__tile_overlayer_lowered;
	s5 =	simm.s32 $_tile_overlayer_lowered  }
0x9b: {  	s22 =	simm.s32 $0x1BFF;
	s21 =	sshll.u32 s5, $0x1;
	s2 =	sadd.s32 s19, s18  }
0x9c: {  	s6 =	simm.s32 $0x0;
	s20 =	sshll.u32 s4, $0x1;
	s4 =	sadd.s32 s21, s2  }
0x9d: {  	[timem:s6], [sflag:s22] =	dma.local [hbm:s4], s20  }
0x9e: {  	_ =	swait.ge [sflag:s22], s20  }
0x9f: {  	s3 =	ssub.s32 $0x0, s20;
	[sflag:s22] =	ssyncset.done $0x0  }
0xa0: {  	[sflag:s22] =	ssyncadd.s32 s3;
	_ =	sdelay $0x1  }
0xa1: {  	s23 =	simm.s32 $0x1B8B  }
0xa2: {  	_ =	swait.ge [sflag:s23], $0x1  }
0xa3: {  	[sflag:s23] =	ssyncset.done $0x0  }
0xa4: {  	s25 =	simm.s32 $0x1B8E;
	s24 =	sld [smem:$0x3FFE];
	[sflag:s23] =	ssyncadd.s32 $0xFFFFFFFF  }
0xa5: {  	s26 =	simm.s32 $execute0_lowered;
	[smem:$0x3FD2] =	sst s25  }
0xa6: {  	s4 =	sshll.u32 s26, $0x1;
	_ =	strace $0x80000046;
	[dreg:$0x1] =	wrdreg $0xFFFFFFFF  }
0xa7: {  	s28 =	simm.s32 $_size_execute0_lowered;
	s2 =	sadd.s32 s2, s4;
	[dreg:$0x0] =	wrdreg $0x0  }
0xa8: {  	s4 =	sshll.u32 s28, $0x1;
	[dreg:$0x2] =	wrdreg s2  }
0xa9: {  	[dreg:$0x3] =	wrdreg s4  }
0xaa: {  	[dreg:$0x4] =	wrdreg $0xC0  }
0xab: {  	_ =	task [dreg:s6], $0x5FFFF  }
0xac: {  	[dreg:$0x1] =	wrdreg $0xFFFFFFFF  }
0xad: {  	[dreg:$0x0] =	wrdreg $0x60  }
0xae: {  	[dreg:$0x2] =	wrdreg s24  }
0xaf: {  	[dreg:$0x3] =	wrdreg $0x2FD00  }
0xb0: {  	[dreg:$0x4] =	wrdreg $0x9  }
0xb1: {  	_ =	task.clear_ibuf [dreg:s6], $0x5FFFF;
	_ =	strace $0x90000046  }
0xb2: {  	s29 =	simm.s32 $0x9;
	_ =	strace $0x80000048  }
0xb3: {  	_ =	swait.ge [sflag:s29], $0x1  }
0xb4: {  	[sflag:s29] =	ssyncadd.s32 $0xFFFFFFFF  }
0xb5: {  	_ =	strace $0x90000048  }
0xb6: {  	_ =	sfence  }
0xb7: {  	s30 =	sld [smem:$0x0];
	_ =	sdelay $0x2  }
0xb8: {  	s31 =	sshll.u32 s1, $0xD;
	s1 =	sshrl.u32 s1, $0x2  }
0xb9: {  	s3 =	sand.u32 $0x4000, s31;
	s1 =	sadd.s32 s1, s30  }
0xba: {  	s0 =	sor.u32 s3, s0;
	s1 =	sshll.u32 s1, $0x11  }
0xbb: {  	s0 =	sor.u32 s1, s0  }
0xbc: {  	s0 =	sadd.s32 $0x8F2B, s0  }
0xbd: {  	[sflag:s0] =	ssyncadd.remote.s32 $0x1  }
0xbe: {  	_ =	sfence.sel $0xFFFF  }
0xbf: {  	[dreg:$0x0] =	wrdreg $0xFFFFFFFF;
	(pc) =	sbr.abs _section_cstart, $3  }
0xc0: {  	[dreg:$0x1] =	wrdreg $0xFFFFFFFF  }
0xc1: {  	_ =	task.clear_ibuf [dreg:s6], $0x2FFFF;
	_ =	strace $0x9FFFFFFF  }
0xc2: {  	(tm) =	ssettm $0x7FFFFFFF  }
0xc3: {  	_ =	shalt  }
tec
execute0_lowered:
.L_overlay_start_1:
0x0: {  	(tag) =	ssettag $0x1  }
0x1: {  	s6 =	rddreg [dreg:$0x0]  }
0x2: {  	s2 =	rddreg [dreg:$0x1];
	s3 =	srdreg.scid  }
0x3: {  	s0 =	rddreg [dreg:$0x2];
	s1 =	stileid.u32  }
0x4: {  	s13 =	simm.s32 $0x7D;
	s14 =	simm.s32 $0x0;
	s7 =	sand.u32 $0x1, s3  }
0x5: {  	s3 =	simm.s32 $0x0;
	s8 =	smul.u32 $0x2710, s1;
	s5 =	sadd.s32 $0x17200, s6  }
0x6: {  	s31 =	sshll.u32 s1, $0x6;
	s4 =	sshll.u32 s7, $0x4;
	[smem:$0x7FF] =	sst s3  }
0x7: {  	s9 =	smul.u32 $0x27100, s7;
	s7 =	ssub.s32 $0x2, s7;
	s4 =	sor.u32 s1, s4  }
0x8: {  	_ =	strace $0x80000047;
	s11 =	sshrl.u32 s7, $0x1;
	s12 =	sadd.s32 s8, s2  }
0x9: {  	s10 =	smul.u32 $0x2800, s4;
	s4 =	sadd.s32 $0x17800, s6;
	s9 =	sadd.s32 s8, s9  }
0xa: {  	s30 =	ssub.s32 s7, s11;
	s11 =	sor.u32 $0x1C01, s31;
	s9 =	sshrl.u32 s9, $0x3  }
0xb: {  	s12 =	sshrl.u32 s12, $0x3;
	s10 =	sshrl.u32 s10, $0x3;
	s9 =	sadd.s32 s9, s6  }
0xc: {  	s8 =	smax.u32 s30, $0x1;
	s6 =	sadd.s32 s6, s10;
	s7 =	sadd.s32 $0x17A00, s9  }
0xd: {  	s9 =	simm.s32 $0x1;
	s10 =	simm.s32 $0x2800;
	s6 =	sadd.s32 $0xD200, s6  }
.LBB2_1:
0xe: {  	[tilespmem:s3], [sflag:$0x1] =	stream.linear.gather [hbm4b:s6+s3], $0x2800, $0x38;
	[tilespmem:$0x56E0] =	vst v63  }
0xf: {  	_ =	swait.ge [sflag:s9], $0x2800  }
0x10: {  	[sflag:s9] =	ssyncset.done $0x0  }
0x11: {  	[sflag:s9] =	ssyncadd.s32 $0xFFFFD800  }
0x12: {  	[tilespmem:s10], [sflag:$0x1] =	stream.linear.gather [hbm4b:s4+s3], $0x7D0, $0x38;
	[tilespmem:$0x56E0] =	vst v63  }
0x13: {  	_ =	swait.ge [sflag:s9], $0x7D0  }
0x14: {  	[sflag:s9] =	ssyncset.done $0x0  }
0x15: {  	[sflag:s9] =	ssyncadd.s32 $0xFFFFF830  }
0x16: {  	[spmem:s12], [sflag:s11] =	dma.local [hbm:s5], $0x4E2  }
0x17: {  	_ =	swait.ge [sflag:s9], $0x4E2  }
0x18: {  	[sflag:s9] =	ssyncset.done $0x0  }
0x19: {  	[sflag:s9] =	ssyncadd.s32 $0xFFFFFB1E  }
0x1a: {  	s15 =	simm.s32 $0x0;
	[bflag:$0x0] =	sbarrier.arrive $0xFFFF  }
0x1b: {  	[spmem:s2] =	stream.indirect.scatter.add.f32 [tilespmem:s10], [sflag:$0x1], $0x10, s15, s13, $0xb8;
	[tilespmem:$0x56E0] =	vst v63  }
0x1c: {  	_ =	swait.ge [sflag:s9], $0x7D0  }
0x1d: {  	s15 =	simm.s32 $0x200;
	[sflag:s9] =	ssyncset.done $0x0  }
.LBB2_2:
0x1e: {  	s16 =	sshra.s32 s15, $0x2;
	[sflag:s9] =	ssyncadd.s32 $0xFFFFF830;
	p0 =	sne.s32 s15, $0x9E00  }
0x1f: {  	[spmem:s2] =	stream.indirect.scatter.add.f32 [tilespmem:s10], [sflag:$0x1], $0x10, s16, s13, $0xb8;
	[tilespmem:$0x56E0] =	vst v63  }
.Ltmp0:
0x20: {  	_ = 	snop;
	(pc) =	sbr.rel @p0 .LBB2_2-.Ltmp0, $4  }
0x21: {  	_ = 	snop  }
0x22: {  	s15 =	sadd.s32 $0x200, s15  }
0x23: {  	_ =	swait.ge [sflag:s9], $0x7D0  }
0x24: {  	[sflag:s9] =	ssyncset.done $0x0  }
0x25: {  	s14 =	sadd.s32 $0x1, s14  }
0x26: {  	[sflag:s9] =	ssyncadd.s32 $0xFFFFF830;
	p0 =	sne.s32 s14, s8  }
.Ltmp1:
0x27: {  	[bflag:$0x0] =	sbarrier.arrive $0xFFFF;
	(pc) =	sbr.rel @p0 .LBB2_1-.Ltmp1, $4  }
0x28: {  	[hbm:s7], [sflag:s11] =	dma.local [spmem:s12], $0x4E2  }
0x29: {  	_ =	swait.ge [sflag:s9], $0x4E2  }
0x2a: {  	[sflag:s9] =	ssyncset.done $0x0  }
0x2b: {  	[sflag:s9] =	ssyncadd.s32 $0xFFFFFB1E  }
0x2c: {  	_ =	sfence.sel $0x180000  }
0x2d: {  	[bflag:$0x0] =	sbarrier.arrive $0xFFFF  }
0x2e: {  	p0 =	sne.s32 s1, $0x0;
	_ =	strace $0x90000047  }
0x2f: {  	s0 =	sadd.s32 @!p0 $0x100000, s0;
	[bflag:$0x2] =	sbarrier.arrive $0xFFFF  }
0x30: {  	[sflag:s0] =	ssyncadd.tile.s32 @!p0 $0x1;
	_ =	shalt  }
.Lfunc_end2:
_tile_overlayer_lowered:
.L_overlay_start_2:
0x31: {  	(tag) =	ssettag $0x2  }
0x32: {  	s0 =	rddreg [dreg:$0x0];
	s2 =	stileid.u32  }
0x33: {  	s1 =	rddreg [dreg:$0x1];
	p0 =	sne.s32 s2, $0x0  }
0x34: {  	s3 =	rddreg [dreg:$0x2];
	[bflag:$0x3] =	sbarrier.arrive $0xFFFF;
	s2 =	simm.s32 @!p0 $0x1C01  }
0x35: {  	[timem:s3], [sflag:s2] =	dma.local @!p0 [hbm:s0], s1  }
0x36: {  	s0 =	simm.s32 @!p0 $0x1  }
0x37: {  	_ =	swait.ge @!p0 [sflag:s0], s1  }
0x38: {  	s1 =	ssub.s32 @!p0 $0x0, s1;
	[sflag:s0] =	ssyncset.done @!p0 $0x0  }
0x39: {  	[sflag:s0] =	ssyncadd.s32 @!p0 s1  }
0x3a: {  	[bflag:$0x3] =	sbarrier.arrive $0xFFFF  }
0x3b: {  	_ =	shalt  }

// kernel: kernel.13.cloned.1.call-start
scs
__scs_entry_jumppad:
0x0: {  	(pc) =	sbr.rel $0x88, $3  }
0x1: {  	(tag) =	ssettag $0x0;
	lr =	simm.s32 $0x1  }
0x2: {  	[smem:$0x3F95] =	sst lr;
	_ =	strace $0xD0000000  }
0x3: {  	_ = 	snop  }
0x4: {  	_ = 	snop  }
0x5: {  	_ = 	snop  }
0x6: {  	_ = 	snop  }
0x7: {  	_ = 	snop  }
__scs_overlays_trampoline_lowered:
0x8: {  	[smem:$0x3FA4] =	sst s0  }
0x9: {  	[smem:$0x3FA5] =	sst s1  }
0xa: {  	[smem:$0x3FA6] =	sst s2  }
0xb: {  	[smem:$0x3FA7] =	sst s3  }
0xc: {  	[smem:$0x3FA8] =	sst s4  }
0xd: {  	[smem:$0x3FA9] =	sst s5  }
0xe: {  	[smem:$0x3FAA] =	sst s6  }
0xf: {  	[smem:$0x3FAB] =	sst s7  }
0x10: {  	[smem:$0x3FAC] =	sst s8  }
0x11: {  	[smem:$0x3FAD] =	sst s9;
	s0 =	simm.s32 @!p0 $0x0  }
0x12: {  	s1 =	sld [smem:$0x3F93];
	s0 =	simm.s32 @p0 $0x1  }
0x13: {  	[smem:$0x3FAE] =	sst s0;
	s0 =	simm.s32 @!p1 $0x0  }
0x14: {  	s2 =	sld [smem:$0x3F92];
	s0 =	simm.s32 @p1 $0x1  }
0x15: {  	[smem:$0x3FAF] =	sst s0;
	s0 =	simm.s32 @!p2 $0x0  }
0x16: {  	s3 =	sld [smem:$0x3FDB];
	s0 =	simm.s32 @p2 $0x1  }
0x17: {  	s4 =	simm.s32 $0x1BF5;
	[smem:$0x3FB1] =	sst s0  }
0x18: {  	s0 =	sld [smem:$0x3F94];
	_ =	swait.ge [sflag:s4], $0x0  }
0x19: {  	s7 =	sld [smem:$0x3F95]  }
0x1a: {  	s8 =	sadd.s32 $0xFFFFE003, lr  }
0x1b: {  	s9 =	sadd.s32 $0xFFFFFEF7, lr;
	s5 =	simm.s32 $0xFFFFFFFF;
	p2 =	slt.u32 s8, $0xFFFFF086  }
0x1c: {  	p1 =	slt.u32 s9, $0xF7A;
	s5 =	simm.s32 @!p2 $0x0  }
0x1d: {  	s5 =	simm.s32 @p1 $0x1;
	p0 =	seq.s32 s7, s2  }
0x1e: {  	s7 =	smul.u32 @!p0 $0xF7A, s2;
	p2 =	seq.s32 @!p0 s5, $0x0  }
0x1f: {  	s9 =	smul.u32 $0xF7A, s1;
	s8 =	simm.s32 @!p0 $0x1BF5;
	p2 =	por !p2, p0  }
0x20: {  	[sflag:s8] =	ssyncset.s32 @!p0 $0xFFFFF086;
	s6 =	sadd.s32 @!p0 s3, s7;
	s7 =	simm.s32 @!p0 $0x108  }
0x21: {  	s3 =	sadd.s32 s3, s9;
	s6 =	sadd.s32 @!p0 $0x88, s6;
	s7 =	simm.s32 @p2 $0x1082  }
0x22: {  	[simem:s7], [sflag:s8] =	dma.local @!p0 [hbm:s6], $0xF7A  }
0x23: {  	s9 =	sor.u32 $0xD0000000, s2;
	s6 =	simm.s32 $0x108;
	_ =	swait.ge @!p0 [sflag:s8], $0x0  }
0x24: {  	s3 =	sadd.s32 $0x88, s3;
	s6 =	simm.s32 @!p1 $0x1082;
	[sflag:s4] =	ssyncset.s32 $0xFFFFF086  }
0x25: {  	[simem:s6], [sflag:s4] =	dma.local [hbm:s3], $0xF7A  }
0x26: {  	[smem:$0x3F95] =	sst s1;
	(tag) =	ssettag s2;
	_ =	strace s9  }
0x27: {  	s1 =	sld [smem:$0x3FA5]  }
0x28: {  	s2 =	sld [smem:$0x3FA6]  }
0x29: {  	s4 =	sld [smem:$0x3FA8]  }
0x2a: {  	p0 =	seq.s32 s5, $0x0;
	s5 =	sld [smem:$0x3FA9]  }
0x2b: {  	s6 =	sld [smem:$0x3FAA]  }
0x2c: {  	s7 =	sld [smem:$0x3FAB]  }
0x2d: {  	s3 =	simm.s32 $0x108;
	s8 =	sld [smem:$0x3FAC]  }
0x2e: {  	s3 =	simm.s32 @!p0 $0x1082;
	s9 =	sld [smem:$0x3FAD]  }
0x2f: {  	lr =	sadd.s32 s0, s3;
	s0 =	sld [smem:$0x3FA4]  }
0x30: {  	s3 =	sld [smem:$0x3FA7]  }
0x31: {  	[smem:$0x3FB0] =	sst s10  }
0x32: {  	s10 =	sld [smem:$0x3FAE];
	_ =	sdelay $0x3  }
0x33: {  	p0 =	seq.s32 s10, $0x1;
	s10 =	sld [smem:$0x3FB0];
	_ =	sdelay $0x3  }
0x34: {  	[smem:$0x3FB0] =	sst s10  }
0x35: {  	s10 =	sld [smem:$0x3FAF];
	_ =	sdelay $0x3  }
0x36: {  	p1 =	seq.s32 s10, $0x1;
	s10 =	sld [smem:$0x3FB0];
	_ =	sdelay $0x3  }
0x37: {  	[smem:$0x3FB0] =	sst s10  }
0x38: {  	s10 =	sld [smem:$0x3FB1]  }
0x39: {  	_ = 	snop;
	(pc) =	sbr.ind lr, $3  }
0x3a: {  	_ = 	snop  }
0x3b: {  	_ = 	snop  }
0x3c: {  	p2 =	seq.s32 s10, $0x1;
	s10 =	sld [smem:$0x3FB0]  }
0x3d: {  	_ =	shalt  }
0x3e: {  	_ =	shalt  }
0x3f: {  	_ =	shalt  }
0x40: {  	_ =	shalt  }
0x41: {  	_ =	shalt  }
0x42: {  	_ =	shalt  }
0x43: {  	_ =	shalt  }
0x44: {  	_ =	shalt  }
0x45: {  	_ =	shalt  }
0x46: {  	_ =	shalt  }
0x47: {  	_ =	shalt  }
0x48: {  	_ =	shalt  }
0x49: {  	_ =	shalt  }
0x4a: {  	_ =	shalt  }
0x4b: {  	_ =	shalt  }
0x4c: {  	_ =	shalt  }
0x4d: {  	_ =	shalt  }
0x4e: {  	_ =	shalt  }
0x4f: {  	_ =	shalt  }
0x50: {  	_ =	shalt  }
0x51: {  	_ =	shalt  }
0x52: {  	_ =	shalt  }
0x53: {  	_ =	shalt  }
0x54: {  	_ =	shalt  }
0x55: {  	_ =	shalt  }
0x56: {  	_ =	shalt  }
0x57: {  	_ =	shalt  }
0x58: {  	_ =	shalt  }
0x59: {  	_ =	shalt  }
0x5a: {  	_ =	shalt  }
0x5b: {  	_ =	shalt  }
0x5c: {  	_ =	shalt  }
0x5d: {  	_ =	shalt  }
0x5e: {  	_ =	shalt  }
0x5f: {  	_ =	shalt  }
0x60: {  	_ =	shalt  }
0x61: {  	_ =	shalt  }
0x62: {  	_ =	shalt  }
0x63: {  	_ =	shalt  }
0x64: {  	_ =	shalt  }
0x65: {  	_ =	shalt  }
0x66: {  	_ =	shalt  }
0x67: {  	_ =	shalt  }
0x68: {  	_ =	shalt  }
0x69: {  	_ =	shalt  }
0x6a: {  	_ =	shalt  }
0x6b: {  	_ =	shalt  }
0x6c: {  	_ =	shalt  }
0x6d: {  	_ =	shalt  }
0x6e: {  	_ =	shalt  }
0x6f: {  	_ =	shalt  }
0x70: {  	_ =	shalt  }
0x71: {  	_ =	shalt  }
0x72: {  	_ =	shalt  }
0x73: {  	_ =	shalt  }
0x74: {  	_ =	shalt  }
0x75: {  	_ =	shalt  }
0x76: {  	_ =	shalt  }
0x77: {  	_ =	shalt  }
0x78: {  	_ =	shalt  }
0x79: {  	_ =	shalt  }
0x7a: {  	_ =	shalt  }
0x7b: {  	_ =	shalt  }
0x7c: {  	_ =	shalt  }
0x7d: {  	_ =	shalt  }
0x7e: {  	_ =	shalt  }
0x7f: {  	_ =	shalt  }
0x80: {  	_ =	shalt  }
0x81: {  	_ =	shalt  }
0x82: {  	_ =	shalt  }
0x83: {  	_ =	shalt  }
0x84: {  	_ =	shalt  }
0x85: {  	_ =	shalt  }
0x86: {  	_ =	shalt  }
0x87: {  	_ =	shalt  }
.Lfunc_end0:
.L_simem_size_0:
called_computation.1_lowered:
.L_overlay_start_0:
0x88: {  	s2 =	sld [smem:$0x3FD9]  }
0x89: {  	s3 =	sld [smem:$0x3FFE];
	_ =	sdelay $0x1  }
0x8a: {  	s1 =	srdreg.scid  }
0x8b: {  	s0 =	sand.u32 $0x1, s1  }
0x8c: {  	s17 =	sshll.u32 s0, $0xA;
	s2 =	sadd.s32 s3, s2  }
0x8d: {  	s2 =	sadd.s32 s2, s17  }
0x8e: {  	[smem:$0x3FBC] =	sst s2  }
0x8f: {  	_ = 	snop  }
0x90: {  	s2 =	sld [smem:$0x3FD0];
	(tm) =	ssettm $0x1  }
0x91: {  	s18 =	sld [smem:$0x3FFB];
	_ =	sdelay $0x3  }
0x92: {  	_ =	strace s18  }
0x93: {  	s3 =	sld [smem:$0x3FFC];
	_ =	sdelay $0x3  }
0x94: {  	_ =	strace s3  }
0x95: {  	s3 =	sld [smem:$0x3FFD];
	_ =	sdelay $0x3  }
0x96: {  	_ =	strace s3  }
0x97: {  	_ =	strace $0x8FFFFFFF  }
0x98: {  	s19 =	sld [smem:$0x3FDB];
	_ =	sdelay $0x1  }
0x99: {  	s4 =	simm.s32 $_scs_section_size  }
0x9a: {  	s5 =	simm.s32 $_size__tile_overlayer_lowered;
	s6 =	simm.s32 $_tile_overlayer_lowered  }
0x9b: {  	s22 =	simm.s32 $0x1BFF;
	s21 =	sshll.u32 s6, $0x1;
	s3 =	sadd.s32 s4, s19  }
0x9c: {  	s7 =	simm.s32 $0x0;
	s20 =	sshll.u32 s5, $0x1;
	s5 =	sadd.s32 s21, s3  }
0x9d: {  	[timem:s7], [sflag:s22] =	dma.local [hbm:s5], s20  }
0x9e: {  	_ =	swait.ge [sflag:s22], s20  }
0x9f: {  	s4 =	ssub.s32 $0x0, s20;
	[sflag:s22] =	ssyncset.done $0x0  }
0xa0: {  	[sflag:s22] =	ssyncadd.s32 s4;
	_ =	sdelay $0x1  }
0xa1: {  	s23 =	simm.s32 $0x1B8B  }
0xa2: {  	_ =	swait.ge [sflag:s23], $0x1  }
0xa3: {  	[sflag:s23] =	ssyncset.done $0x0  }
0xa4: {  	s25 =	simm.s32 $0x1B8E;
	s24 =	sld [smem:$0x3FFE];
	[sflag:s23] =	ssyncadd.s32 $0xFFFFFFFF  }
0xa5: {  	s26 =	simm.s32 $execute0_lowered;
	[smem:$0x3FD2] =	sst s25  }
0xa6: {  	s5 =	sshll.u32 s26, $0x1;
	_ =	strace $0x80000049;
	[dreg:$0x1] =	wrdreg $0xFFFFFFFF  }
0xa7: {  	s28 =	simm.s32 $_size_execute0_lowered;
	s3 =	sadd.s32 s3, s5;
	[dreg:$0x0] =	wrdreg $0x0  }
0xa8: {  	s5 =	sshll.u32 s28, $0x1;
	[dreg:$0x2] =	wrdreg s3  }
0xa9: {  	[dreg:$0x3] =	wrdreg s5  }
0xaa: {  	[dreg:$0x4] =	wrdreg $0xC0  }
0xab: {  	_ =	task [dreg:s7], $0x5FFFF  }
0xac: {  	[dreg:$0x1] =	wrdreg $0xFFFFFFFF  }
0xad: {  	[dreg:$0x0] =	wrdreg $0x60  }
0xae: {  	[dreg:$0x2] =	wrdreg s24  }
0xaf: {  	[dreg:$0x3] =	wrdreg s2  }
0xb0: {  	[dreg:$0x4] =	wrdreg $0x66800  }
0xb1: {  	[dreg:$0x5] =	wrdreg $0x9  }
0xb2: {  	_ =	task.clear_ibuf [dreg:s7], $0x6FFFF;
	_ =	strace $0x90000049  }
0xb3: {  	s29 =	simm.s32 $0x9;
	_ =	strace $0x8000004B  }
0xb4: {  	_ =	swait.ge [sflag:s29], $0x1  }
0xb5: {  	[sflag:s29] =	ssyncadd.s32 $0xFFFFFFFF  }
0xb6: {  	_ =	strace $0x9000004B  }
0xb7: {  	_ =	sfence  }
0xb8: {  	s30 =	sld [smem:$0x0];
	_ =	sdelay $0x2  }
0xb9: {  	s31 =	sshll.u32 s1, $0xD;
	s1 =	sshrl.u32 s1, $0x2  }
0xba: {  	s3 =	sand.u32 $0x4000, s31;
	s1 =	sadd.s32 s1, s30  }
0xbb: {  	s0 =	sor.u32 s3, s0;
	s1 =	sshll.u32 s1, $0x11  }
0xbc: {  	s0 =	sor.u32 s1, s0  }
0xbd: {  	s0 =	sadd.s32 $0x8F2B, s0  }
0xbe: {  	[sflag:s0] =	ssyncadd.remote.s32 $0x1  }
0xbf: {  	_ =	sfence.sel $0xFFFF  }
0xc0: {  	[dreg:$0x0] =	wrdreg $0xFFFFFFFF;
	(pc) =	sbr.abs _section_cstart, $3  }
0xc1: {  	[dreg:$0x1] =	wrdreg $0xFFFFFFFF  }
0xc2: {  	_ =	task.clear_ibuf [dreg:s7], $0x2FFFF;
	_ =	strace $0x9FFFFFFF  }
0xc3: {  	(tm) =	ssettm $0x7FFFFFFF  }
tec
execute0_lowered:
.L_overlay_start_1:
0x0: {  	(tag) =	ssettag $0x1  }
0x1: {  	s7 =	rddreg [dreg:$0x0]  }
0x2: {  	s2 =	rddreg [dreg:$0x1]  }
0x3: {  	s0 =	srdreg.scid;
	s3 =	rddreg [dreg:$0x2]  }
0x4: {  	s4 =	simm.s32 $0x0;
	s14 =	simm.s32 $0x7D;
	s15 =	simm.s32 $0x2800  }
0x5: {  	s16 =	simm.s32 $0x80;
	s17 =	simm.s32 $0x4740;
	s20 =	simm.s32 $0x1  }
0x6: {  	s21 =	simm.s32 $0x2;
	s22 =	simm.s32 $0x2700;
	s23 =	simm.s32 $0x2780  }
0x7: {  	s24 =	simm.s32 $0x0;
	s6 =	sand.u32 $0x1, s0;
	s0 =	stileid.u32  }
0x8: {  	[smem:$0x7FF] =	sst s4;
	s5 =	sadd.s32 $0x96C00, s7;
	s9 =	smul.u32 $0x13880, s0  }
0x9: {  	s1 =	sshll.u32 s6, $0x4;
	s10 =	smul.u32 $0x138800, s6;
	s6 =	ssub.s32 $0x2, s6  }
0xa: {  	s18 =	sshll.u32 s0, $0x6;
	s1 =	sor.u32 s0, s1;
	s30 =	sshrl.u32 s6, $0x1  }
0xb: {  	s18 =	sor.u32 $0x1C03, s18;
	s8 =	smul.u32 $0x2800, s1;
	s1 =	rddreg [dreg:$0x3]  }
0xc: {  	_ =	strace $0x8000004A;
	s10 =	sadd.s32 s9, s10;
	s31 =	sshrl.u32 s9, $0x1  }
0xd: {  	s13 =	ssub.s32 s6, s30;
	s29 =	sshrl.u32 s10, $0x4;
	s19 =	sadd.s32 s31, s3  }
0xe: {  	s8 =	sshrl.u32 s8, $0x3;
	s12 =	sadd.s32 s29, s7;
	s19 =	sshrl.u32 s19, $0x3  }
0xf: {  	s11 =	sadd.s32 s8, s7;
	s10 =	sadd.s32 $0xAA600, s12;
	s12 =	simm.s32 $0x3  }
0x10: {  	s6 =	sadd.s32 $0x3200, s11;
	s7 =	sadd.s32 $0xD200, s11;
	s8 =	sadd.s32 $0x3480, s11  }
0x11: {  	s9 =	sadd.s32 $0xD480, s11;
	s11 =	smax.u32 s13, $0x1;
	s13 =	simm.s32 $0x1400  }
.LBB2_1:
0x12: {  	[tilespmem:s4], [sflag:$0x3] =	stream.linear.gather [hbm4b:s6+s4], $0x1400, $0x38;
	[tilespmem:$0x102C0] =	vst v63  }
0x13: {  	_ =	swait.ge [sflag:s12], $0x1400  }
0x14: {  	[sflag:s12] =	ssyncset.done $0x0  }
0x15: {  	[sflag:s12] =	ssyncadd.s32 $0xFFFFEC00  }
0x16: {  	[tilespmem:s13], [sflag:$0x3] =	stream.linear.gather [hbm4b:s7+s4], $0x1400, $0x38;
	[tilespmem:$0x102C0] =	vst v63  }
0x17: {  	_ =	swait.ge [sflag:s12], $0x1400  }
0x18: {  	[sflag:s12] =	ssyncset.done $0x0  }
0x19: {  	[sflag:s12] =	ssyncadd.s32 $0xFFFFEC00  }
0x1a: {  	[tilespmem:s15], [sflag:$0x1] =	stream.indirect.gather [hbm4b:s5+s14], $0x40, s4, s14, $0xb8;
	[tilespmem:$0x102C0] =	vst v63  }
0x1b: {  	_ = 	snop  }
0x1c: {  	[tilespmem:s17], [sflag:$0x2] =	stream.indirect.gather [hbm4b:s5+s14], $0x40, s16, s14, $0xb8;
	[tilespmem:$0x102C0] =	vst v63  }
0x1d: {  	[spmem:s19], [sflag:s18] =	dma.local [hbm:s2], $0x1388  }
0x1e: {  	_ =	swait.ge [sflag:s12], $0x1388  }
0x1f: {  	[sflag:s12] =	ssyncset.done $0x0  }
0x20: {  	[sflag:s12] =	ssyncadd.s32 $0xFFFFEC78  }
0x21: {  	[bflag:$0x0] =	sbarrier.arrive $0xFFFF  }
0x22: {  	_ =	swait.ge [sflag:s20], $0x1F40  }
0x23: {  	[sflag:s20] =	ssyncset.done $0x0  }
0x24: {  	s25 =	simm.s32 $0x1400;
	[sflag:s20] =	ssyncadd.s32 $0xFFFFE0C0  }
0x25: {  	[spmem:s3] =	stream.indirect.scatter.add.bf16 [tilespmem:s15], [sflag:$0x3], $0x40, s25, s14, $0xb8;
	[tilespmem:$0x102C0] =	vst v63  }
0x26: {  	_ =	swait.ge [sflag:s12], $0x1F40  }
0x27: {  	[sflag:s12] =	ssyncset.done $0x0  }
0x28: {  	s30 =	simm.s32 $0x100;
	[sflag:s12] =	ssyncadd.s32 $0xFFFFE0C0  }
0x29: {  	[tilespmem:s15], [sflag:$0x1] =	stream.indirect.gather [hbm4b:s5+s14], $0x40, s30, s14, $0xb8;
	[tilespmem:$0x102C0] =	vst v63  }
0x2a: {  	_ =	swait.ge [sflag:s21], $0x1F40  }
0x2b: {  	[sflag:s21] =	ssyncset.done $0x0  }
0x2c: {  	s31 =	simm.s32 $0x1480;
	[sflag:s21] =	ssyncadd.s32 $0xFFFFE0C0  }
0x2d: {  	[spmem:s3] =	stream.indirect.scatter.add.bf16 [tilespmem:s17], [sflag:$0x3], $0x40, s31, s14, $0xb8;
	[tilespmem:$0x102C0] =	vst v63  }
0x2e: {  	_ =	swait.ge [sflag:s12], $0x1F40  }
0x2f: {  	[sflag:s12] =	ssyncset.done $0x0  }
0x30: {  	s26 =	simm.s32 $0x180;
	s25 =	simm.s32 $0x400;
	[sflag:s12] =	ssyncadd.s32 $0xFFFFE0C0  }
.LBB2_2:
0x31: {  	[tilespmem:s17], [sflag:$0x2] =	stream.indirect.gather [hbm4b:s5+s14], $0x40, s26, s14, $0xb8;
	[tilespmem:$0x102C0] =	vst v63  }
0x32: {  	s26 =	smov.u32 s25  }
0x33: {  	p0 =	sne.s32 s25, $0x4800;
	s25 =	sadd.s32 $0x400, s25;
	_ =	swait.ge [sflag:s20], $0x1F40  }
0x34: {  	s26 =	sshra.s32 s26, $0x2;
	[sflag:s20] =	ssyncset.done $0x0  }
0x35: {  	s28 =	sadd.s32 $0x1400, s26;
	[sflag:s20] =	ssyncadd.s32 $0xFFFFE0C0  }
0x36: {  	[spmem:s3] =	stream.indirect.scatter.add.bf16 [tilespmem:s15], [sflag:$0x3], $0x40, s28, s14, $0xb8;
	[tilespmem:$0x102C0] =	vst v63  }
0x37: {  	_ =	swait.ge [sflag:s12], $0x1F40  }
0x38: {  	[sflag:s12] =	ssyncset.done $0x0  }
0x39: {  	s28 =	sadd.s32 $0x100, s26;
	[sflag:s12] =	ssyncadd.s32 $0xFFFFE0C0  }
0x3a: {  	[tilespmem:s15], [sflag:$0x1] =	stream.indirect.gather [hbm4b:s5+s14], $0x40, s28, s14, $0xb8;
	[tilespmem:$0x102C0] =	vst v63  }
0x3b: {  	_ =	swait.ge [sflag:s21], $0x1F40  }
0x3c: {  	[sflag:s21] =	ssyncset.done $0x0  }
.Ltmp0:
0x3d: {  	s28 =	sadd.s32 $0x1480, s26;
	[sflag:s21] =	ssyncadd.s32 $0xFFFFE0C0;
	(pc) =	sbr.rel @p0 .LBB2_2-.Ltmp0, $4  }
0x3e: {  	[spmem:s3] =	stream.indirect.scatter.add.bf16 [tilespmem:s17], [sflag:$0x3], $0x40, s28, s14, $0xb8;
	[tilespmem:$0x102C0] =	vst v63  }
0x3f: {  	_ =	swait.ge [sflag:s12], $0x1F40  }
0x40: {  	[sflag:s12] =	ssyncset.done $0x0  }
0x41: {  	s26 =	sadd.s32 $0x180, s26;
	[sflag:s12] =	ssyncadd.s32 $0xFFFFE0C0  }
0x42: {  	[tilespmem:s17], [sflag:$0x2] =	stream.indirect.gather [hbm4b:s5+s14], $0x40, s26, s14, $0xb8;
	[tilespmem:$0x102C0] =	vst v63  }
0x43: {  	_ =	swait.ge [sflag:s20], $0x1F40  }
0x44: {  	[sflag:s20] =	ssyncset.done $0x0  }
0x45: {  	[sflag:s20] =	ssyncadd.s32 $0xFFFFE0C0  }
0x46: {  	[spmem:s3] =	stream.indirect.scatter.add.bf16 [tilespmem:s15], [sflag:$0x3], $0x40, s22, s14, $0xb8;
	[tilespmem:$0x102C0] =	vst v63  }
0x47: {  	_ =	swait.ge [sflag:s12], $0x1F40  }
0x48: {  	[sflag:s12] =	ssyncset.done $0x0  }
0x49: {  	[sflag:s12] =	ssyncadd.s32 $0xFFFFE0C0  }
0x4a: {  	_ =	swait.ge [sflag:s21], $0x1F40  }
0x4b: {  	[sflag:s21] =	ssyncset.done $0x0  }
0x4c: {  	[sflag:s21] =	ssyncadd.s32 $0xFFFFE0C0  }
0x4d: {  	[spmem:s3] =	stream.indirect.scatter.add.bf16 [tilespmem:s17], [sflag:$0x3], $0x40, s23, s14, $0xb8;
	[tilespmem:$0x102C0] =	vst v63  }
0x4e: {  	_ =	swait.ge [sflag:s12], $0x1F40  }
0x4f: {  	[sflag:s12] =	ssyncset.done $0x0  }
0x50: {  	s25 =	simm.s32 $0x0;
	[sflag:s12] =	ssyncadd.s32 $0xFFFFE0C0  }
0x51: {  	[tilespmem:s25], [sflag:$0x3] =	stream.linear.gather [hbm4b:s8+s25], $0x1400, $0x38;
	[tilespmem:$0x102C0] =	vst v63  }
0x52: {  	_ =	swait.ge [sflag:s12], $0x1400  }
0x53: {  	[sflag:s12] =	ssyncset.done $0x0  }
0x54: {  	[sflag:s12] =	ssyncadd.s32 $0xFFFFEC00  }
0x55: {  	[tilespmem:s13], [sflag:$0x3] =	stream.linear.gather [hbm4b:s9+s25], $0x1400, $0x38;
	[tilespmem:$0x102C0] =	vst v63  }
0x56: {  	_ =	swait.ge [sflag:s12], $0x1400  }
0x57: {  	[sflag:s12] =	ssyncset.done $0x0  }
0x58: {  	[sflag:s12] =	ssyncadd.s32 $0xFFFFEC00  }
0x59: {  	[tilespmem:s15], [sflag:$0x1] =	stream.indirect.gather [hbm4b:s5+s14], $0x40, s25, s14, $0xb8;
	[tilespmem:$0x102C0] =	vst v63  }
0x5a: {  	_ = 	snop  }
0x5b: {  	[tilespmem:s17], [sflag:$0x2] =	stream.indirect.gather [hbm4b:s5+s14], $0x40, s16, s14, $0xb8;
	[tilespmem:$0x102C0] =	vst v63  }
0x5c: {  	_ =	swait.ge [sflag:s20], $0x1F40  }
0x5d: {  	[sflag:s20] =	ssyncset.done $0x0  }
0x5e: {  	s29 =	simm.s32 $0x1400;
	[sflag:s20] =	ssyncadd.s32 $0xFFFFE0C0  }
0x5f: {  	[spmem:s3] =	stream.indirect.scatter.add.bf16 [tilespmem:s15], [sflag:$0x3], $0x40, s29, s14, $0xb8;
	[tilespmem:$0x102C0] =	vst v63  }
0x60: {  	_ =	swait.ge [sflag:s12], $0x1F40  }
0x61: {  	[sflag:s12] =	ssyncset.done $0x0  }
0x62: {  	s30 =	simm.s32 $0x100;
	[sflag:s12] =	ssyncadd.s32 $0xFFFFE0C0  }
0x63: {  	[tilespmem:s15], [sflag:$0x1] =	stream.indirect.gather [hbm4b:s5+s14], $0x40, s30, s14, $0xb8;
	[tilespmem:$0x102C0] =	vst v63  }
0x64: {  	_ =	swait.ge [sflag:s21], $0x1F40  }
0x65: {  	[sflag:s21] =	ssyncset.done $0x0  }
0x66: {  	s31 =	simm.s32 $0x1480;
	[sflag:s21] =	ssyncadd.s32 $0xFFFFE0C0  }
0x67: {  	[spmem:s3] =	stream.indirect.scatter.add.bf16 [tilespmem:s17], [sflag:$0x3], $0x40, s31, s14, $0xb8;
	[tilespmem:$0x102C0] =	vst v63  }
0x68: {  	_ =	swait.ge [sflag:s12], $0x1F40  }
0x69: {  	[sflag:s12] =	ssyncset.done $0x0  }
0x6a: {  	s26 =	simm.s32 $0x180;
	s25 =	simm.s32 $0x400;
	[sflag:s12] =	ssyncadd.s32 $0xFFFFE0C0  }
.LBB2_4:
0x6b: {  	[tilespmem:s17], [sflag:$0x2] =	stream.indirect.gather [hbm4b:s5+s14], $0x40, s26, s14, $0xb8;
	[tilespmem:$0x102C0] =	vst v63  }
0x6c: {  	s26 =	smov.u32 s25  }
0x6d: {  	p0 =	sne.s32 s25, $0x4800;
	s25 =	sadd.s32 $0x400, s25;
	_ =	swait.ge [sflag:s20], $0x1F40  }
0x6e: {  	s26 =	sshra.s32 s26, $0x2;
	[sflag:s20] =	ssyncset.done $0x0  }
0x6f: {  	s28 =	sadd.s32 $0x1400, s26;
	[sflag:s20] =	ssyncadd.s32 $0xFFFFE0C0  }
0x70: {  	[spmem:s3] =	stream.indirect.scatter.add.bf16 [tilespmem:s15], [sflag:$0x3], $0x40, s28, s14, $0xb8;
	[tilespmem:$0x102C0] =	vst v63  }
0x71: {  	_ =	swait.ge [sflag:s12], $0x1F40  }
0x72: {  	[sflag:s12] =	ssyncset.done $0x0  }
0x73: {  	s28 =	sadd.s32 $0x100, s26;
	[sflag:s12] =	ssyncadd.s32 $0xFFFFE0C0  }
0x74: {  	[tilespmem:s15], [sflag:$0x1] =	stream.indirect.gather [hbm4b:s5+s14], $0x40, s28, s14, $0xb8;
	[tilespmem:$0x102C0] =	vst v63  }
0x75: {  	_ =	swait.ge [sflag:s21], $0x1F40  }
0x76: {  	[sflag:s21] =	ssyncset.done $0x0  }
.Ltmp1:
0x77: {  	s28 =	sadd.s32 $0x1480, s26;
	[sflag:s21] =	ssyncadd.s32 $0xFFFFE0C0;
	(pc) =	sbr.rel @p0 .LBB2_4-.Ltmp1, $4  }
0x78: {  	[spmem:s3] =	stream.indirect.scatter.add.bf16 [tilespmem:s17], [sflag:$0x3], $0x40, s28, s14, $0xb8;
	[tilespmem:$0x102C0] =	vst v63  }
0x79: {  	_ =	swait.ge [sflag:s12], $0x1F40  }
0x7a: {  	[sflag:s12] =	ssyncset.done $0x0  }
0x7b: {  	s26 =	sadd.s32 $0x180, s26;
	[sflag:s12] =	ssyncadd.s32 $0xFFFFE0C0  }
0x7c: {  	[tilespmem:s17], [sflag:$0x2] =	stream.indirect.gather [hbm4b:s5+s14], $0x40, s26, s14, $0xb8;
	[tilespmem:$0x102C0] =	vst v63  }
0x7d: {  	_ =	swait.ge [sflag:s20], $0x1F40  }
0x7e: {  	[sflag:s20] =	ssyncset.done $0x0  }
0x7f: {  	[sflag:s20] =	ssyncadd.s32 $0xFFFFE0C0  }
0x80: {  	[spmem:s3] =	stream.indirect.scatter.add.bf16 [tilespmem:s15], [sflag:$0x3], $0x40, s22, s14, $0xb8;
	[tilespmem:$0x102C0] =	vst v63  }
0x81: {  	_ =	swait.ge [sflag:s12], $0x1F40  }
0x82: {  	[sflag:s12] =	ssyncset.done $0x0  }
0x83: {  	[sflag:s12] =	ssyncadd.s32 $0xFFFFE0C0  }
0x84: {  	_ =	swait.ge [sflag:s21], $0x1F40  }
0x85: {  	[sflag:s21] =	ssyncset.done $0x0  }
0x86: {  	[sflag:s21] =	ssyncadd.s32 $0xFFFFE0C0  }
0x87: {  	[spmem:s3] =	stream.indirect.scatter.add.bf16 [tilespmem:s17], [sflag:$0x3], $0x40, s23, s14, $0xb8;
	[tilespmem:$0x102C0] =	vst v63  }
0x88: {  	_ =	swait.ge [sflag:s12], $0x1F40  }
0x89: {  	s24 =	sadd.s32 $0x1, s24;
	[sflag:s12] =	ssyncset.done $0x0  }
0x8a: {  	p0 =	sne.s32 s24, s11;
	[sflag:s12] =	ssyncadd.s32 $0xFFFFE0C0  }
.Ltmp2:
0x8b: {  	[bflag:$0x0] =	sbarrier.arrive $0xFFFF;
	(pc) =	sbr.rel @p0 .LBB2_1-.Ltmp2, $4  }
0x8c: {  	[hbm:s10], [sflag:s18] =	dma.local [spmem:s19], $0x1388  }
0x8d: {  	_ =	swait.ge [sflag:s12], $0x1388  }
0x8e: {  	[sflag:s12] =	ssyncset.done $0x0  }
0x8f: {  	[sflag:s12] =	ssyncadd.s32 $0xFFFFEC78  }
0x90: {  	_ =	sfence.sel $0x180000  }
0x91: {  	[bflag:$0x0] =	sbarrier.arrive $0xFFFF  }
0x92: {  	p0 =	sne.s32 s0, $0x0;
	_ =	strace $0x9000004A  }
0x93: {  	s0 =	sadd.s32 @!p0 $0x100000, s1;
	[bflag:$0x2] =	sbarrier.arrive $0xFFFF  }
0x94: {  	[sflag:s0] =	ssyncadd.tile.s32 @!p0 $0x1;
	_ =	shalt  }
.Lfunc_end2:
_tile_overlayer_lowered:
.L_overlay_start_2:
0x95: {  	(tag) =	ssettag $0x2  }
0x96: {  	s0 =	rddreg [dreg:$0x0];
	s2 =	stileid.u32  }
0x97: {  	s1 =	rddreg [dreg:$0x1];
	p0 =	sne.s32 s2, $0x0  }
0x98: {  	s3 =	rddreg [dreg:$0x2];
	[bflag:$0x3] =	sbarrier.arrive $0xFFFF;
	s2 =	simm.s32 @!p0 $0x1C03  }
0x99: {  	[timem:s3], [sflag:s2] =	dma.local @!p0 [hbm:s0], s1  }
0x9a: {  	s0 =	simm.s32 @!p0 $0x3  }
0x9b: {  	_ =	swait.ge @!p0 [sflag:s0], s1  }
0x9c: {  	s1 =	ssub.s32 @!p0 $0x0, s1;
	[sflag:s0] =	ssyncset.done @!p0 $0x0  }
0x9d: {  	[sflag:s0] =	ssyncadd.s32 @!p0 s1  }
0x9e: {  	[bflag:$0x3] =	sbarrier.arrive $0xFFFF  }
0x9f: {  	_ =	shalt  }

// kernel: kernel.16.cloned.1.call-start
scs
__scs_entry_jumppad:
0x0: {  	(pc) =	sbr.rel $0x88, $3  }
0x1: {  	(tag) =	ssettag $0x0;
	lr =	simm.s32 $0x1  }
0x2: {  	[smem:$0x3F95] =	sst lr;
	_ =	strace $0xD0000000  }
0x3: {  	_ = 	snop  }
0x4: {  	_ = 	snop  }
0x5: {  	_ = 	snop  }
0x6: {  	_ = 	snop  }
0x7: {  	_ = 	snop  }
__scs_overlays_trampoline_lowered:
0x8: {  	[smem:$0x3FA4] =	sst s0  }
0x9: {  	[smem:$0x3FA5] =	sst s1  }
0xa: {  	[smem:$0x3FA6] =	sst s2  }
0xb: {  	[smem:$0x3FA7] =	sst s3  }
0xc: {  	[smem:$0x3FA8] =	sst s4  }
0xd: {  	[smem:$0x3FA9] =	sst s5  }
0xe: {  	[smem:$0x3FAA] =	sst s6  }
0xf: {  	[smem:$0x3FAB] =	sst s7  }
0x10: {  	[smem:$0x3FAC] =	sst s8  }
0x11: {  	[smem:$0x3FAD] =	sst s9;
	s0 =	simm.s32 @!p0 $0x0  }
0x12: {  	s1 =	sld [smem:$0x3F93];
	s0 =	simm.s32 @p0 $0x1  }
0x13: {  	[smem:$0x3FAE] =	sst s0;
	s0 =	simm.s32 @!p1 $0x0  }
0x14: {  	s2 =	sld [smem:$0x3F92];
	s0 =	simm.s32 @p1 $0x1  }
0x15: {  	[smem:$0x3FAF] =	sst s0;
	s0 =	simm.s32 @!p2 $0x0  }
0x16: {  	s3 =	sld [smem:$0x3FDB];
	s0 =	simm.s32 @p2 $0x1  }
0x17: {  	s4 =	simm.s32 $0x1BF5;
	[smem:$0x3FB1] =	sst s0  }
0x18: {  	s0 =	sld [smem:$0x3F94];
	_ =	swait.ge [sflag:s4], $0x0  }
0x19: {  	s7 =	sld [smem:$0x3F95]  }
0x1a: {  	s8 =	sadd.s32 $0xFFFFE003, lr  }
0x1b: {  	s9 =	sadd.s32 $0xFFFFFEF7, lr;
	s5 =	simm.s32 $0xFFFFFFFF;
	p2 =	slt.u32 s8, $0xFFFFF086  }
0x1c: {  	p1 =	slt.u32 s9, $0xF7A;
	s5 =	simm.s32 @!p2 $0x0  }
0x1d: {  	s5 =	simm.s32 @p1 $0x1;
	p0 =	seq.s32 s7, s2  }
0x1e: {  	s7 =	smul.u32 @!p0 $0xF7A, s2;
	p2 =	seq.s32 @!p0 s5, $0x0  }
0x1f: {  	s9 =	smul.u32 $0xF7A, s1;
	s8 =	simm.s32 @!p0 $0x1BF5;
	p2 =	por !p2, p0  }
0x20: {  	[sflag:s8] =	ssyncset.s32 @!p0 $0xFFFFF086;
	s6 =	sadd.s32 @!p0 s3, s7;
	s7 =	simm.s32 @!p0 $0x108  }
0x21: {  	s3 =	sadd.s32 s3, s9;
	s6 =	sadd.s32 @!p0 $0x88, s6;
	s7 =	simm.s32 @p2 $0x1082  }
0x22: {  	[simem:s7], [sflag:s8] =	dma.local @!p0 [hbm:s6], $0xF7A  }
0x23: {  	s9 =	sor.u32 $0xD0000000, s2;
	s6 =	simm.s32 $0x108;
	_ =	swait.ge @!p0 [sflag:s8], $0x0  }
0x24: {  	s3 =	sadd.s32 $0x88, s3;
	s6 =	simm.s32 @!p1 $0x1082;
	[sflag:s4] =	ssyncset.s32 $0xFFFFF086  }
0x25: {  	[simem:s6], [sflag:s4] =	dma.local [hbm:s3], $0xF7A  }
0x26: {  	[smem:$0x3F95] =	sst s1;
	(tag) =	ssettag s2;
	_ =	strace s9  }
0x27: {  	s1 =	sld [smem:$0x3FA5]  }
0x28: {  	s2 =	sld [smem:$0x3FA6]  }
0x29: {  	s4 =	sld [smem:$0x3FA8]  }
0x2a: {  	p0 =	seq.s32 s5, $0x0;
	s5 =	sld [smem:$0x3FA9]  }
0x2b: {  	s6 =	sld [smem:$0x3FAA]  }
0x2c: {  	s7 =	sld [smem:$0x3FAB]  }
0x2d: {  	s3 =	simm.s32 $0x108;
	s8 =	sld [smem:$0x3FAC]  }
0x2e: {  	s3 =	simm.s32 @!p0 $0x1082;
	s9 =	sld [smem:$0x3FAD]  }
0x2f: {  	lr =	sadd.s32 s0, s3;
	s0 =	sld [smem:$0x3FA4]  }
0x30: {  	s3 =	sld [smem:$0x3FA7]  }
0x31: {  	[smem:$0x3FB0] =	sst s10  }
0x32: {  	s10 =	sld [smem:$0x3FAE];
	_ =	sdelay $0x3  }
0x33: {  	p0 =	seq.s32 s10, $0x1;
	s10 =	sld [smem:$0x3FB0];
	_ =	sdelay $0x3  }
0x34: {  	[smem:$0x3FB0] =	sst s10  }
0x35: {  	s10 =	sld [smem:$0x3FAF];
	_ =	sdelay $0x3  }
0x36: {  	p1 =	seq.s32 s10, $0x1;
	s10 =	sld [smem:$0x3FB0];
	_ =	sdelay $0x3  }
0x37: {  	[smem:$0x3FB0] =	sst s10  }
0x38: {  	s10 =	sld [smem:$0x3FB1]  }
0x39: {  	_ = 	snop;
	(pc) =	sbr.ind lr, $3  }
0x3a: {  	_ = 	snop  }
0x3b: {  	_ = 	snop  }
0x3c: {  	p2 =	seq.s32 s10, $0x1;
	s10 =	sld [smem:$0x3FB0]  }
0x3d: {  	_ =	shalt  }
0x3e: {  	_ =	shalt  }
0x3f: {  	_ =	shalt  }
0x40: {  	_ =	shalt  }
0x41: {  	_ =	shalt  }
0x42: {  	_ =	shalt  }
0x43: {  	_ =	shalt  }
0x44: {  	_ =	shalt  }
0x45: {  	_ =	shalt  }
0x46: {  	_ =	shalt  }
0x47: {  	_ =	shalt  }
0x48: {  	_ =	shalt  }
0x49: {  	_ =	shalt  }
0x4a: {  	_ =	shalt  }
0x4b: {  	_ =	shalt  }
0x4c: {  	_ =	shalt  }
0x4d: {  	_ =	shalt  }
0x4e: {  	_ =	shalt  }
0x4f: {  	_ =	shalt  }
0x50: {  	_ =	shalt  }
0x51: {  	_ =	shalt  }
0x52: {  	_ =	shalt  }
0x53: {  	_ =	shalt  }
0x54: {  	_ =	shalt  }
0x55: {  	_ =	shalt  }
0x56: {  	_ =	shalt  }
0x57: {  	_ =	shalt  }
0x58: {  	_ =	shalt  }
0x59: {  	_ =	shalt  }
0x5a: {  	_ =	shalt  }
0x5b: {  	_ =	shalt  }
0x5c: {  	_ =	shalt  }
0x5d: {  	_ =	shalt  }
0x5e: {  	_ =	shalt  }
0x5f: {  	_ =	shalt  }
0x60: {  	_ =	shalt  }
0x61: {  	_ =	shalt  }
0x62: {  	_ =	shalt  }
0x63: {  	_ =	shalt  }
0x64: {  	_ =	shalt  }
0x65: {  	_ =	shalt  }
0x66: {  	_ =	shalt  }
0x67: {  	_ =	shalt  }
0x68: {  	_ =	shalt  }
0x69: {  	_ =	shalt  }
0x6a: {  	_ =	shalt  }
0x6b: {  	_ =	shalt  }
0x6c: {  	_ =	shalt  }
0x6d: {  	_ =	shalt  }
0x6e: {  	_ =	shalt  }
0x6f: {  	_ =	shalt  }
0x70: {  	_ =	shalt  }
0x71: {  	_ =	shalt  }
0x72: {  	_ =	shalt  }
0x73: {  	_ =	shalt  }
0x74: {  	_ =	shalt  }
0x75: {  	_ =	shalt  }
0x76: {  	_ =	shalt  }
0x77: {  	_ =	shalt  }
0x78: {  	_ =	shalt  }
0x79: {  	_ =	shalt  }
0x7a: {  	_ =	shalt  }
0x7b: {  	_ =	shalt  }
0x7c: {  	_ =	shalt  }
0x7d: {  	_ =	shalt  }
0x7e: {  	_ =	shalt  }
0x7f: {  	_ =	shalt  }
0x80: {  	_ =	shalt  }
0x81: {  	_ =	shalt  }
0x82: {  	_ =	shalt  }
0x83: {  	_ =	shalt  }
0x84: {  	_ =	shalt  }
0x85: {  	_ =	shalt  }
0x86: {  	_ =	shalt  }
0x87: {  	_ =	shalt  }
.Lfunc_end0:
.L_simem_size_0:
called_computation.2_lowered:
.L_overlay_start_0:
0x88: {  	s2 =	sld [smem:$0x3FD9]  }
0x89: {  	s3 =	sld [smem:$0x3FFE];
	_ =	sdelay $0x1  }
0x8a: {  	s1 =	srdreg.scid  }
0x8b: {  	s0 =	sand.u32 $0x1, s1  }
0x8c: {  	s17 =	sshll.u32 s0, $0xA;
	s2 =	sadd.s32 s3, s2  }
0x8d: {  	s2 =	sadd.s32 s2, s17  }
0x8e: {  	[smem:$0x3FBC] =	sst s2  }
0x8f: {  	_ = 	snop  }
0x90: {  	s2 =	sld [smem:$0x3FD0];
	(tm) =	ssettm $0x1  }
0x91: {  	s18 =	sld [smem:$0x3FFB];
	_ =	sdelay $0x3  }
0x92: {  	_ =	strace s18  }
0x93: {  	s3 =	sld [smem:$0x3FFC];
	_ =	sdelay $0x3  }
0x94: {  	_ =	strace s3  }
0x95: {  	s3 =	sld [smem:$0x3FFD];
	_ =	sdelay $0x3  }
0x96: {  	_ =	strace s3  }
0x97: {  	_ =	strace $0x8FFFFFFF  }
0x98: {  	s19 =	sld [smem:$0x3FDB];
	_ =	sdelay $0x1  }
0x99: {  	s4 =	simm.s32 $_scs_section_size  }
0x9a: {  	s5 =	simm.s32 $_size__tile_overlayer_lowered;
	s6 =	simm.s32 $_tile_overlayer_lowered  }
0x9b: {  	s22 =	simm.s32 $0x1BFF;
	s21 =	sshll.u32 s6, $0x1;
	s3 =	sadd.s32 s4, s19  }
0x9c: {  	s7 =	simm.s32 $0x0;
	s20 =	sshll.u32 s5, $0x1;
	s5 =	sadd.s32 s21, s3  }
0x9d: {  	[timem:s7], [sflag:s22] =	dma.local [hbm:s5], s20  }
0x9e: {  	_ =	swait.ge [sflag:s22], s20  }
0x9f: {  	s4 =	ssub.s32 $0x0, s20;
	[sflag:s22] =	ssyncset.done $0x0  }
0xa0: {  	[sflag:s22] =	ssyncadd.s32 s4;
	_ =	sdelay $0x1  }
0xa1: {  	s23 =	simm.s32 $0x1B8B  }
0xa2: {  	_ =	swait.ge [sflag:s23], $0x1  }
0xa3: {  	[sflag:s23] =	ssyncset.done $0x0  }
0xa4: {  	s25 =	simm.s32 $0x1B8E;
	s24 =	sld [smem:$0x3FFE];
	[sflag:s23] =	ssyncadd.s32 $0xFFFFFFFF  }
0xa5: {  	s26 =	simm.s32 $execute0_lowered;
	[smem:$0x3FD2] =	sst s25  }
0xa6: {  	s5 =	sshll.u32 s26, $0x1;
	_ =	strace $0x8000004C;
	[dreg:$0x1] =	wrdreg $0xFFFFFFFF  }
0xa7: {  	s28 =	simm.s32 $_size_execute0_lowered;
	s3 =	sadd.s32 s3, s5;
	[dreg:$0x0] =	wrdreg $0x0  }
0xa8: {  	s5 =	sshll.u32 s28, $0x1;
	[dreg:$0x2] =	wrdreg s3  }
0xa9: {  	[dreg:$0x3] =	wrdreg s5  }
0xaa: {  	[dreg:$0x4] =	wrdreg $0xC0  }
0xab: {  	_ =	task [dreg:s7], $0x5FFFF  }
0xac: {  	[dreg:$0x1] =	wrdreg $0xFFFFFFFF  }
0xad: {  	[dreg:$0x0] =	wrdreg $0x60  }
0xae: {  	[dreg:$0x2] =	wrdreg s24  }
0xaf: {  	[dreg:$0x3] =	wrdreg s2  }
0xb0: {  	[dreg:$0x4] =	wrdreg $0x66800  }
0xb1: {  	[dreg:$0x5] =	wrdreg $0x9  }
0xb2: {  	_ =	task.clear_ibuf [dreg:s7], $0x6FFFF;
	_ =	strace $0x9000004C  }
0xb3: {  	s29 =	simm.s32 $0x9;
	_ =	strace $0x8000004E  }
0xb4: {  	_ =	swait.ge [sflag:s29], $0x1  }
0xb5: {  	[sflag:s29] =	ssyncadd.s32 $0xFFFFFFFF  }
0xb6: {  	_ =	strace $0x9000004E  }
0xb7: {  	_ =	sfence  }
0xb8: {  	s30 =	sld [smem:$0x0];
	_ =	sdelay $0x2  }
0xb9: {  	s31 =	sshll.u32 s1, $0xD;
	s1 =	sshrl.u32 s1, $0x2  }
0xba: {  	s3 =	sand.u32 $0x4000, s31;
	s1 =	sadd.s32 s1, s30  }
0xbb: {  	s0 =	sor.u32 s3, s0;
	s1 =	sshll.u32 s1, $0x11  }
0xbc: {  	s0 =	sor.u32 s1, s0  }
0xbd: {  	s0 =	sadd.s32 $0x8F2B, s0  }
0xbe: {  	[sflag:s0] =	ssyncadd.remote.s32 $0x1  }
0xbf: {  	_ =	sfence.sel $0xFFFF  }
0xc0: {  	[dreg:$0x0] =	wrdreg $0xFFFFFFFF;
	(pc) =	sbr.abs _section_cstart, $3  }
0xc1: {  	[dreg:$0x1] =	wrdreg $0xFFFFFFFF  }
0xc2: {  	_ =	task.clear_ibuf [dreg:s7], $0x2FFFF;
	_ =	strace $0x9FFFFFFF  }
0xc3: {  	(tm) =	ssettm $0x7FFFFFFF  }
tec
execute0_lowered:
.L_overlay_start_1:
0x0: {  	(tag) =	ssettag $0x1  }
0x1: {  	s7 =	rddreg [dreg:$0x0]  }
0x2: {  	s2 =	rddreg [dreg:$0x1]  }
0x3: {  	s0 =	srdreg.scid;
	s3 =	rddreg [dreg:$0x2]  }
0x4: {  	s4 =	simm.s32 $0x0;
	s14 =	simm.s32 $0x7D;
	s15 =	simm.s32 $0x2800  }
0x5: {  	s16 =	simm.s32 $0x80;
	s17 =	simm.s32 $0x4740;
	s20 =	simm.s32 $0x1  }
0x6: {  	s21 =	simm.s32 $0x2;
	s22 =	simm.s32 $0x2700;
	s23 =	simm.s32 $0x2780  }
0x7: {  	s24 =	simm.s32 $0x0;
	s6 =	sand.u32 $0x1, s0;
	s0 =	stileid.u32  }
0x8: {  	[smem:$0x7FF] =	sst s4;
	s5 =	sadd.s32 $0x6FA00, s7;
	s9 =	smul.u32 $0x13880, s0  }
0x9: {  	s1 =	sshll.u32 s6, $0x4;
	s10 =	smul.u32 $0x138800, s6;
	s6 =	ssub.s32 $0x2, s6  }
0xa: {  	s18 =	sshll.u32 s0, $0x6;
	s1 =	sor.u32 s0, s1;
	s30 =	sshrl.u32 s6, $0x1  }
0xb: {  	s18 =	sor.u32 $0x1C03, s18;
	s8 =	smul.u32 $0x2800, s1;
	s1 =	rddreg [dreg:$0x3]  }
0xc: {  	_ =	strace $0x8000004D;
	s10 =	sadd.s32 s9, s10;
	s31 =	sshrl.u32 s9, $0x1  }
0xd: {  	s13 =	ssub.s32 s6, s30;
	s29 =	sshrl.u32 s10, $0x4;
	s19 =	sadd.s32 s31, s3  }
0xe: {  	s8 =	sshrl.u32 s8, $0x3;
	s12 =	sadd.s32 s29, s7;
	s19 =	sshrl.u32 s19, $0x3  }
0xf: {  	s11 =	sadd.s32 s8, s7;
	s10 =	sadd.s32 $0x83400, s12;
	s12 =	simm.s32 $0x3  }
0x10: {  	s6 =	sadd.s32 $0x3200, s11;
	s7 =	sadd.s32 $0xD200, s11;
	s8 =	sadd.s32 $0x3480, s11  }
0x11: {  	s9 =	sadd.s32 $0xD480, s11;
	s11 =	smax.u32 s13, $0x1;
	s13 =	simm.s32 $0x1400  }
.LBB2_1:
0x12: {  	[tilespmem:s4], [sflag:$0x3] =	stream.linear.gather [hbm4b:s6+s4], $0x1400, $0x38;
	[tilespmem:$0x102C0] =	vst v63  }
0x13: {  	_ =	swait.ge [sflag:s12], $0x1400  }
0x14: {  	[sflag:s12] =	ssyncset.done $0x0  }
0x15: {  	[sflag:s12] =	ssyncadd.s32 $0xFFFFEC00  }
0x16: {  	[tilespmem:s13], [sflag:$0x3] =	stream.linear.gather [hbm4b:s7+s4], $0x1400, $0x38;
	[tilespmem:$0x102C0] =	vst v63  }
0x17: {  	_ =	swait.ge [sflag:s12], $0x1400  }
0x18: {  	[sflag:s12] =	ssyncset.done $0x0  }
0x19: {  	[sflag:s12] =	ssyncadd.s32 $0xFFFFEC00  }
0x1a: {  	[tilespmem:s15], [sflag:$0x1] =	stream.indirect.gather [hbm4b:s5+s14], $0x40, s4, s14, $0xb8;
	[tilespmem:$0x102C0] =	vst v63  }
0x1b: {  	_ = 	snop  }
0x1c: {  	[tilespmem:s17], [sflag:$0x2] =	stream.indirect.gather [hbm4b:s5+s14], $0x40, s16, s14, $0xb8;
	[tilespmem:$0x102C0] =	vst v63  }
0x1d: {  	[spmem:s19], [sflag:s18] =	dma.local [hbm:s2], $0x1388  }
0x1e: {  	_ =	swait.ge [sflag:s12], $0x1388  }
0x1f: {  	[sflag:s12] =	ssyncset.done $0x0  }
0x20: {  	[sflag:s12] =	ssyncadd.s32 $0xFFFFEC78  }
0x21: {  	[bflag:$0x0] =	sbarrier.arrive $0xFFFF  }
0x22: {  	_ =	swait.ge [sflag:s20], $0x1F40  }
0x23: {  	[sflag:s20] =	ssyncset.done $0x0  }
0x24: {  	s25 =	simm.s32 $0x1400;
	[sflag:s20] =	ssyncadd.s32 $0xFFFFE0C0  }
0x25: {  	[spmem:s3] =	stream.indirect.scatter.add.bf16 [tilespmem:s15], [sflag:$0x3], $0x40, s25, s14, $0xb8;
	[tilespmem:$0x102C0] =	vst v63  }
0x26: {  	_ =	swait.ge [sflag:s12], $0x1F40  }
0x27: {  	[sflag:s12] =	ssyncset.done $0x0  }
0x28: {  	s30 =	simm.s32 $0x100;
	[sflag:s12] =	ssyncadd.s32 $0xFFFFE0C0  }
0x29: {  	[tilespmem:s15], [sflag:$0x1] =	stream.indirect.gather [hbm4b:s5+s14], $0x40, s30, s14, $0xb8;
	[tilespmem:$0x102C0] =	vst v63  }
0x2a: {  	_ =	swait.ge [sflag:s21], $0x1F40  }
0x2b: {  	[sflag:s21] =	ssyncset.done $0x0  }
0x2c: {  	s31 =	simm.s32 $0x1480;
	[sflag:s21] =	ssyncadd.s32 $0xFFFFE0C0  }
0x2d: {  	[spmem:s3] =	stream.indirect.scatter.add.bf16 [tilespmem:s17], [sflag:$0x3], $0x40, s31, s14, $0xb8;
	[tilespmem:$0x102C0] =	vst v63  }
0x2e: {  	_ =	swait.ge [sflag:s12], $0x1F40  }
0x2f: {  	[sflag:s12] =	ssyncset.done $0x0  }
0x30: {  	s26 =	simm.s32 $0x180;
	s25 =	simm.s32 $0x400;
	[sflag:s12] =	ssyncadd.s32 $0xFFFFE0C0  }
.LBB2_2:
0x31: {  	[tilespmem:s17], [sflag:$0x2] =	stream.indirect.gather [hbm4b:s5+s14], $0x40, s26, s14, $0xb8;
	[tilespmem:$0x102C0] =	vst v63  }
0x32: {  	s26 =	smov.u32 s25  }
0x33: {  	p0 =	sne.s32 s25, $0x4800;
	s25 =	sadd.s32 $0x400, s25;
	_ =	swait.ge [sflag:s20], $0x1F40  }
0x34: {  	s26 =	sshra.s32 s26, $0x2;
	[sflag:s20] =	ssyncset.done $0x0  }
0x35: {  	s28 =	sadd.s32 $0x1400, s26;
	[sflag:s20] =	ssyncadd.s32 $0xFFFFE0C0  }
0x36: {  	[spmem:s3] =	stream.indirect.scatter.add.bf16 [tilespmem:s15], [sflag:$0x3], $0x40, s28, s14, $0xb8;
	[tilespmem:$0x102C0] =	vst v63  }
0x37: {  	_ =	swait.ge [sflag:s12], $0x1F40  }
0x38: {  	[sflag:s12] =	ssyncset.done $0x0  }
0x39: {  	s28 =	sadd.s32 $0x100, s26;
	[sflag:s12] =	ssyncadd.s32 $0xFFFFE0C0  }
0x3a: {  	[tilespmem:s15], [sflag:$0x1] =	stream.indirect.gather [hbm4b:s5+s14], $0x40, s28, s14, $0xb8;
	[tilespmem:$0x102C0] =	vst v63  }
0x3b: {  	_ =	swait.ge [sflag:s21], $0x1F40  }
0x3c: {  	[sflag:s21] =	ssyncset.done $0x0  }
.Ltmp0:
0x3d: {  	s28 =	sadd.s32 $0x1480, s26;
	[sflag:s21] =	ssyncadd.s32 $0xFFFFE0C0;
	(pc) =	sbr.rel @p0 .LBB2_2-.Ltmp0, $4  }
0x3e: {  	[spmem:s3] =	stream.indirect.scatter.add.bf16 [tilespmem:s17], [sflag:$0x3], $0x40, s28, s14, $0xb8;
	[tilespmem:$0x102C0] =	vst v63  }
0x3f: {  	_ =	swait.ge [sflag:s12], $0x1F40  }
0x40: {  	[sflag:s12] =	ssyncset.done $0x0  }
0x41: {  	s26 =	sadd.s32 $0x180, s26;
	[sflag:s12] =	ssyncadd.s32 $0xFFFFE0C0  }
0x42: {  	[tilespmem:s17], [sflag:$0x2] =	stream.indirect.gather [hbm4b:s5+s14], $0x40, s26, s14, $0xb8;
	[tilespmem:$0x102C0] =	vst v63  }
0x43: {  	_ =	swait.ge [sflag:s20], $0x1F40  }
0x44: {  	[sflag:s20] =	ssyncset.done $0x0  }
0x45: {  	[sflag:s20] =	ssyncadd.s32 $0xFFFFE0C0  }
0x46: {  	[spmem:s3] =	stream.indirect.scatter.add.bf16 [tilespmem:s15], [sflag:$0x3], $0x40, s22, s14, $0xb8;
	[tilespmem:$0x102C0] =	vst v63  }
0x47: {  	_ =	swait.ge [sflag:s12], $0x1F40  }
0x48: {  	[sflag:s12] =	ssyncset.done $0x0  }
0x49: {  	[sflag:s12] =	ssyncadd.s32 $0xFFFFE0C0  }
0x4a: {  	_ =	swait.ge [sflag:s21], $0x1F40  }
0x4b: {  	[sflag:s21] =	ssyncset.done $0x0  }
0x4c: {  	[sflag:s21] =	ssyncadd.s32 $0xFFFFE0C0  }
0x4d: {  	[spmem:s3] =	stream.indirect.scatter.add.bf16 [tilespmem:s17], [sflag:$0x3], $0x40, s23, s14, $0xb8;
	[tilespmem:$0x102C0] =	vst v63  }
0x4e: {  	_ =	swait.ge [sflag:s12], $0x1F40  }
0x4f: {  	[sflag:s12] =	ssyncset.done $0x0  }
0x50: {  	s25 =	simm.s32 $0x0;
	[sflag:s12] =	ssyncadd.s32 $0xFFFFE0C0  }
0x51: {  	[tilespmem:s25], [sflag:$0x3] =	stream.linear.gather [hbm4b:s8+s25], $0x1400, $0x38;
	[tilespmem:$0x102C0] =	vst v63  }
0x52: {  	_ =	swait.ge [sflag:s12], $0x1400  }
0x53: {  	[sflag:s12] =	ssyncset.done $0x0  }
0x54: {  	[sflag:s12] =	ssyncadd.s32 $0xFFFFEC00  }
0x55: {  	[tilespmem:s13], [sflag:$0x3] =	stream.linear.gather [hbm4b:s9+s25], $0x1400, $0x38;
	[tilespmem:$0x102C0] =	vst v63  }
0x56: {  	_ =	swait.ge [sflag:s12], $0x1400  }
0x57: {  	[sflag:s12] =	ssyncset.done $0x0  }
0x58: {  	[sflag:s12] =	ssyncadd.s32 $0xFFFFEC00  }
0x59: {  	[tilespmem:s15], [sflag:$0x1] =	stream.indirect.gather [hbm4b:s5+s14], $0x40, s25, s14, $0xb8;
	[tilespmem:$0x102C0] =	vst v63  }
0x5a: {  	_ = 	snop  }
0x5b: {  	[tilespmem:s17], [sflag:$0x2] =	stream.indirect.gather [hbm4b:s5+s14], $0x40, s16, s14, $0xb8;
	[tilespmem:$0x102C0] =	vst v63  }
0x5c: {  	_ =	swait.ge [sflag:s20], $0x1F40  }
0x5d: {  	[sflag:s20] =	ssyncset.done $0x0  }
0x5e: {  	s29 =	simm.s32 $0x1400;
	[sflag:s20] =	ssyncadd.s32 $0xFFFFE0C0  }
0x5f: {  	[spmem:s3] =	stream.indirect.scatter.add.bf16 [tilespmem:s15], [sflag:$0x3], $0x40, s29, s14, $0xb8;
	[tilespmem:$0x102C0] =	vst v63  }
0x60: {  	_ =	swait.ge [sflag:s12], $0x1F40  }
0x61: {  	[sflag:s12] =	ssyncset.done $0x0  }
0x62: {  	s30 =	simm.s32 $0x100;
	[sflag:s12] =	ssyncadd.s32 $0xFFFFE0C0  }
0x63: {  	[tilespmem:s15], [sflag:$0x1] =	stream.indirect.gather [hbm4b:s5+s14], $0x40, s30, s14, $0xb8;
	[tilespmem:$0x102C0] =	vst v63  }
0x64: {  	_ =	swait.ge [sflag:s21], $0x1F40  }
0x65: {  	[sflag:s21] =	ssyncset.done $0x0  }
0x66: {  	s31 =	simm.s32 $0x1480;
	[sflag:s21] =	ssyncadd.s32 $0xFFFFE0C0  }
0x67: {  	[spmem:s3] =	stream.indirect.scatter.add.bf16 [tilespmem:s17], [sflag:$0x3], $0x40, s31, s14, $0xb8;
	[tilespmem:$0x102C0] =	vst v63  }
0x68: {  	_ =	swait.ge [sflag:s12], $0x1F40  }
0x69: {  	[sflag:s12] =	ssyncset.done $0x0  }
0x6a: {  	s26 =	simm.s32 $0x180;
	s25 =	simm.s32 $0x400;
	[sflag:s12] =	ssyncadd.s32 $0xFFFFE0C0  }
.LBB2_4:
0x6b: {  	[tilespmem:s17], [sflag:$0x2] =	stream.indirect.gather [hbm4b:s5+s14], $0x40, s26, s14, $0xb8;
	[tilespmem:$0x102C0] =	vst v63  }
0x6c: {  	s26 =	smov.u32 s25  }
0x6d: {  	p0 =	sne.s32 s25, $0x4800;
	s25 =	sadd.s32 $0x400, s25;
	_ =	swait.ge [sflag:s20], $0x1F40  }
0x6e: {  	s26 =	sshra.s32 s26, $0x2;
	[sflag:s20] =	ssyncset.done $0x0  }
0x6f: {  	s28 =	sadd.s32 $0x1400, s26;
	[sflag:s20] =	ssyncadd.s32 $0xFFFFE0C0  }
0x70: {  	[spmem:s3] =	stream.indirect.scatter.add.bf16 [tilespmem:s15], [sflag:$0x3], $0x40, s28, s14, $0xb8;
	[tilespmem:$0x102C0] =	vst v63  }
0x71: {  	_ =	swait.ge [sflag:s12], $0x1F40  }
0x72: {  	[sflag:s12] =	ssyncset.done $0x0  }
0x73: {  	s28 =	sadd.s32 $0x100, s26;
	[sflag:s12] =	ssyncadd.s32 $0xFFFFE0C0  }
0x74: {  	[tilespmem:s15], [sflag:$0x1] =	stream.indirect.gather [hbm4b:s5+s14], $0x40, s28, s14, $0xb8;
	[tilespmem:$0x102C0] =	vst v63  }
0x75: {  	_ =	swait.ge [sflag:s21], $0x1F40  }
0x76: {  	[sflag:s21] =	ssyncset.done $0x0  }
.Ltmp1:
0x77: {  	s28 =	sadd.s32 $0x1480, s26;
	[sflag:s21] =	ssyncadd.s32 $0xFFFFE0C0;
	(pc) =	sbr.rel @p0 .LBB2_4-.Ltmp1, $4  }
0x78: {  	[spmem:s3] =	stream.indirect.scatter.add.bf16 [tilespmem:s17], [sflag:$0x3], $0x40, s28, s14, $0xb8;
	[tilespmem:$0x102C0] =	vst v63  }
0x79: {  	_ =	swait.ge [sflag:s12], $0x1F40  }
0x7a: {  	[sflag:s12] =	ssyncset.done $0x0  }
0x7b: {  	s26 =	sadd.s32 $0x180, s26;
	[sflag:s12] =	ssyncadd.s32 $0xFFFFE0C0  }
0x7c: {  	[tilespmem:s17], [sflag:$0x2] =	stream.indirect.gather [hbm4b:s5+s14], $0x40, s26, s14, $0xb8;
	[tilespmem:$0x102C0] =	vst v63  }
0x7d: {  	_ =	swait.ge [sflag:s20], $0x1F40  }
0x7e: {  	[sflag:s20] =	ssyncset.done $0x0  }
0x7f: {  	[sflag:s20] =	ssyncadd.s32 $0xFFFFE0C0  }
0x80: {  	[spmem:s3] =	stream.indirect.scatter.add.bf16 [tilespmem:s15], [sflag:$0x3], $0x40, s22, s14, $0xb8;
	[tilespmem:$0x102C0] =	vst v63  }
0x81: {  	_ =	swait.ge [sflag:s12], $0x1F40  }
0x82: {  	[sflag:s12] =	ssyncset.done $0x0  }
0x83: {  	[sflag:s12] =	ssyncadd.s32 $0xFFFFE0C0  }
0x84: {  	_ =	swait.ge [sflag:s21], $0x1F40  }
0x85: {  	[sflag:s21] =	ssyncset.done $0x0  }
0x86: {  	[sflag:s21] =	ssyncadd.s32 $0xFFFFE0C0  }
0x87: {  	[spmem:s3] =	stream.indirect.scatter.add.bf16 [tilespmem:s17], [sflag:$0x3], $0x40, s23, s14, $0xb8;
	[tilespmem:$0x102C0] =	vst v63  }
0x88: {  	_ =	swait.ge [sflag:s12], $0x1F40  }
0x89: {  	s24 =	sadd.s32 $0x1, s24;
	[sflag:s12] =	ssyncset.done $0x0  }
0x8a: {  	p0 =	sne.s32 s24, s11;
	[sflag:s12] =	ssyncadd.s32 $0xFFFFE0C0  }
.Ltmp2:
0x8b: {  	[bflag:$0x0] =	sbarrier.arrive $0xFFFF;
	(pc) =	sbr.rel @p0 .LBB2_1-.Ltmp2, $4  }
0x8c: {  	[hbm:s10], [sflag:s18] =	dma.local [spmem:s19], $0x1388  }
0x8d: {  	_ =	swait.ge [sflag:s12], $0x1388  }
0x8e: {  	[sflag:s12] =	ssyncset.done $0x0  }
0x8f: {  	[sflag:s12] =	ssyncadd.s32 $0xFFFFEC78  }
0x90: {  	_ =	sfence.sel $0x180000  }
0x91: {  	[bflag:$0x0] =	sbarrier.arrive $0xFFFF  }
0x92: {  	p0 =	sne.s32 s0, $0x0;
	_ =	strace $0x9000004D  }
0x93: {  	s0 =	sadd.s32 @!p0 $0x100000, s1;
	[bflag:$0x2] =	sbarrier.arrive $0xFFFF  }
0x94: {  	[sflag:s0] =	ssyncadd.tile.s32 @!p0 $0x1;
	_ =	shalt  }
.Lfunc_end2:
_tile_overlayer_lowered:
.L_overlay_start_2:
0x95: {  	(tag) =	ssettag $0x2  }
0x96: {  	s0 =	rddreg [dreg:$0x0];
	s2 =	stileid.u32  }
0x97: {  	s1 =	rddreg [dreg:$0x1];
	p0 =	sne.s32 s2, $0x0  }
0x98: {  	s3 =	rddreg [dreg:$0x2];
	[bflag:$0x3] =	sbarrier.arrive $0xFFFF;
	s2 =	simm.s32 @!p0 $0x1C03  }
0x99: {  	[timem:s3], [sflag:s2] =	dma.local @!p0 [hbm:s0], s1  }
0x9a: {  	s0 =	simm.s32 @!p0 $0x3  }
0x9b: {  	_ =	swait.ge @!p0 [sflag:s0], s1  }
0x9c: {  	s1 =	ssub.s32 @!p0 $0x0, s1;
	[sflag:s0] =	ssyncset.done @!p0 $0x0  }
0x9d: {  	[sflag:s0] =	ssyncadd.s32 @!p0 s1  }
0x9e: {  	[bflag:$0x3] =	sbarrier.arrive $0xFFFF  }
0x9f: {  	_ =	shalt  }

</sc_bundles>
